<compile_context>
chip_gen: v7x
topology: tpu7x:2x2x1
jax: 0.10.2.dev20260603
libtpu: 0.0.44.dev20260713+nightly
codegen_flags: <defaults>
</compile_context>

<pallas_src>
import dataclasses
import functools

import jax
import jax.numpy as jnp
from jax import lax
from jax.experimental import pallas as pl
from jax.experimental.pallas import tpu as pltpu
from jax.experimental.pallas import tpu_sc as plsc

N = 10000
E = 320000
D = 128
NC = 2
NS = 16
EC = E // NC
EW = EC // NS
W = 128
CH = 8
NCH = 10
NWIN = NCH * CH
EWP = NWIN * W
ELAST = E - (NC * NS - 1) * EWP
EP = NC * NS * EWP
NDUM = 1024
NACC = N + NDUM
ZCH = 696
RCH = 640
NP = NS * RCH

_mesh = plsc.VectorSubcoreMesh(core_axis_name="c", subcore_axis_name="s")

_sc_params = pltpu.CompilerParams()
if "needs_layout_passes" in pltpu.CompilerParams.__dataclass_fields__:
    _sc_params = dataclasses.replace(_sc_params, needs_layout_passes=False)


def _degrees(ei):
    @functools.partial(
        pl.kernel,
        out_type=(
            jax.ShapeDtypeStruct((NC, 2, NP), jnp.float32),
            jax.ShapeDtypeStruct((NC * NS * EWP,), jnp.int32),
            jax.ShapeDtypeStruct((NC * NS * EWP,), jnp.int32),
        ),
        mesh=_mesh,
        compiler_params=_sc_params,
        scratch_types=[
            pltpu.VMEM_SHARED((2, NS, NP), jnp.float32),
            pltpu.VMEM((NP,), jnp.float32),
            pltpu.VMEM((NP,), jnp.float32),
            pltpu.VMEM((2, EWP), jnp.int32),
            pltpu.VMEM((EWP - ELAST,), jnp.int32),
            pltpu.VMEM((NS, RCH), jnp.float32),
            pltpu.VMEM((RCH,), jnp.float32),
        ],
    )
    def k(ei_hbm, deg_hbm, src4_hbm, dst4_hbm,
          stage_sh, hs, hd, ebuf, pbuf, red, outv):
        c = lax.axis_index("c")
        s = lax.axis_index("s")
        wid = c * NS + s
        last = wid == NC * NS - 1
        ones = jnp.ones((16,), jnp.float32)
        zeros = jnp.zeros((16,), jnp.float32)

        @pl.loop(0, NP, step=16)
        def _(i):
            hs[pl.ds(i, 16)] = zeros
            hd[pl.ds(i, 16)] = zeros

        base = wid * EWP

        @pl.when(jnp.logical_not(last))
        def _():
            pltpu.sync_copy(ei_hbm.at[pl.ds(0, 2), pl.ds(base, EWP)], ebuf)

        @pl.when(last)
        def _():
            pltpu.sync_copy(ei_hbm.at[pl.ds(0, 2), pl.ds(base, ELAST)],
                            ebuf.at[pl.ds(0, 2), pl.ds(0, ELAST)])

        cnt = jnp.where(last, ELAST, EWP)

        @pl.loop(0, cnt, step=16)
        def _(e):
            plsc.addupdate_scatter(hs, [ebuf[0, pl.ds(e, 16)]], ones)
            plsc.addupdate_scatter(hd, [ebuf[1, pl.ds(e, 16)]], ones)

        @pl.when(jnp.logical_not(last))
        def _():
            pltpu.sync_copy(ebuf.at[0], src4_hbm.at[pl.ds(base, EWP)])
            pltpu.sync_copy(ebuf.at[1], dst4_hbm.at[pl.ds(base, EWP)])

        @pl.when(last)
        def _():
            pltpu.sync_copy(ebuf.at[0, pl.ds(0, ELAST)],
                            src4_hbm.at[pl.ds(base, ELAST)])
            pltpu.sync_copy(ebuf.at[1, pl.ds(0, ELAST)],
                            dst4_hbm.at[pl.ds(base, ELAST)])

            @pl.loop(0, EWP - ELAST, step=16)
            def _(i):
                pbuf[pl.ds(i, 16)] = lax.iota(jnp.int32, 16) + i

            pltpu.sync_copy(pbuf, src4_hbm.at[pl.ds(base + ELAST, EWP - ELAST)])

            @pl.loop(0, EWP - ELAST, step=16)
            def _(i):
                v = lax.iota(jnp.int32, 16) + i
                pbuf[pl.ds(i, 16)] = jnp.bitwise_and(v, NDUM - 1) + N

            pltpu.sync_copy(pbuf, dst4_hbm.at[pl.ds(base + ELAST, EWP - ELAST)])

        pltpu.sync_copy(hs, stage_sh.at[0, s])
        pltpu.sync_copy(hd, stage_sh.at[1, s])
        plsc.subcore_barrier()

        el0 = s * RCH
        for which in range(2):
            pltpu.sync_copy(stage_sh.at[which, :, pl.ds(el0, RCH)], red)

            @pl.loop(0, RCH, step=16)
            def _(i):
                acc = red[0, pl.ds(i, 16)]
                for t in range(1, NS):
                    acc = acc + red[t, pl.ds(i, 16)]
                outv[pl.ds(i, 16)] = acc

            pltpu.sync_copy(outv, deg_hbm.at[c, which, pl.ds(el0, RCH)])

    return k(ei)


def _edge_pass(h, src4, dst4):
    @functools.partial(
        pl.kernel,
        out_type=jax.ShapeDtypeStruct((NC, N, D), jnp.float32),
        mesh=_mesh,
        scratch_types=[
            pltpu.VMEM_SHARED((NACC, D), jnp.float32),
            pltpu.VMEM((2, CH, W), jnp.int32),
            pltpu.VMEM((2, CH, W), jnp.int32),
            pltpu.VMEM((W, D), jnp.float32),
            pltpu.VMEM((W, D), jnp.float32),
            pltpu.SemaphoreType.DMA,
            pltpu.SemaphoreType.DMA,
            pltpu.SemaphoreType.DMA,
        ],
    )
    def k(h_hbm, src_hbm, dst_hbm, out_hbm, acc_sh, sidxb, didxb,
          rows0, rows1, semi, sem0, sem1):
        c = lax.axis_index("c")
        s = lax.axis_index("s")
        wid = c * NS + s

        pltpu.async_copy(src_hbm.at[wid, 0], sidxb.at[0], semi)
        pltpu.async_copy(dst_hbm.at[wid, 0], didxb.at[0], semi)

        zeros = jnp.zeros((16,), jnp.float32)

        @pl.loop(0, W)
        def _(r):
            @pl.loop(0, D, step=16)
            def _(col):
                rows0[r, pl.ds(col, 16)] = zeros

        row0z = jnp.minimum(s * ZCH, NACC - 6 * W)
        for j in range(6):
            pltpu.sync_copy(rows0, acc_sh.at[pl.ds(row0z + j * W, W)])

        pltpu.make_async_copy(src_hbm.at[wid, 0], sidxb.at[0], semi).wait()
        pltpu.make_async_copy(dst_hbm.at[wid, 0], didxb.at[0], semi).wait()
        plsc.subcore_barrier()

        pltpu.async_copy(src_hbm.at[wid, 1], sidxb.at[1], semi)
        pltpu.async_copy(dst_hbm.at[wid, 1], didxb.at[1], semi)
        pltpu.async_copy(h_hbm.at[sidxb.at[0, 0]], rows0, sem0)
        pltpu.async_copy(h_hbm.at[sidxb.at[0, 1]], rows1, sem1)

        @pl.loop(0, NCH)
        def _(ci):
            b = ci % 2
            nb = 1 - b
            for wl in range(CH):
                rbuf = rows0 if wl % 2 == 0 else rows1
                sem = sem0 if wl % 2 == 0 else sem1
                pltpu.make_async_copy(h_hbm.at[sidxb.at[b, wl]], rbuf, sem).wait()
                pltpu.sync_copy(rbuf, acc_sh.at[didxb.at[b, wl]], add=True)
                if wl < CH - 2:
                    pltpu.async_copy(h_hbm.at[sidxb.at[b, wl + 2]], rbuf, sem)
                elif wl == CH - 2:
                    @pl.when(ci < NCH - 1)
                    def _():
                        pltpu.make_async_copy(
                            src_hbm.at[wid, 0], sidxb.at[0], semi).wait()
                        pltpu.make_async_copy(
                            dst_hbm.at[wid, 0], didxb.at[0], semi).wait()
                        pltpu.async_copy(h_hbm.at[sidxb.at[nb, 0]], rbuf, sem)
                else:
                    @pl.when(ci < NCH - 1)
                    def _():
                        pltpu.async_copy(h_hbm.at[sidxb.at[nb, 1]], rbuf, sem)

                    @pl.when(ci < NCH - 2)
                    def _():
                        pltpu.async_copy(src_hbm.at[wid, ci + 2], sidxb.at[b], semi)
                        pltpu.async_copy(dst_hbm.at[wid, ci + 2], didxb.at[b], semi)

        plsc.subcore_barrier()
        row0o = jnp.minimum(s * RCH, N - RCH)
        pltpu.sync_copy(acc_sh.at[pl.ds(row0o, RCH)], out_hbm.at[c, pl.ds(row0o, RCH)])

    return k(h, src4, dst4)


_R = 2000


def _prep(features, ns):
    def body(f_ref, ns_ref, h1n_ref):
        h1n_ref[...] = f_ref[...] * ns_ref[...]

    return pl.pallas_call(
        body,
        grid=(N // _R,),
        in_specs=[
            pl.BlockSpec((_R, D), lambda i: (i, 0)),
            pl.BlockSpec((_R, 1), lambda i: (i, 0)),
        ],
        out_specs=pl.BlockSpec((_R, D), lambda i: (i, 0)),
        out_shape=jax.ShapeDtypeStruct((N, D), jnp.float32),
    )(features, ns)


def _dense(p, nd, Wm, b, ns=None, relu=False):
    def body(*refs):
        if ns is not None:
            p_ref, nd_ref, w_ref, b_ref, ns_ref, o_ref = refs
        else:
            p_ref, nd_ref, w_ref, b_ref, o_ref = refs
        agg = (p_ref[0] + p_ref[1]) * nd_ref[...]
        h = jnp.dot(agg, w_ref[...], preferred_element_type=jnp.float32)
        h = h + b_ref[...]
        if relu:
            h = jnp.maximum(h, 0.0)
        if ns is not None:
            h = h * ns_ref[...]
        o_ref[...] = h

    in_specs = [
        pl.BlockSpec((NC, _R, D), lambda i: (0, i, 0)),
        pl.BlockSpec((_R, 1), lambda i: (i, 0)),
        pl.BlockSpec((D, D), lambda i: (0, 0)),
        pl.BlockSpec((1, D), lambda i: (0, 0)),
    ]
    args = [p, nd, Wm, b.reshape(1, D)]
    if ns is not None:
        in_specs.append(pl.BlockSpec((_R, 1), lambda i: (i, 0)))
        args.append(ns)

    return pl.pallas_call(
        body,
        grid=(N // _R,),
        in_specs=in_specs,
        out_specs=pl.BlockSpec((_R, D), lambda i: (i, 0)),
        out_shape=jax.ShapeDtypeStruct((N, D), jnp.float32),
    )(*args)


def kernel(features, edge_index, W1, b1, W2, b2):
    ei = edge_index.astype(jnp.int32)
    degp, src4, dst4 = _degrees(ei)
    src4 = src4.reshape(NC * NS, NCH, CH, W)
    dst4 = dst4.reshape(NC * NS, NCH, CH, W)
    dsrc = (degp[0, 0, :N] + degp[1, 0, :N])[:, None]
    ddst = (degp[0, 1, :N] + degp[1, 1, :N])[:, None]
    ns = jnp.where(dsrc > 0, jax.lax.rsqrt(jnp.maximum(dsrc, 1.0)), 0.0)
    nd = jnp.where(ddst > 0, jax.lax.rsqrt(jnp.maximum(ddst, 1.0)), 0.0)
    h1n = _prep(features, ns)
    p1 = _edge_pass(h1n, src4, dst4)
    h2n = _dense(p1, nd, W1, b1, ns=ns, relu=True)
    p2 = _edge_pass(h2n, src4, dst4)
    return _dense(p2, nd, W2, b2)

# --- scband reference (transcript-rebuilt; emitter-appended) ---
"""Pipeline reference for scband-gcn-22849226015225 (READ-ONLY COPY).

The authoritative reference and input builder live on the scoring server;
editing this copy changes nothing except your own understanding.
"""

import jax, jax.numpy as jnp
import numpy as np

N = 10000
E = 320000
D_IN = 128
D_HID = 128
D_OUT = 128


def setup_inputs(seed: int = 0) -> dict:
    key = jax.random.key(seed)
    ks = jax.random.split(key, 6)
    features = jax.random.normal(ks[0], (N, D_IN), dtype=jnp.float32)
    edge_index = jax.random.randint(ks[1], (2, E), 0, N, dtype=jnp.int32).astype(jnp.int64)
    # GraphConv weights (glorot-like init)
    W1 = jax.random.normal(ks[2], (D_IN, D_HID), dtype=jnp.float32) * (1.0 / np.sqrt(D_IN))
    b1 = jnp.zeros((D_HID,), dtype=jnp.float32)
    W2 = jax.random.normal(ks[3], (D_HID, D_OUT), dtype=jnp.float32) * (1.0 / np.sqrt(D_HID))
    b2 = jnp.zeros((D_OUT,), dtype=jnp.float32)
    return {"features": features, "edge_index": edge_index, "W1": W1, "b1": b1, "W2": W2, "b2": b2}


def reference(features, edge_index, W1, b1, W2, b2):
    # DGL GraphConv with norm='both':
    #   h' = D_dst^{-1/2} * A * (D_src^{-1/2} * h) @ W + b
    src = edge_index[0]
    dst = edge_index[1]
    ones = jnp.ones((E,), dtype=jnp.float32)
    deg_out = jax.ops.segment_sum(ones, src, num_segments=N)
    deg_in = jax.ops.segment_sum(ones, dst, num_segments=N)
    norm_src = jnp.where(deg_out > 0, jax.lax.rsqrt(jnp.maximum(deg_out, 1.0)), 0.0)
    norm_dst = jnp.where(deg_in > 0, jax.lax.rsqrt(jnp.maximum(deg_in, 1.0)), 0.0)

    def conv(h, W, b):
        h_norm = h * norm_src[:, None]
        msgs = jnp.take(h_norm, src, axis=0)            # gather (SparseCore)
        agg = jax.ops.segment_sum(msgs, dst, num_segments=N)  # scatter-add
        agg = agg * norm_dst[:, None]
        return agg @ W + b

    h = jax.nn.relu(conv(features, W1, b1))
    # dropout(p=0.5) is identity in eval mode
    h = conv(h, W2, b2)
    return h

if __name__ == "__main__":
    import jax
    _d = setup_inputs()
    print(jax.jit(kernel)(*tuple(_d.values())))

</pallas_src>

<mosaic_0001>
#map = affine_map<(d0, d1) -> (0, 0)>
#map1 = affine_map<(d0, d1) -> (0, 0, 0, 0)>
#map2 = affine_map<(d0, d1) -> (0, 0, 0)>
module attributes {stable_mosaic.version = 14 : i64} {
  func.func @k(%arg0: i32, %arg1: i32, %arg2: memref<10000x128xf32, #tpu.memory_space<hbm>>, %arg3: memref<32x10x8x128xi32, #tpu.memory_space<hbm>>, %arg4: memref<32x10x8x128xi32, #tpu.memory_space<hbm>>, %arg5: memref<2x10000x128xf32, #tpu.memory_space<hbm>>, %arg6: memref<11024x128xf32, #tpu.memory_space<vmem_shared>>, %arg7: memref<2x8x128xi32, #tpu.memory_space<vmem>>, %arg8: memref<2x8x128xi32, #tpu.memory_space<vmem>>, %arg9: memref<128x128xf32, #tpu.memory_space<vmem>>, %arg10: memref<128x128xf32, #tpu.memory_space<vmem>>, %arg11: memref<!tpu.dma_semaphore, #tpu.memory_space<semaphore_mem>>, %arg12: memref<!tpu.dma_semaphore, #tpu.memory_space<semaphore_mem>>, %arg13: memref<!tpu.dma_semaphore, #tpu.memory_space<semaphore_mem>>) attributes {dimension_semantics = [#tpu.dimension_semantics<core_parallel>, #tpu.dimension_semantics<subcore_parallel>], iteration_bounds = array<i64: 2, 16>, scalar_prefetch = 0 : i64, scratch_operands = 8 : i64, tpu.core_type = #tpu.core_type<sc_vector_subcore>, window_params = [{transform_indices = #map}, {transform_indices = #map1}, {transform_indices = #map1}, {transform_indices = #map2}]} {
    %mul3A = arith.constant 16 : i32
    %mul3A_0 = arith.muli %arg0, %mul3A : i32
    %add3A = arith.addi %mul3A_0, %arg1 : i32
    %dma_start3A = arith.constant 0 : i32
    %dma_start3A_1 = arith.constant 0 : i32
    %dma_start3A_2 = arith.constant 0 : i32
    %dma_start3A_3 = arith.constant 0 : i32
    %dma_start3A_4 = tpu.memref_slice %arg7[%dma_start3A_1, %dma_start3A_2, %dma_start3A_3] : memref<2x8x128xi32, #tpu.memory_space<vmem>> -> memref<1x8x128xi32, #tpu.memory_space<vmem>>
    %dma_start3A_5 = tpu.memref_squeeze %dma_start3A_4 : memref<1x8x128xi32, #tpu.memory_space<vmem>> -> memref<8x128xi32, #tpu.memory_space<vmem>>
    %dma_start3A_6 = arith.constant 0 : i32
    %dma_start3A_7 = arith.constant 0 : i32
    %dma_start3A_8 = tpu.memref_slice %arg3[%add3A, %dma_start3A, %dma_start3A_6, %dma_start3A_7] : memref<32x10x8x128xi32, #tpu.memory_space<hbm>> -> memref<1x1x8x128xi32, #tpu.memory_space<hbm>>
    %dma_start3A_9 = tpu.memref_squeeze %dma_start3A_8 : memref<1x1x8x128xi32, #tpu.memory_space<hbm>> -> memref<8x128xi32, #tpu.memory_space<hbm>>
    %dma_start3A_10 = arith.constant 0 : i32
    %dma_start3A_11 = arith.constant 0 : i32
    %dma_start3A_12 = tpu.memref_slice %arg7[%dma_start3A_1, %dma_start3A_10, %dma_start3A_11] : memref<2x8x128xi32, #tpu.memory_space<vmem>> -> memref<1x8x128xi32, #tpu.memory_space<vmem>>
    %dma_start3A_13 = tpu.memref_squeeze %dma_start3A_12 : memref<1x8x128xi32, #tpu.memory_space<vmem>> -> memref<8x128xi32, #tpu.memory_space<vmem>>
    %dma_start3A_14 = arith.constant 0 : i32
    %dma_start3A_15 = arith.constant 0 : i32
    %dma_start3A_16 = tpu.memref_slice %arg3[%add3A, %dma_start3A, %dma_start3A_14, %dma_start3A_15] : memref<32x10x8x128xi32, #tpu.memory_space<hbm>> -> memref<1x1x8x128xi32, #tpu.memory_space<hbm>>
    %dma_start3A_17 = tpu.memref_squeeze %dma_start3A_16 : memref<1x1x8x128xi32, #tpu.memory_space<hbm>> -> memref<8x128xi32, #tpu.memory_space<hbm>>
    tpu.enqueue_dma source(%dma_start3A_17 : memref<8x128xi32, #tpu.memory_space<hbm>>) target(%dma_start3A_13 : memref<8x128xi32, #tpu.memory_space<vmem>>) target_semaphore(%arg11 : memref<!tpu.dma_semaphore, #tpu.memory_space<semaphore_mem>>)
    %dma_start3A_18 = arith.constant 0 : i32
    %dma_start3A_19 = arith.constant 0 : i32
    %dma_start3A_20 = arith.constant 0 : i32
    %dma_start3A_21 = arith.constant 0 : i32
    %dma_start3A_22 = tpu.memref_slice %arg8[%dma_start3A_19, %dma_start3A_20, %dma_start3A_21] : memref<2x8x128xi32, #tpu.memory_space<vmem>> -> memref<1x8x128xi32, #tpu.memory_space<vmem>>
    %dma_start3A_23 = tpu.memref_squeeze %dma_start3A_22 : memref<1x8x128xi32, #tpu.memory_space<vmem>> -> memref<8x128xi32, #tpu.memory_space<vmem>>
    %dma_start3A_24 = arith.constant 0 : i32
    %dma_start3A_25 = arith.constant 0 : i32
    %dma_start3A_26 = tpu.memref_slice %arg4[%add3A, %dma_start3A_18, %dma_start3A_24, %dma_start3A_25] : memref<32x10x8x128xi32, #tpu.memory_space<hbm>> -> memref<1x1x8x128xi32, #tpu.memory_space<hbm>>
    %dma_start3A_27 = tpu.memref_squeeze %dma_start3A_26 : memref<1x1x8x128xi32, #tpu.memory_space<hbm>> -> memref<8x128xi32, #tpu.memory_space<hbm>>
    %dma_start3A_28 = arith.constant 0 : i32
    %dma_start3A_29 = arith.constant 0 : i32
    %dma_start3A_30 = tpu.memref_slice %arg8[%dma_start3A_19, %dma_start3A_28, %dma_start3A_29] : memref<2x8x128xi32, #tpu.memory_space<vmem>> -> memref<1x8x128xi32, #tpu.memory_space<vmem>>
    %dma_start3A_31 = tpu.memref_squeeze %dma_start3A_30 : memref<1x8x128xi32, #tpu.memory_space<vmem>> -> memref<8x128xi32, #tpu.memory_space<vmem>>
    %dma_start3A_32 = arith.constant 0 : i32
    %dma_start3A_33 = arith.constant 0 : i32
    %dma_start3A_34 = tpu.memref_slice %arg4[%add3A, %dma_start3A_18, %dma_start3A_32, %dma_start3A_33] : memref<32x10x8x128xi32, #tpu.memory_space<hbm>> -> memref<1x1x8x128xi32, #tpu.memory_space<hbm>>
    %dma_start3A_35 = tpu.memref_squeeze %dma_start3A_34 : memref<1x1x8x128xi32, #tpu.memory_space<hbm>> -> memref<8x128xi32, #tpu.memory_space<hbm>>
    tpu.enqueue_dma source(%dma_start3A_35 : memref<8x128xi32, #tpu.memory_space<hbm>>) target(%dma_start3A_31 : memref<8x128xi32, #tpu.memory_space<vmem>>) target_semaphore(%arg11 : memref<!tpu.dma_semaphore, #tpu.memory_space<semaphore_mem>>)
    %broadcast_in_dim3A = arith.constant 0.000000e+00 : f32
    %broadcast_in_dim3A_36 = vector.broadcast %broadcast_in_dim3A : f32 to vector<16xf32>
    %scan3A = arith.constant 0 : i32
    %scan3A_37 = arith.constant 128 : i32
    %scan3A_38 = arith.addi %scan3A, %scan3A_37 : i32
    %scan3A_39 = arith.constant 1 : i32
    scf.for %scan3A_153 = %scan3A to %scan3A_38 step %scan3A_39  : i32 {
      %mul3A_154 = arith.constant 1 : i32
      %mul3A_155 = arith.muli %scan3A_153, %mul3A_154 : i32
      %add3A_156 = arith.constant 0 : i32
      %add3A_157 = arith.addi %add3A_156, %mul3A_155 : i32
      %scan3A_158 = arith.constant 0 : i32
      %scan3A_159 = arith.constant 8 : i32
      %scan3A_160 = arith.addi %scan3A_158, %scan3A_159 : i32
      %scan3A_161 = arith.constant 1 : i32
      scf.for %scan3A_163 = %scan3A_158 to %scan3A_160 step %scan3A_161  : i32 {
        %mul3A_164 = arith.constant 16 : i32
        %mul3A_165 = arith.muli %scan3A_163, %mul3A_164 : i32
        %add3A_166 = arith.constant 0 : i32
        %add3A_167 = arith.addi %add3A_166, %mul3A_165 : i32
        %swap3A = arith.index_cast %add3A_157 : i32 to index
        %swap3A_168 = arith.index_cast %add3A_167 : i32 to index
        %swap3A_169 = tpu.vector_load %arg9[%swap3A, %swap3A_168] {strides = array<i32>} : memref<128x128xf32, #tpu.memory_space<vmem>>, vector<1x16xf32>,
        %swap3A_170 = vector.shape_cast %swap3A_169 : vector<1x16xf32> to vector<16xf32>
        %swap3A_171 = vector.shape_cast %broadcast_in_dim3A_36 : vector<16xf32> to vector<1x16xf32>
        tpu.vector_store %arg9[%swap3A, %swap3A_168], %swap3A_171 {strides = array<i32>} : memref<128x128xf32, #tpu.memory_space<vmem>>, vector<1x16xf32>,
      }
      %scan3A_162 = arith.constant 8 : i32
    }
    %scan3A_40 = arith.constant 128 : i32
    %mul3A_41 = arith.constant 696 : i32
    %mul3A_42 = arith.muli %arg1, %mul3A_41 : i32
    %min3A = arith.constant 10256 : i32
    %min3A_43 = arith.minsi %mul3A_42, %min3A : i32
    %add3A_44 = arith.constant 0 : i32
    %add3A_45 = arith.addi %min3A_43, %add3A_44 : i32
    "tpu.region"() ({
      %run_scoped3A = tpu.sem_alloc : memref<!tpu.dma_semaphore, #tpu.memory_space<semaphore_mem>>
      %dma_start3A_153 = arith.constant 0 : i32
      %dma_start3A_154 = tpu.memref_slice %arg6[%add3A_45, %dma_start3A_153] : memref<11024x128xf32, #tpu.memory_space<vmem_shared>> -> memref<128x128xf32, #tpu.memory_space<vmem_shared>>
      %dma_start3A_155 = arith.constant 0 : i32
      %dma_start3A_156 = tpu.memref_slice %arg6[%add3A_45, %dma_start3A_155] : memref<11024x128xf32, #tpu.memory_space<vmem_shared>> -> memref<128x128xf32, #tpu.memory_space<vmem_shared>>
      tpu.enqueue_dma source(%arg9 : memref<128x128xf32, #tpu.memory_space<vmem>>) target(%dma_start3A_156 : memref<128x128xf32, #tpu.memory_space<vmem_shared>>) target_semaphore(%run_scoped3A : memref<!tpu.dma_semaphore, #tpu.memory_space<semaphore_mem>>)
      %dma_wait3A_157 = arith.constant 0 : i32
      %dma_wait3A_158 = tpu.memref_slice %arg6[%add3A_45, %dma_wait3A_157] : memref<11024x128xf32, #tpu.memory_space<vmem_shared>> -> memref<128x128xf32, #tpu.memory_space<vmem_shared>>
      %dma_wait3A_159 = arith.constant 0 : i32
      %dma_wait3A_160 = tpu.memref_slice %arg6[%add3A_45, %dma_wait3A_159] : memref<11024x128xf32, #tpu.memory_space<vmem_shared>> -> memref<128x128xf32, #tpu.memory_space<vmem_shared>>
      tpu.wait_dma2 semaphore(%run_scoped3A : memref<!tpu.dma_semaphore, #tpu.memory_space<semaphore_mem>>) src(%arg9 : memref<128x128xf32, #tpu.memory_space<vmem>>) dst(%dma_wait3A_160 : memref<128x128xf32, #tpu.memory_space<vmem_shared>>)
      tpu.yield
    }) : () -> ()
    %add3A_46 = arith.constant 128 : i32
    %add3A_47 = arith.addi %min3A_43, %add3A_46 : i32
    "tpu.region"() ({
      %run_scoped3A = tpu.sem_alloc : memref<!tpu.dma_semaphore, #tpu.memory_space<semaphore_mem>>
      %dma_start3A_153 = arith.constant 0 : i32
      %dma_start3A_154 = tpu.memref_slice %arg6[%add3A_47, %dma_start3A_153] : memref<11024x128xf32, #tpu.memory_space<vmem_shared>> -> memref<128x128xf32, #tpu.memory_space<vmem_shared>>
      %dma_start3A_155 = arith.constant 0 : i32
      %dma_start3A_156 = tpu.memref_slice %arg6[%add3A_47, %dma_start3A_155] : memref<11024x128xf32, #tpu.memory_space<vmem_shared>> -> memref<128x128xf32, #tpu.memory_space<vmem_shared>>
      tpu.enqueue_dma source(%arg9 : memref<128x128xf32, #tpu.memory_space<vmem>>) target(%dma_start3A_156 : memref<128x128xf32, #tpu.memory_space<vmem_shared>>) target_semaphore(%run_scoped3A : memref<!tpu.dma_semaphore, #tpu.memory_space<semaphore_mem>>)
      %dma_wait3A_157 = arith.constant 0 : i32
      %dma_wait3A_158 = tpu.memref_slice %arg6[%add3A_47, %dma_wait3A_157] : memref<11024x128xf32, #tpu.memory_space<vmem_shared>> -> memref<128x128xf32, #tpu.memory_space<vmem_shared>>
      %dma_wait3A_159 = arith.constant 0 : i32
      %dma_wait3A_160 = tpu.memref_slice %arg6[%add3A_47, %dma_wait3A_159] : memref<11024x128xf32, #tpu.memory_space<vmem_shared>> -> memref<128x128xf32, #tpu.memory_space<vmem_shared>>
      tpu.wait_dma2 semaphore(%run_scoped3A : memref<!tpu.dma_semaphore, #tpu.memory_space<semaphore_mem>>) src(%arg9 : memref<128x128xf32, #tpu.memory_space<vmem>>) dst(%dma_wait3A_160 : memref<128x128xf32, #tpu.memory_space<vmem_shared>>)
      tpu.yield
    }) : () -> ()
    %add3A_48 = arith.constant 256 : i32
    %add3A_49 = arith.addi %min3A_43, %add3A_48 : i32
    "tpu.region"() ({
      %run_scoped3A = tpu.sem_alloc : memref<!tpu.dma_semaphore, #tpu.memory_space<semaphore_mem>>
      %dma_start3A_153 = arith.constant 0 : i32
      %dma_start3A_154 = tpu.memref_slice %arg6[%add3A_49, %dma_start3A_153] : memref<11024x128xf32, #tpu.memory_space<vmem_shared>> -> memref<128x128xf32, #tpu.memory_space<vmem_shared>>
      %dma_start3A_155 = arith.constant 0 : i32
      %dma_start3A_156 = tpu.memref_slice %arg6[%add3A_49, %dma_start3A_155] : memref<11024x128xf32, #tpu.memory_space<vmem_shared>> -> memref<128x128xf32, #tpu.memory_space<vmem_shared>>
      tpu.enqueue_dma source(%arg9 : memref<128x128xf32, #tpu.memory_space<vmem>>) target(%dma_start3A_156 : memref<128x128xf32, #tpu.memory_space<vmem_shared>>) target_semaphore(%run_scoped3A : memref<!tpu.dma_semaphore, #tpu.memory_space<semaphore_mem>>)
      %dma_wait3A_157 = arith.constant 0 : i32
      %dma_wait3A_158 = tpu.memref_slice %arg6[%add3A_49, %dma_wait3A_157] : memref<11024x128xf32, #tpu.memory_space<vmem_shared>> -> memref<128x128xf32, #tpu.memory_space<vmem_shared>>
      %dma_wait3A_159 = arith.constant 0 : i32
      %dma_wait3A_160 = tpu.memref_slice %arg6[%add3A_49, %dma_wait3A_159] : memref<11024x128xf32, #tpu.memory_space<vmem_shared>> -> memref<128x128xf32, #tpu.memory_space<vmem_shared>>
      tpu.wait_dma2 semaphore(%run_scoped3A : memref<!tpu.dma_semaphore, #tpu.memory_space<semaphore_mem>>) src(%arg9 : memref<128x128xf32, #tpu.memory_space<vmem>>) dst(%dma_wait3A_160 : memref<128x128xf32, #tpu.memory_space<vmem_shared>>)
      tpu.yield
    }) : () -> ()
    %add3A_50 = arith.constant 384 : i32
    %add3A_51 = arith.addi %min3A_43, %add3A_50 : i32
    "tpu.region"() ({
      %run_scoped3A = tpu.sem_alloc : memref<!tpu.dma_semaphore, #tpu.memory_space<semaphore_mem>>
      %dma_start3A_153 = arith.constant 0 : i32
      %dma_start3A_154 = tpu.memref_slice %arg6[%add3A_51, %dma_start3A_153] : memref<11024x128xf32, #tpu.memory_space<vmem_shared>> -> memref<128x128xf32, #tpu.memory_space<vmem_shared>>
      %dma_start3A_155 = arith.constant 0 : i32
      %dma_start3A_156 = tpu.memref_slice %arg6[%add3A_51, %dma_start3A_155] : memref<11024x128xf32, #tpu.memory_space<vmem_shared>> -> memref<128x128xf32, #tpu.memory_space<vmem_shared>>
      tpu.enqueue_dma source(%arg9 : memref<128x128xf32, #tpu.memory_space<vmem>>) target(%dma_start3A_156 : memref<128x128xf32, #tpu.memory_space<vmem_shared>>) target_semaphore(%run_scoped3A : memref<!tpu.dma_semaphore, #tpu.memory_space<semaphore_mem>>)
      %dma_wait3A_157 = arith.constant 0 : i32
      %dma_wait3A_158 = tpu.memref_slice %arg6[%add3A_51, %dma_wait3A_157] : memref<11024x128xf32, #tpu.memory_space<vmem_shared>> -> memref<128x128xf32, #tpu.memory_space<vmem_shared>>
      %dma_wait3A_159 = arith.constant 0 : i32
      %dma_wait3A_160 = tpu.memref_slice %arg6[%add3A_51, %dma_wait3A_159] : memref<11024x128xf32, #tpu.memory_space<vmem_shared>> -> memref<128x128xf32, #tpu.memory_space<vmem_shared>>
      tpu.wait_dma2 semaphore(%run_scoped3A : memref<!tpu.dma_semaphore, #tpu.memory_space<semaphore_mem>>) src(%arg9 : memref<128x128xf32, #tpu.memory_space<vmem>>) dst(%dma_wait3A_160 : memref<128x128xf32, #tpu.memory_space<vmem_shared>>)
      tpu.yield
    }) : () -> ()
    %add3A_52 = arith.constant 512 : i32
    %add3A_53 = arith.addi %min3A_43, %add3A_52 : i32
    "tpu.region"() ({
      %run_scoped3A = tpu.sem_alloc : memref<!tpu.dma_semaphore, #tpu.memory_space<semaphore_mem>>
      %dma_start3A_153 = arith.constant 0 : i32
      %dma_start3A_154 = tpu.memref_slice %arg6[%add3A_53, %dma_start3A_153] : memref<11024x128xf32, #tpu.memory_space<vmem_shared>> -> memref<128x128xf32, #tpu.memory_space<vmem_shared>>
      %dma_start3A_155 = arith.constant 0 : i32
      %dma_start3A_156 = tpu.memref_slice %arg6[%add3A_53, %dma_start3A_155] : memref<11024x128xf32, #tpu.memory_space<vmem_shared>> -> memref<128x128xf32, #tpu.memory_space<vmem_shared>>
      tpu.enqueue_dma source(%arg9 : memref<128x128xf32, #tpu.memory_space<vmem>>) target(%dma_start3A_156 : memref<128x128xf32, #tpu.memory_space<vmem_shared>>) target_semaphore(%run_scoped3A : memref<!tpu.dma_semaphore, #tpu.memory_space<semaphore_mem>>)
      %dma_wait3A_157 = arith.constant 0 : i32
      %dma_wait3A_158 = tpu.memref_slice %arg6[%add3A_53, %dma_wait3A_157] : memref<11024x128xf32, #tpu.memory_space<vmem_shared>> -> memref<128x128xf32, #tpu.memory_space<vmem_shared>>
      %dma_wait3A_159 = arith.constant 0 : i32
      %dma_wait3A_160 = tpu.memref_slice %arg6[%add3A_53, %dma_wait3A_159] : memref<11024x128xf32, #tpu.memory_space<vmem_shared>> -> memref<128x128xf32, #tpu.memory_space<vmem_shared>>
      tpu.wait_dma2 semaphore(%run_scoped3A : memref<!tpu.dma_semaphore, #tpu.memory_space<semaphore_mem>>) src(%arg9 : memref<128x128xf32, #tpu.memory_space<vmem>>) dst(%dma_wait3A_160 : memref<128x128xf32, #tpu.memory_space<vmem_shared>>)
      tpu.yield
    }) : () -> ()
    %add3A_54 = arith.constant 640 : i32
    %add3A_55 = arith.addi %min3A_43, %add3A_54 : i32
    "tpu.region"() ({
      %run_scoped3A = tpu.sem_alloc : memref<!tpu.dma_semaphore, #tpu.memory_space<semaphore_mem>>
      %dma_start3A_153 = arith.constant 0 : i32
      %dma_start3A_154 = tpu.memref_slice %arg6[%add3A_55, %dma_start3A_153] : memref<11024x128xf32, #tpu.memory_space<vmem_shared>> -> memref<128x128xf32, #tpu.memory_space<vmem_shared>>
      %dma_start3A_155 = arith.constant 0 : i32
      %dma_start3A_156 = tpu.memref_slice %arg6[%add3A_55, %dma_start3A_155] : memref<11024x128xf32, #tpu.memory_space<vmem_shared>> -> memref<128x128xf32, #tpu.memory_space<vmem_shared>>
      tpu.enqueue_dma source(%arg9 : memref<128x128xf32, #tpu.memory_space<vmem>>) target(%dma_start3A_156 : memref<128x128xf32, #tpu.memory_space<vmem_shared>>) target_semaphore(%run_scoped3A : memref<!tpu.dma_semaphore, #tpu.memory_space<semaphore_mem>>)
      %dma_wait3A_157 = arith.constant 0 : i32
      %dma_wait3A_158 = tpu.memref_slice %arg6[%add3A_55, %dma_wait3A_157] : memref<11024x128xf32, #tpu.memory_space<vmem_shared>> -> memref<128x128xf32, #tpu.memory_space<vmem_shared>>
      %dma_wait3A_159 = arith.constant 0 : i32
      %dma_wait3A_160 = tpu.memref_slice %arg6[%add3A_55, %dma_wait3A_159] : memref<11024x128xf32, #tpu.memory_space<vmem_shared>> -> memref<128x128xf32, #tpu.memory_space<vmem_shared>>
      tpu.wait_dma2 semaphore(%run_scoped3A : memref<!tpu.dma_semaphore, #tpu.memory_space<semaphore_mem>>) src(%arg9 : memref<128x128xf32, #tpu.memory_space<vmem>>) dst(%dma_wait3A_160 : memref<128x128xf32, #tpu.memory_space<vmem_shared>>)
      tpu.yield
    }) : () -> ()
    %dma_wait3A = arith.constant 0 : i32
    %dma_wait3A_56 = arith.constant 0 : i32
    %dma_wait3A_57 = arith.constant 0 : i32
    %dma_wait3A_58 = arith.constant 0 : i32
    %dma_wait3A_59 = tpu.memref_slice %arg7[%dma_wait3A_56, %dma_wait3A_57, %dma_wait3A_58] : memref<2x8x128xi32, #tpu.memory_space<vmem>> -> memref<1x8x128xi32, #tpu.memory_space<vmem>>
    %dma_wait3A_60 = tpu.memref_squeeze %dma_wait3A_59 : memref<1x8x128xi32, #tpu.memory_space<vmem>> -> memref<8x128xi32, #tpu.memory_space<vmem>>
    %dma_wait3A_61 = arith.constant 0 : i32
    %dma_wait3A_62 = arith.constant 0 : i32
    %dma_wait3A_63 = tpu.memref_slice %arg3[%add3A, %dma_wait3A, %dma_wait3A_61, %dma_wait3A_62] : memref<32x10x8x128xi32, #tpu.memory_space<hbm>> -> memref<1x1x8x128xi32, #tpu.memory_space<hbm>>
    %dma_wait3A_64 = tpu.memref_squeeze %dma_wait3A_63 : memref<1x1x8x128xi32, #tpu.memory_space<hbm>> -> memref<8x128xi32, #tpu.memory_space<hbm>>
    %dma_wait3A_65 = arith.constant 0 : i32
    %dma_wait3A_66 = arith.constant 0 : i32
    %dma_wait3A_67 = tpu.memref_slice %arg7[%dma_wait3A_56, %dma_wait3A_65, %dma_wait3A_66] : memref<2x8x128xi32, #tpu.memory_space<vmem>> -> memref<1x8x128xi32, #tpu.memory_space<vmem>>
    %dma_wait3A_68 = tpu.memref_squeeze %dma_wait3A_67 : memref<1x8x128xi32, #tpu.memory_space<vmem>> -> memref<8x128xi32, #tpu.memory_space<vmem>>
    %dma_wait3A_69 = arith.constant 0 : i32
    %dma_wait3A_70 = arith.constant 0 : i32
    %dma_wait3A_71 = tpu.memref_slice %arg3[%add3A, %dma_wait3A, %dma_wait3A_69, %dma_wait3A_70] : memref<32x10x8x128xi32, #tpu.memory_space<hbm>> -> memref<1x1x8x128xi32, #tpu.memory_space<hbm>>
    %dma_wait3A_72 = tpu.memref_squeeze %dma_wait3A_71 : memref<1x1x8x128xi32, #tpu.memory_space<hbm>> -> memref<8x128xi32, #tpu.memory_space<hbm>>
    tpu.wait_dma2 semaphore(%arg11 : memref<!tpu.dma_semaphore, #tpu.memory_space<semaphore_mem>>) src(%dma_wait3A_72 : memref<8x128xi32, #tpu.memory_space<hbm>>) dst(%dma_wait3A_68 : memref<8x128xi32, #tpu.memory_space<vmem>>)
    %dma_wait3A_73 = arith.constant 0 : i32
    %dma_wait3A_74 = arith.constant 0 : i32
    %dma_wait3A_75 = arith.constant 0 : i32
    %dma_wait3A_76 = arith.constant 0 : i32
    %dma_wait3A_77 = tpu.memref_slice %arg8[%dma_wait3A_74, %dma_wait3A_75, %dma_wait3A_76] : memref<2x8x128xi32, #tpu.memory_space<vmem>> -> memref<1x8x128xi32, #tpu.memory_space<vmem>>
    %dma_wait3A_78 = tpu.memref_squeeze %dma_wait3A_77 : memref<1x8x128xi32, #tpu.memory_space<vmem>> -> memref<8x128xi32, #tpu.memory_space<vmem>>
    %dma_wait3A_79 = arith.constant 0 : i32
    %dma_wait3A_80 = arith.constant 0 : i32
    %dma_wait3A_81 = tpu.memref_slice %arg4[%add3A, %dma_wait3A_73, %dma_wait3A_79, %dma_wait3A_80] : memref<32x10x8x128xi32, #tpu.memory_space<hbm>> -> memref<1x1x8x128xi32, #tpu.memory_space<hbm>>
    %dma_wait3A_82 = tpu.memref_squeeze %dma_wait3A_81 : memref<1x1x8x128xi32, #tpu.memory_space<hbm>> -> memref<8x128xi32, #tpu.memory_space<hbm>>
    %dma_wait3A_83 = arith.constant 0 : i32
    %dma_wait3A_84 = arith.constant 0 : i32
    %dma_wait3A_85 = tpu.memref_slice %arg8[%dma_wait3A_74, %dma_wait3A_83, %dma_wait3A_84] : memref<2x8x128xi32, #tpu.memory_space<vmem>> -> memref<1x8x128xi32, #tpu.memory_space<vmem>>
    %dma_wait3A_86 = tpu.memref_squeeze %dma_wait3A_85 : memref<1x8x128xi32, #tpu.memory_space<vmem>> -> memref<8x128xi32, #tpu.memory_space<vmem>>
    %dma_wait3A_87 = arith.constant 0 : i32
    %dma_wait3A_88 = arith.constant 0 : i32
    %dma_wait3A_89 = tpu.memref_slice %arg4[%add3A, %dma_wait3A_73, %dma_wait3A_87, %dma_wait3A_88] : memref<32x10x8x128xi32, #tpu.memory_space<hbm>> -> memref<1x1x8x128xi32, #tpu.memory_space<hbm>>
    %dma_wait3A_90 = tpu.memref_squeeze %dma_wait3A_89 : memref<1x1x8x128xi32, #tpu.memory_space<hbm>> -> memref<8x128xi32, #tpu.memory_space<hbm>>
    tpu.wait_dma2 semaphore(%arg11 : memref<!tpu.dma_semaphore, #tpu.memory_space<semaphore_mem>>) src(%dma_wait3A_90 : memref<8x128xi32, #tpu.memory_space<hbm>>) dst(%dma_wait3A_86 : memref<8x128xi32, #tpu.memory_space<vmem>>)
    %barrier3A = arith.constant 0 : index
    tpu.barrier barrier_id(%barrier3A)
    %dma_start3A_91 = arith.constant 1 : i32
    %dma_start3A_92 = arith.constant 1 : i32
    %dma_start3A_93 = arith.constant 0 : i32
    %dma_start3A_94 = arith.constant 0 : i32
    %dma_start3A_95 = tpu.memref_slice %arg7[%dma_start3A_92, %dma_start3A_93, %dma_start3A_94] : memref<2x8x128xi32, #tpu.memory_space<vmem>> -> memref<1x8x128xi32, #tpu.memory_space<vmem>>
    %dma_start3A_96 = tpu.memref_squeeze %dma_start3A_95 : memref<1x8x128xi32, #tpu.memory_space<vmem>> -> memref<8x128xi32, #tpu.memory_space<vmem>>
    %dma_start3A_97 = arith.constant 0 : i32
    %dma_start3A_98 = arith.constant 0 : i32
    %dma_start3A_99 = tpu.memref_slice %arg3[%add3A, %dma_start3A_91, %dma_start3A_97, %dma_start3A_98] : memref<32x10x8x128xi32, #tpu.memory_space<hbm>> -> memref<1x1x8x128xi32, #tpu.memory_space<hbm>>
    %dma_start3A_100 = tpu.memref_squeeze %dma_start3A_99 : memref<1x1x8x128xi32, #tpu.memory_space<hbm>> -> memref<8x128xi32, #tpu.memory_space<hbm>>
    %dma_start3A_101 = arith.constant 0 : i32
    %dma_start3A_102 = arith.constant 0 : i32
    %dma_start3A_103 = tpu.memref_slice %arg7[%dma_start3A_92, %dma_start3A_101, %dma_start3A_102] : memref<2x8x128xi32, #tpu.memory_space<vmem>> -> memref<1x8x128xi32, #tpu.memory_space<vmem>>
    %dma_start3A_104 = tpu.memref_squeeze %dma_start3A_103 : memref<1x8x128xi32, #tpu.memory_space<vmem>> -> memref<8x128xi32, #tpu.memory_space<vmem>>
    %dma_start3A_105 = arith.constant 0 : i32
    %dma_start3A_106 = arith.constant 0 : i32
    %dma_start3A_107 = tpu.memref_slice %arg3[%add3A, %dma_start3A_91, %dma_start3A_105, %dma_start3A_106] : memref<32x10x8x128xi32, #tpu.memory_space<hbm>> -> memref<1x1x8x128xi32, #tpu.memory_space<hbm>>
    %dma_start3A_108 = tpu.memref_squeeze %dma_start3A_107 : memref<1x1x8x128xi32, #tpu.memory_space<hbm>> -> memref<8x128xi32, #tpu.memory_space<hbm>>
    tpu.enqueue_dma source(%dma_start3A_108 : memref<8x128xi32, #tpu.memory_space<hbm>>) target(%dma_start3A_104 : memref<8x128xi32, #tpu.memory_space<vmem>>) target_semaphore(%arg11 : memref<!tpu.dma_semaphore, #tpu.memory_space<semaphore_mem>>)
    %dma_start3A_109 = arith.constant 1 : i32
    %dma_start3A_110 = arith.constant 1 : i32
    %dma_start3A_111 = arith.constant 0 : i32
    %dma_start3A_112 = arith.constant 0 : i32
    %dma_start3A_113 = tpu.memref_slice %arg8[%dma_start3A_110, %dma_start3A_111, %dma_start3A_112] : memref<2x8x128xi32, #tpu.memory_space<vmem>> -> memref<1x8x128xi32, #tpu.memory_space<vmem>>
    %dma_start3A_114 = tpu.memref_squeeze %dma_start3A_113 : memref<1x8x128xi32, #tpu.memory_space<vmem>> -> memref<8x128xi32, #tpu.memory_space<vmem>>
    %dma_start3A_115 = arith.constant 0 : i32
    %dma_start3A_116 = arith.constant 0 : i32
    %dma_start3A_117 = tpu.memref_slice %arg4[%add3A, %dma_start3A_109, %dma_start3A_115, %dma_start3A_116] : memref<32x10x8x128xi32, #tpu.memory_space<hbm>> -> memref<1x1x8x128xi32, #tpu.memory_space<hbm>>
    %dma_start3A_118 = tpu.memref_squeeze %dma_start3A_117 : memref<1x1x8x128xi32, #tpu.memory_space<hbm>> -> memref<8x128xi32, #tpu.memory_space<hbm>>
    %dma_start3A_119 = arith.constant 0 : i32
    %dma_start3A_120 = arith.constant 0 : i32
    %dma_start3A_121 = tpu.memref_slice %arg8[%dma_start3A_110, %dma_start3A_119, %dma_start3A_120] : memref<2x8x128xi32, #tpu.memory_space<vmem>> -> memref<1x8x128xi32, #tpu.memory_space<vmem>>
    %dma_start3A_122 = tpu.memref_squeeze %dma_start3A_121 : memref<1x8x128xi32, #tpu.memory_space<vmem>> -> memref<8x128xi32, #tpu.memory_space<vmem>>
    %dma_start3A_123 = arith.constant 0 : i32
    %dma_start3A_124 = arith.constant 0 : i32
    %dma_start3A_125 = tpu.memref_slice %arg4[%add3A, %dma_start3A_109, %dma_start3A_123, %dma_start3A_124] : memref<32x10x8x128xi32, #tpu.memory_space<hbm>> -> memref<1x1x8x128xi32, #tpu.memory_space<hbm>>
    %dma_start3A_126 = tpu.memref_squeeze %dma_start3A_125 : memref<1x1x8x128xi32, #tpu.memory_space<hbm>> -> memref<8x128xi32, #tpu.memory_space<hbm>>
    tpu.enqueue_dma source(%dma_start3A_126 : memref<8x128xi32, #tpu.memory_space<hbm>>) target(%dma_start3A_122 : memref<8x128xi32, #tpu.memory_space<vmem>>) target_semaphore(%arg11 : memref<!tpu.dma_semaphore, #tpu.memory_space<semaphore_mem>>)
    %dma_start3A_127 = arith.constant 0 : i32
    %dma_start3A_128 = arith.constant 0 : i32
    %dma_start3A_129 = arith.constant 0 : i32
    %dma_start3A_130 = tpu.memref_slice %arg7[%dma_start3A_127, %dma_start3A_128, %dma_start3A_129] : memref<2x8x128xi32, #tpu.memory_space<vmem>> -> memref<1x1x128xi32, #tpu.memory_space<vmem>>
    %dma_start3A_131 = tpu.memref_squeeze %dma_start3A_130 : memref<1x1x128xi32, #tpu.memory_space<vmem>> -> memref<128xi32, #tpu.memory_space<vmem>>
    %dma_start3A_132 = arith.constant 0 : i32
    %dma_start3A_133 = arith.constant 0 : i32
    %dma_start3A_134 = tpu.memref_slice %arg2[%dma_start3A_132, %dma_start3A_133] : memref<10000x128xf32, #tpu.memory_space<hbm>> -> memref<10000x128xf32, #tpu.memory_space<hbm>>
    tpu.enqueue_indirect_dma source(%dma_start3A_134 : memref<10000x128xf32, #tpu.memory_space<hbm>>) target(%arg9 : memref<128x128xf32, #tpu.memory_space<vmem>>) offsets(%dma_start3A_131 : memref<128xi32, #tpu.memory_space<vmem>>) semaphore(%arg12 : memref<!tpu.dma_semaphore, #tpu.memory_space<semaphore_mem>>)
    %dma_start3A_135 = arith.constant 0 : i32
    %dma_start3A_136 = arith.constant 1 : i32
    %dma_start3A_137 = arith.constant 0 : i32
    %dma_start3A_138 = tpu.memref_slice %arg7[%dma_start3A_135, %dma_start3A_136, %dma_start3A_137] : memref<2x8x128xi32, #tpu.memory_space<vmem>> -> memref<1x1x128xi32, #tpu.memory_space<vmem>>
    %dma_start3A_139 = tpu.memref_squeeze %dma_start3A_138 : memref<1x1x128xi32, #tpu.memory_space<vmem>> -> memref<128xi32, #tpu.memory_space<vmem>>
    %dma_start3A_140 = arith.constant 0 : i32
    %dma_start3A_141 = arith.constant 0 : i32
    %dma_start3A_142 = tpu.memref_slice %arg2[%dma_start3A_140, %dma_start3A_141] : memref<10000x128xf32, #tpu.memory_space<hbm>> -> memref<10000x128xf32, #tpu.memory_space<hbm>>
    tpu.enqueue_indirect_dma source(%dma_start3A_142 : memref<10000x128xf32, #tpu.memory_space<hbm>>) target(%arg10 : memref<128x128xf32, #tpu.memory_space<vmem>>) offsets(%dma_start3A_139 : memref<128xi32, #tpu.memory_space<vmem>>) semaphore(%arg13 : memref<!tpu.dma_semaphore, #tpu.memory_space<semaphore_mem>>)
    %scan3A_143 = arith.constant 0 : i32
    %scan3A_144 = arith.constant 10 : i32
    %scan3A_145 = arith.addi %scan3A_143, %scan3A_144 : i32
    %scan3A_146 = arith.constant 1 : i32
    scf.for %scan3A_153 = %scan3A_143 to %scan3A_145 step %scan3A_146  : i32 {
      %mul3A_154 = arith.constant 1 : i32
      %mul3A_155 = arith.muli %scan3A_153, %mul3A_154 : i32
      %add3A_156 = arith.constant 0 : i32
      %add3A_157 = arith.addi %add3A_156, %mul3A_155 : i32
      %jit3A = arith.constant 2 : i32
      %eq3A = arith.constant 0 : i32
      %eq3A_158 = arith.cmpi eq, %jit3A, %eq3A : i32
      %jit3A_159 = arith.constant 1 : i32
      %select_n3A = arith.select %eq3A_158, %jit3A_159, %jit3A : i32
      %rem3A = arith.remsi %add3A_157, %select_n3A : i32
      %ne3A = arith.constant 0 : i32
      %ne3A_160 = arith.cmpi ne, %rem3A, %ne3A : i32
      %lt3A = arith.constant 0 : i32
      %lt3A_161 = arith.cmpi slt, %rem3A, %lt3A : i32
      %lt3A_162 = arith.constant 0 : i32
      %lt3A_163 = arith.cmpi slt, %select_n3A, %lt3A_162 : i32
      %ne3A_164 = arith.xori %lt3A_161, %lt3A_163 : i1
      %and3A = arith.andi %ne3A_164, %ne3A_160 : i1
      %add3A_165 = arith.addi %rem3A, %select_n3A : i32
      %select_n3A_166 = arith.select %and3A, %add3A_165, %rem3A : i32
      %sub3A = arith.constant 1 : i32
      %sub3A_167 = arith.subi %sub3A, %select_n3A_166 : i32
      %dma_wait3A_168 = arith.constant 0 : i32
      %dma_wait3A_169 = arith.constant 0 : i32
      %dma_wait3A_170 = tpu.memref_slice %arg7[%select_n3A_166, %dma_wait3A_168, %dma_wait3A_169] : memref<2x8x128xi32, #tpu.memory_space<vmem>> -> memref<1x1x128xi32, #tpu.memory_space<vmem>>
      %dma_wait3A_171 = tpu.memref_squeeze %dma_wait3A_170 : memref<1x1x128xi32, #tpu.memory_space<vmem>> -> memref<128xi32, #tpu.memory_space<vmem>>
      %dma_wait3A_172 = arith.constant 0 : i32
      %dma_wait3A_173 = arith.constant 0 : i32
      %dma_wait3A_174 = tpu.memref_slice %arg2[%dma_wait3A_172, %dma_wait3A_173] : memref<10000x128xf32, #tpu.memory_space<hbm>> -> memref<10000x128xf32, #tpu.memory_space<hbm>>
      tpu.wait_indirect_dma semaphore(%arg12 : memref<!tpu.dma_semaphore, #tpu.memory_space<semaphore_mem>>) src(%dma_wait3A_174 : memref<10000x128xf32, #tpu.memory_space<hbm>>) dst(%arg9 : memref<128x128xf32, #tpu.memory_space<vmem>>)
      %run_scoped3A = arith.constant 0 : i32
      "tpu.region"() ({
        %run_scoped3A_286 = tpu.sem_alloc : memref<!tpu.dma_semaphore, #tpu.memory_space<semaphore_mem>>
        %dma_start3A_287 = arith.constant 0 : i32
        %dma_start3A_288 = tpu.memref_slice %arg8[%select_n3A_166, %run_scoped3A, %dma_start3A_287] : memref<2x8x128xi32, #tpu.memory_space<vmem>> -> memref<1x1x128xi32, #tpu.memory_space<vmem>>
        %dma_start3A_289 = tpu.memref_squeeze %dma_start3A_288 : memref<1x1x128xi32, #tpu.memory_space<vmem>> -> memref<128xi32, #tpu.memory_space<vmem>>
        %dma_start3A_290 = arith.constant 0 : i32
        %dma_start3A_291 = arith.constant 0 : i32
        %dma_start3A_292 = tpu.memref_slice %arg6[%dma_start3A_290, %dma_start3A_291] : memref<11024x128xf32, #tpu.memory_space<vmem_shared>> -> memref<11024x128xf32, #tpu.memory_space<vmem_shared>>
        tpu.enqueue_indirect_dma source(%arg9 : memref<128x128xf32, #tpu.memory_space<vmem>>) target(%dma_start3A_292 : memref<11024x128xf32, #tpu.memory_space<vmem_shared>>) offsets(%dma_start3A_289 : memref<128xi32, #tpu.memory_space<vmem>>) semaphore(%run_scoped3A_286 : memref<!tpu.dma_semaphore, #tpu.memory_space<semaphore_mem>>) {add = true}
        %dma_wait3A_293 = arith.constant 0 : i32
        %dma_wait3A_294 = tpu.memref_slice %arg8[%select_n3A_166, %run_scoped3A, %dma_wait3A_293] : memref<2x8x128xi32, #tpu.memory_space<vmem>> -> memref<1x1x128xi32, #tpu.memory_space<vmem>>
        %dma_wait3A_295 = tpu.memref_squeeze %dma_wait3A_294 : memref<1x1x128xi32, #tpu.memory_space<vmem>> -> memref<128xi32, #tpu.memory_space<vmem>>
        %dma_wait3A_296 = arith.constant 0 : i32
        %dma_wait3A_297 = arith.constant 0 : i32
        %dma_wait3A_298 = tpu.memref_slice %arg6[%dma_wait3A_296, %dma_wait3A_297] : memref<11024x128xf32, #tpu.memory_space<vmem_shared>> -> memref<11024x128xf32, #tpu.memory_space<vmem_shared>>
        tpu.wait_indirect_dma semaphore(%run_scoped3A_286 : memref<!tpu.dma_semaphore, #tpu.memory_space<semaphore_mem>>) src(%arg9 : memref<128x128xf32, #tpu.memory_space<vmem>>) dst(%dma_wait3A_298 : memref<11024x128xf32, #tpu.memory_space<vmem_shared>>)
        tpu.yield
      }) : () -> ()
      %dma_start3A_175 = arith.constant 2 : i32
      %dma_start3A_176 = arith.constant 0 : i32
      %dma_start3A_177 = tpu.memref_slice %arg7[%select_n3A_166, %dma_start3A_175, %dma_start3A_176] : memref<2x8x128xi32, #tpu.memory_space<vmem>> -> memref<1x1x128xi32, #tpu.memory_space<vmem>>
      %dma_start3A_178 = tpu.memref_squeeze %dma_start3A_177 : memref<1x1x128xi32, #tpu.memory_space<vmem>> -> memref<128xi32, #tpu.memory_space<vmem>>
      %dma_start3A_179 = arith.constant 0 : i32
      %dma_start3A_180 = arith.constant 0 : i32
      %dma_start3A_181 = tpu.memref_slice %arg2[%dma_start3A_179, %dma_start3A_180] : memref<10000x128xf32, #tpu.memory_space<hbm>> -> memref<10000x128xf32, #tpu.memory_space<hbm>>
      tpu.enqueue_indirect_dma source(%dma_start3A_181 : memref<10000x128xf32, #tpu.memory_space<hbm>>) target(%arg9 : memref<128x128xf32, #tpu.memory_space<vmem>>) offsets(%dma_start3A_178 : memref<128xi32, #tpu.memory_space<vmem>>) semaphore(%arg12 : memref<!tpu.dma_semaphore, #tpu.memory_space<semaphore_mem>>)
      %dma_wait3A_182 = arith.constant 1 : i32
      %dma_wait3A_183 = arith.constant 0 : i32
      %dma_wait3A_184 = tpu.memref_slice %arg7[%select_n3A_166, %dma_wait3A_182, %dma_wait3A_183] : memref<2x8x128xi32, #tpu.memory_space<vmem>> -> memref<1x1x128xi32, #tpu.memory_space<vmem>>
      %dma_wait3A_185 = tpu.memref_squeeze %dma_wait3A_184 : memref<1x1x128xi32, #tpu.memory_space<vmem>> -> memref<128xi32, #tpu.memory_space<vmem>>
      %dma_wait3A_186 = arith.constant 0 : i32
      %dma_wait3A_187 = arith.constant 0 : i32
      %dma_wait3A_188 = tpu.memref_slice %arg2[%dma_wait3A_186, %dma_wait3A_187] : memref<10000x128xf32, #tpu.memory_space<hbm>> -> memref<10000x128xf32, #tpu.memory_space<hbm>>
      tpu.wait_indirect_dma semaphore(%arg13 : memref<!tpu.dma_semaphore, #tpu.memory_space<semaphore_mem>>) src(%dma_wait3A_188 : memref<10000x128xf32, #tpu.memory_space<hbm>>) dst(%arg10 : memref<128x128xf32, #tpu.memory_space<vmem>>)
      %run_scoped3A_189 = arith.constant 1 : i32
      "tpu.region"() ({
        %run_scoped3A_286 = tpu.sem_alloc : memref<!tpu.dma_semaphore, #tpu.memory_space<semaphore_mem>>
        %dma_start3A_287 = arith.constant 0 : i32
        %dma_start3A_288 = tpu.memref_slice %arg8[%select_n3A_166, %run_scoped3A_189, %dma_start3A_287] : memref<2x8x128xi32, #tpu.memory_space<vmem>> -> memref<1x1x128xi32, #tpu.memory_space<vmem>>
        %dma_start3A_289 = tpu.memref_squeeze %dma_start3A_288 : memref<1x1x128xi32, #tpu.memory_space<vmem>> -> memref<128xi32, #tpu.memory_space<vmem>>
        %dma_start3A_290 = arith.constant 0 : i32
        %dma_start3A_291 = arith.constant 0 : i32
        %dma_start3A_292 = tpu.memref_slice %arg6[%dma_start3A_290, %dma_start3A_291] : memref<11024x128xf32, #tpu.memory_space<vmem_shared>> -> memref<11024x128xf32, #tpu.memory_space<vmem_shared>>
        tpu.enqueue_indirect_dma source(%arg10 : memref<128x128xf32, #tpu.memory_space<vmem>>) target(%dma_start3A_292 : memref<11024x128xf32, #tpu.memory_space<vmem_shared>>) offsets(%dma_start3A_289 : memref<128xi32, #tpu.memory_space<vmem>>) semaphore(%run_scoped3A_286 : memref<!tpu.dma_semaphore, #tpu.memory_space<semaphore_mem>>) {add = true}
        %dma_wait3A_293 = arith.constant 0 : i32
        %dma_wait3A_294 = tpu.memref_slice %arg8[%select_n3A_166, %run_scoped3A_189, %dma_wait3A_293] : memref<2x8x128xi32, #tpu.memory_space<vmem>> -> memref<1x1x128xi32, #tpu.memory_space<vmem>>
        %dma_wait3A_295 = tpu.memref_squeeze %dma_wait3A_294 : memref<1x1x128xi32, #tpu.memory_space<vmem>> -> memref<128xi32, #tpu.memory_space<vmem>>
        %dma_wait3A_296 = arith.constant 0 : i32
        %dma_wait3A_297 = arith.constant 0 : i32
        %dma_wait3A_298 = tpu.memref_slice %arg6[%dma_wait3A_296, %dma_wait3A_297] : memref<11024x128xf32, #tpu.memory_space<vmem_shared>> -> memref<11024x128xf32, #tpu.memory_space<vmem_shared>>
        tpu.wait_indirect_dma semaphore(%run_scoped3A_286 : memref<!tpu.dma_semaphore, #tpu.memory_space<semaphore_mem>>) src(%arg10 : memref<128x128xf32, #tpu.memory_space<vmem>>) dst(%dma_wait3A_298 : memref<11024x128xf32, #tpu.memory_space<vmem_shared>>)
        tpu.yield
      }) : () -> ()
      %dma_start3A_190 = arith.constant 3 : i32
      %dma_start3A_191 = arith.constant 0 : i32
      %dma_start3A_192 = tpu.memref_slice %arg7[%select_n3A_166, %dma_start3A_190, %dma_start3A_191] : memref<2x8x128xi32, #tpu.memory_space<vmem>> -> memref<1x1x128xi32, #tpu.memory_space<vmem>>
      %dma_start3A_193 = tpu.memref_squeeze %dma_start3A_192 : memref<1x1x128xi32, #tpu.memory_space<vmem>> -> memref<128xi32, #tpu.memory_space<vmem>>
      %dma_start3A_194 = arith.constant 0 : i32
      %dma_start3A_195 = arith.constant 0 : i32
      %dma_start3A_196 = tpu.memref_slice %arg2[%dma_start3A_194, %dma_start3A_195] : memref<10000x128xf32, #tpu.memory_space<hbm>> -> memref<10000x128xf32, #tpu.memory_space<hbm>>
      tpu.enqueue_indirect_dma source(%dma_start3A_196 : memref<10000x128xf32, #tpu.memory_space<hbm>>) target(%arg10 : memref<128x128xf32, #tpu.memory_space<vmem>>) offsets(%dma_start3A_193 : memref<128xi32, #tpu.memory_space<vmem>>) semaphore(%arg13 : memref<!tpu.dma_semaphore, #tpu.memory_space<semaphore_mem>>)
      %dma_wait3A_197 = arith.constant 2 : i32
      %dma_wait3A_198 = arith.constant 0 : i32
      %dma_wait3A_199 = tpu.memref_slice %arg7[%select_n3A_166, %dma_wait3A_197, %dma_wait3A_198] : memref<2x8x128xi32, #tpu.memory_space<vmem>> -> memref<1x1x128xi32, #tpu.memory_space<vmem>>
      %dma_wait3A_200 = tpu.memref_squeeze %dma_wait3A_199 : memref<1x1x128xi32, #tpu.memory_space<vmem>> -> memref<128xi32, #tpu.memory_space<vmem>>
      %dma_wait3A_201 = arith.constant 0 : i32
      %dma_wait3A_202 = arith.constant 0 : i32
      %dma_wait3A_203 = tpu.memref_slice %arg2[%dma_wait3A_201, %dma_wait3A_202] : memref<10000x128xf32, #tpu.memory_space<hbm>> -> memref<10000x128xf32, #tpu.memory_space<hbm>>
      tpu.wait_indirect_dma semaphore(%arg12 : memref<!tpu.dma_semaphore, #tpu.memory_space<semaphore_mem>>) src(%dma_wait3A_203 : memref<10000x128xf32, #tpu.memory_space<hbm>>) dst(%arg9 : memref<128x128xf32, #tpu.memory_space<vmem>>)
      %run_scoped3A_204 = arith.constant 2 : i32
      "tpu.region"() ({
        %run_scoped3A_286 = tpu.sem_alloc : memref<!tpu.dma_semaphore, #tpu.memory_space<semaphore_mem>>
        %dma_start3A_287 = arith.constant 0 : i32
        %dma_start3A_288 = tpu.memref_slice %arg8[%select_n3A_166, %run_scoped3A_204, %dma_start3A_287] : memref<2x8x128xi32, #tpu.memory_space<vmem>> -> memref<1x1x128xi32, #tpu.memory_space<vmem>>
        %dma_start3A_289 = tpu.memref_squeeze %dma_start3A_288 : memref<1x1x128xi32, #tpu.memory_space<vmem>> -> memref<128xi32, #tpu.memory_space<vmem>>
        %dma_start3A_290 = arith.constant 0 : i32
        %dma_start3A_291 = arith.constant 0 : i32
        %dma_start3A_292 = tpu.memref_slice %arg6[%dma_start3A_290, %dma_start3A_291] : memref<11024x128xf32, #tpu.memory_space<vmem_shared>> -> memref<11024x128xf32, #tpu.memory_space<vmem_shared>>
        tpu.enqueue_indirect_dma source(%arg9 : memref<128x128xf32, #tpu.memory_space<vmem>>) target(%dma_start3A_292 : memref<11024x128xf32, #tpu.memory_space<vmem_shared>>) offsets(%dma_start3A_289 : memref<128xi32, #tpu.memory_space<vmem>>) semaphore(%run_scoped3A_286 : memref<!tpu.dma_semaphore, #tpu.memory_space<semaphore_mem>>) {add = true}
        %dma_wait3A_293 = arith.constant 0 : i32
        %dma_wait3A_294 = tpu.memref_slice %arg8[%select_n3A_166, %run_scoped3A_204, %dma_wait3A_293] : memref<2x8x128xi32, #tpu.memory_space<vmem>> -> memref<1x1x128xi32, #tpu.memory_space<vmem>>
        %dma_wait3A_295 = tpu.memref_squeeze %dma_wait3A_294 : memref<1x1x128xi32, #tpu.memory_space<vmem>> -> memref<128xi32, #tpu.memory_space<vmem>>
        %dma_wait3A_296 = arith.constant 0 : i32
        %dma_wait3A_297 = arith.constant 0 : i32
        %dma_wait3A_298 = tpu.memref_slice %arg6[%dma_wait3A_296, %dma_wait3A_297] : memref<11024x128xf32, #tpu.memory_space<vmem_shared>> -> memref<11024x128xf32, #tpu.memory_space<vmem_shared>>
        tpu.wait_indirect_dma semaphore(%run_scoped3A_286 : memref<!tpu.dma_semaphore, #tpu.memory_space<semaphore_mem>>) src(%arg9 : memref<128x128xf32, #tpu.memory_space<vmem>>) dst(%dma_wait3A_298 : memref<11024x128xf32, #tpu.memory_space<vmem_shared>>)
        tpu.yield
      }) : () -> ()
      %dma_start3A_205 = arith.constant 4 : i32
      %dma_start3A_206 = arith.constant 0 : i32
      %dma_start3A_207 = tpu.memref_slice %arg7[%select_n3A_166, %dma_start3A_205, %dma_start3A_206] : memref<2x8x128xi32, #tpu.memory_space<vmem>> -> memref<1x1x128xi32, #tpu.memory_space<vmem>>
      %dma_start3A_208 = tpu.memref_squeeze %dma_start3A_207 : memref<1x1x128xi32, #tpu.memory_space<vmem>> -> memref<128xi32, #tpu.memory_space<vmem>>
      %dma_start3A_209 = arith.constant 0 : i32
      %dma_start3A_210 = arith.constant 0 : i32
      %dma_start3A_211 = tpu.memref_slice %arg2[%dma_start3A_209, %dma_start3A_210] : memref<10000x128xf32, #tpu.memory_space<hbm>> -> memref<10000x128xf32, #tpu.memory_space<hbm>>
      tpu.enqueue_indirect_dma source(%dma_start3A_211 : memref<10000x128xf32, #tpu.memory_space<hbm>>) target(%arg9 : memref<128x128xf32, #tpu.memory_space<vmem>>) offsets(%dma_start3A_208 : memref<128xi32, #tpu.memory_space<vmem>>) semaphore(%arg12 : memref<!tpu.dma_semaphore, #tpu.memory_space<semaphore_mem>>)
      %dma_wait3A_212 = arith.constant 3 : i32
      %dma_wait3A_213 = arith.constant 0 : i32
      %dma_wait3A_214 = tpu.memref_slice %arg7[%select_n3A_166, %dma_wait3A_212, %dma_wait3A_213] : memref<2x8x128xi32, #tpu.memory_space<vmem>> -> memref<1x1x128xi32, #tpu.memory_space<vmem>>
      %dma_wait3A_215 = tpu.memref_squeeze %dma_wait3A_214 : memref<1x1x128xi32, #tpu.memory_space<vmem>> -> memref<128xi32, #tpu.memory_space<vmem>>
      %dma_wait3A_216 = arith.constant 0 : i32
      %dma_wait3A_217 = arith.constant 0 : i32
      %dma_wait3A_218 = tpu.memref_slice %arg2[%dma_wait3A_216, %dma_wait3A_217] : memref<10000x128xf32, #tpu.memory_space<hbm>> -> memref<10000x128xf32, #tpu.memory_space<hbm>>
      tpu.wait_indirect_dma semaphore(%arg13 : memref<!tpu.dma_semaphore, #tpu.memory_space<semaphore_mem>>) src(%dma_wait3A_218 : memref<10000x128xf32, #tpu.memory_space<hbm>>) dst(%arg10 : memref<128x128xf32, #tpu.memory_space<vmem>>)
      %run_scoped3A_219 = arith.constant 3 : i32
      "tpu.region"() ({
        %run_scoped3A_286 = tpu.sem_alloc : memref<!tpu.dma_semaphore, #tpu.memory_space<semaphore_mem>>
        %dma_start3A_287 = arith.constant 0 : i32
        %dma_start3A_288 = tpu.memref_slice %arg8[%select_n3A_166, %run_scoped3A_219, %dma_start3A_287] : memref<2x8x128xi32, #tpu.memory_space<vmem>> -> memref<1x1x128xi32, #tpu.memory_space<vmem>>
        %dma_start3A_289 = tpu.memref_squeeze %dma_start3A_288 : memref<1x1x128xi32, #tpu.memory_space<vmem>> -> memref<128xi32, #tpu.memory_space<vmem>>
        %dma_start3A_290 = arith.constant 0 : i32
        %dma_start3A_291 = arith.constant 0 : i32
        %dma_start3A_292 = tpu.memref_slice %arg6[%dma_start3A_290, %dma_start3A_291] : memref<11024x128xf32, #tpu.memory_space<vmem_shared>> -> memref<11024x128xf32, #tpu.memory_space<vmem_shared>>
        tpu.enqueue_indirect_dma source(%arg10 : memref<128x128xf32, #tpu.memory_space<vmem>>) target(%dma_start3A_292 : memref<11024x128xf32, #tpu.memory_space<vmem_shared>>) offsets(%dma_start3A_289 : memref<128xi32, #tpu.memory_space<vmem>>) semaphore(%run_scoped3A_286 : memref<!tpu.dma_semaphore, #tpu.memory_space<semaphore_mem>>) {add = true}
        %dma_wait3A_293 = arith.constant 0 : i32
        %dma_wait3A_294 = tpu.memref_slice %arg8[%select_n3A_166, %run_scoped3A_219, %dma_wait3A_293] : memref<2x8x128xi32, #tpu.memory_space<vmem>> -> memref<1x1x128xi32, #tpu.memory_space<vmem>>
        %dma_wait3A_295 = tpu.memref_squeeze %dma_wait3A_294 : memref<1x1x128xi32, #tpu.memory_space<vmem>> -> memref<128xi32, #tpu.memory_space<vmem>>
        %dma_wait3A_296 = arith.constant 0 : i32
        %dma_wait3A_297 = arith.constant 0 : i32
        %dma_wait3A_298 = tpu.memref_slice %arg6[%dma_wait3A_296, %dma_wait3A_297] : memref<11024x128xf32, #tpu.memory_space<vmem_shared>> -> memref<11024x128xf32, #tpu.memory_space<vmem_shared>>
        tpu.wait_indirect_dma semaphore(%run_scoped3A_286 : memref<!tpu.dma_semaphore, #tpu.memory_space<semaphore_mem>>) src(%arg10 : memref<128x128xf32, #tpu.memory_space<vmem>>) dst(%dma_wait3A_298 : memref<11024x128xf32, #tpu.memory_space<vmem_shared>>)
        tpu.yield
      }) : () -> ()
      %dma_start3A_220 = arith.constant 5 : i32
      %dma_start3A_221 = arith.constant 0 : i32
      %dma_start3A_222 = tpu.memref_slice %arg7[%select_n3A_166, %dma_start3A_220, %dma_start3A_221] : memref<2x8x128xi32, #tpu.memory_space<vmem>> -> memref<1x1x128xi32, #tpu.memory_space<vmem>>
      %dma_start3A_223 = tpu.memref_squeeze %dma_start3A_222 : memref<1x1x128xi32, #tpu.memory_space<vmem>> -> memref<128xi32, #tpu.memory_space<vmem>>
      %dma_start3A_224 = arith.constant 0 : i32
      %dma_start3A_225 = arith.constant 0 : i32
      %dma_start3A_226 = tpu.memref_slice %arg2[%dma_start3A_224, %dma_start3A_225] : memref<10000x128xf32, #tpu.memory_space<hbm>> -> memref<10000x128xf32, #tpu.memory_space<hbm>>
      tpu.enqueue_indirect_dma source(%dma_start3A_226 : memref<10000x128xf32, #tpu.memory_space<hbm>>) target(%arg10 : memref<128x128xf32, #tpu.memory_space<vmem>>) offsets(%dma_start3A_223 : memref<128xi32, #tpu.memory_space<vmem>>) semaphore(%arg13 : memref<!tpu.dma_semaphore, #tpu.memory_space<semaphore_mem>>)
      %dma_wait3A_227 = arith.constant 4 : i32
      %dma_wait3A_228 = arith.constant 0 : i32
      %dma_wait3A_229 = tpu.memref_slice %arg7[%select_n3A_166, %dma_wait3A_227, %dma_wait3A_228] : memref<2x8x128xi32, #tpu.memory_space<vmem>> -> memref<1x1x128xi32, #tpu.memory_space<vmem>>
      %dma_wait3A_230 = tpu.memref_squeeze %dma_wait3A_229 : memref<1x1x128xi32, #tpu.memory_space<vmem>> -> memref<128xi32, #tpu.memory_space<vmem>>
      %dma_wait3A_231 = arith.constant 0 : i32
      %dma_wait3A_232 = arith.constant 0 : i32
      %dma_wait3A_233 = tpu.memref_slice %arg2[%dma_wait3A_231, %dma_wait3A_232] : memref<10000x128xf32, #tpu.memory_space<hbm>> -> memref<10000x128xf32, #tpu.memory_space<hbm>>
      tpu.wait_indirect_dma semaphore(%arg12 : memref<!tpu.dma_semaphore, #tpu.memory_space<semaphore_mem>>) src(%dma_wait3A_233 : memref<10000x128xf32, #tpu.memory_space<hbm>>) dst(%arg9 : memref<128x128xf32, #tpu.memory_space<vmem>>)
      %run_scoped3A_234 = arith.constant 4 : i32
      "tpu.region"() ({
        %run_scoped3A_286 = tpu.sem_alloc : memref<!tpu.dma_semaphore, #tpu.memory_space<semaphore_mem>>
        %dma_start3A_287 = arith.constant 0 : i32
        %dma_start3A_288 = tpu.memref_slice %arg8[%select_n3A_166, %run_scoped3A_234, %dma_start3A_287] : memref<2x8x128xi32, #tpu.memory_space<vmem>> -> memref<1x1x128xi32, #tpu.memory_space<vmem>>
        %dma_start3A_289 = tpu.memref_squeeze %dma_start3A_288 : memref<1x1x128xi32, #tpu.memory_space<vmem>> -> memref<128xi32, #tpu.memory_space<vmem>>
        %dma_start3A_290 = arith.constant 0 : i32
        %dma_start3A_291 = arith.constant 0 : i32
        %dma_start3A_292 = tpu.memref_slice %arg6[%dma_start3A_290, %dma_start3A_291] : memref<11024x128xf32, #tpu.memory_space<vmem_shared>> -> memref<11024x128xf32, #tpu.memory_space<vmem_shared>>
        tpu.enqueue_indirect_dma source(%arg9 : memref<128x128xf32, #tpu.memory_space<vmem>>) target(%dma_start3A_292 : memref<11024x128xf32, #tpu.memory_space<vmem_shared>>) offsets(%dma_start3A_289 : memref<128xi32, #tpu.memory_space<vmem>>) semaphore(%run_scoped3A_286 : memref<!tpu.dma_semaphore, #tpu.memory_space<semaphore_mem>>) {add = true}
        %dma_wait3A_293 = arith.constant 0 : i32
        %dma_wait3A_294 = tpu.memref_slice %arg8[%select_n3A_166, %run_scoped3A_234, %dma_wait3A_293] : memref<2x8x128xi32, #tpu.memory_space<vmem>> -> memref<1x1x128xi32, #tpu.memory_space<vmem>>
        %dma_wait3A_295 = tpu.memref_squeeze %dma_wait3A_294 : memref<1x1x128xi32, #tpu.memory_space<vmem>> -> memref<128xi32, #tpu.memory_space<vmem>>
        %dma_wait3A_296 = arith.constant 0 : i32
        %dma_wait3A_297 = arith.constant 0 : i32
        %dma_wait3A_298 = tpu.memref_slice %arg6[%dma_wait3A_296, %dma_wait3A_297] : memref<11024x128xf32, #tpu.memory_space<vmem_shared>> -> memref<11024x128xf32, #tpu.memory_space<vmem_shared>>
        tpu.wait_indirect_dma semaphore(%run_scoped3A_286 : memref<!tpu.dma_semaphore, #tpu.memory_space<semaphore_mem>>) src(%arg9 : memref<128x128xf32, #tpu.memory_space<vmem>>) dst(%dma_wait3A_298 : memref<11024x128xf32, #tpu.memory_space<vmem_shared>>)
        tpu.yield
      }) : () -> ()
      %dma_start3A_235 = arith.constant 6 : i32
      %dma_start3A_236 = arith.constant 0 : i32
      %dma_start3A_237 = tpu.memref_slice %arg7[%select_n3A_166, %dma_start3A_235, %dma_start3A_236] : memref<2x8x128xi32, #tpu.memory_space<vmem>> -> memref<1x1x128xi32, #tpu.memory_space<vmem>>
      %dma_start3A_238 = tpu.memref_squeeze %dma_start3A_237 : memref<1x1x128xi32, #tpu.memory_space<vmem>> -> memref<128xi32, #tpu.memory_space<vmem>>
      %dma_start3A_239 = arith.constant 0 : i32
      %dma_start3A_240 = arith.constant 0 : i32
      %dma_start3A_241 = tpu.memref_slice %arg2[%dma_start3A_239, %dma_start3A_240] : memref<10000x128xf32, #tpu.memory_space<hbm>> -> memref<10000x128xf32, #tpu.memory_space<hbm>>
      tpu.enqueue_indirect_dma source(%dma_start3A_241 : memref<10000x128xf32, #tpu.memory_space<hbm>>) target(%arg9 : memref<128x128xf32, #tpu.memory_space<vmem>>) offsets(%dma_start3A_238 : memref<128xi32, #tpu.memory_space<vmem>>) semaphore(%arg12 : memref<!tpu.dma_semaphore, #tpu.memory_space<semaphore_mem>>)
      %dma_wait3A_242 = arith.constant 5 : i32
      %dma_wait3A_243 = arith.constant 0 : i32
      %dma_wait3A_244 = tpu.memref_slice %arg7[%select_n3A_166, %dma_wait3A_242, %dma_wait3A_243] : memref<2x8x128xi32, #tpu.memory_space<vmem>> -> memref<1x1x128xi32, #tpu.memory_space<vmem>>
      %dma_wait3A_245 = tpu.memref_squeeze %dma_wait3A_244 : memref<1x1x128xi32, #tpu.memory_space<vmem>> -> memref<128xi32, #tpu.memory_space<vmem>>
      %dma_wait3A_246 = arith.constant 0 : i32
      %dma_wait3A_247 = arith.constant 0 : i32
      %dma_wait3A_248 = tpu.memref_slice %arg2[%dma_wait3A_246, %dma_wait3A_247] : memref<10000x128xf32, #tpu.memory_space<hbm>> -> memref<10000x128xf32, #tpu.memory_space<hbm>>
      tpu.wait_indirect_dma semaphore(%arg13 : memref<!tpu.dma_semaphore, #tpu.memory_space<semaphore_mem>>) src(%dma_wait3A_248 : memref<10000x128xf32, #tpu.memory_space<hbm>>) dst(%arg10 : memref<128x128xf32, #tpu.memory_space<vmem>>)
      %run_scoped3A_249 = arith.constant 5 : i32
      "tpu.region"() ({
        %run_scoped3A_286 = tpu.sem_alloc : memref<!tpu.dma_semaphore, #tpu.memory_space<semaphore_mem>>
        %dma_start3A_287 = arith.constant 0 : i32
        %dma_start3A_288 = tpu.memref_slice %arg8[%select_n3A_166, %run_scoped3A_249, %dma_start3A_287] : memref<2x8x128xi32, #tpu.memory_space<vmem>> -> memref<1x1x128xi32, #tpu.memory_space<vmem>>
        %dma_start3A_289 = tpu.memref_squeeze %dma_start3A_288 : memref<1x1x128xi32, #tpu.memory_space<vmem>> -> memref<128xi32, #tpu.memory_space<vmem>>
        %dma_start3A_290 = arith.constant 0 : i32
        %dma_start3A_291 = arith.constant 0 : i32
        %dma_start3A_292 = tpu.memref_slice %arg6[%dma_start3A_290, %dma_start3A_291] : memref<11024x128xf32, #tpu.memory_space<vmem_shared>> -> memref<11024x128xf32, #tpu.memory_space<vmem_shared>>
        tpu.enqueue_indirect_dma source(%arg10 : memref<128x128xf32, #tpu.memory_space<vmem>>) target(%dma_start3A_292 : memref<11024x128xf32, #tpu.memory_space<vmem_shared>>) offsets(%dma_start3A_289 : memref<128xi32, #tpu.memory_space<vmem>>) semaphore(%run_scoped3A_286 : memref<!tpu.dma_semaphore, #tpu.memory_space<semaphore_mem>>) {add = true}
        %dma_wait3A_293 = arith.constant 0 : i32
        %dma_wait3A_294 = tpu.memref_slice %arg8[%select_n3A_166, %run_scoped3A_249, %dma_wait3A_293] : memref<2x8x128xi32, #tpu.memory_space<vmem>> -> memref<1x1x128xi32, #tpu.memory_space<vmem>>
        %dma_wait3A_295 = tpu.memref_squeeze %dma_wait3A_294 : memref<1x1x128xi32, #tpu.memory_space<vmem>> -> memref<128xi32, #tpu.memory_space<vmem>>
        %dma_wait3A_296 = arith.constant 0 : i32
        %dma_wait3A_297 = arith.constant 0 : i32
        %dma_wait3A_298 = tpu.memref_slice %arg6[%dma_wait3A_296, %dma_wait3A_297] : memref<11024x128xf32, #tpu.memory_space<vmem_shared>> -> memref<11024x128xf32, #tpu.memory_space<vmem_shared>>
        tpu.wait_indirect_dma semaphore(%run_scoped3A_286 : memref<!tpu.dma_semaphore, #tpu.memory_space<semaphore_mem>>) src(%arg10 : memref<128x128xf32, #tpu.memory_space<vmem>>) dst(%dma_wait3A_298 : memref<11024x128xf32, #tpu.memory_space<vmem_shared>>)
        tpu.yield
      }) : () -> ()
      %dma_start3A_250 = arith.constant 7 : i32
      %dma_start3A_251 = arith.constant 0 : i32
      %dma_start3A_252 = tpu.memref_slice %arg7[%select_n3A_166, %dma_start3A_250, %dma_start3A_251] : memref<2x8x128xi32, #tpu.memory_space<vmem>> -> memref<1x1x128xi32, #tpu.memory_space<vmem>>
      %dma_start3A_253 = tpu.memref_squeeze %dma_start3A_252 : memref<1x1x128xi32, #tpu.memory_space<vmem>> -> memref<128xi32, #tpu.memory_space<vmem>>
      %dma_start3A_254 = arith.constant 0 : i32
      %dma_start3A_255 = arith.constant 0 : i32
      %dma_start3A_256 = tpu.memref_slice %arg2[%dma_start3A_254, %dma_start3A_255] : memref<10000x128xf32, #tpu.memory_space<hbm>> -> memref<10000x128xf32, #tpu.memory_space<hbm>>
      tpu.enqueue_indirect_dma source(%dma_start3A_256 : memref<10000x128xf32, #tpu.memory_space<hbm>>) target(%arg10 : memref<128x128xf32, #tpu.memory_space<vmem>>) offsets(%dma_start3A_253 : memref<128xi32, #tpu.memory_space<vmem>>) semaphore(%arg13 : memref<!tpu.dma_semaphore, #tpu.memory_space<semaphore_mem>>)
      %dma_wait3A_257 = arith.constant 6 : i32
      %dma_wait3A_258 = arith.constant 0 : i32
      %dma_wait3A_259 = tpu.memref_slice %arg7[%select_n3A_166, %dma_wait3A_257, %dma_wait3A_258] : memref<2x8x128xi32, #tpu.memory_space<vmem>> -> memref<1x1x128xi32, #tpu.memory_space<vmem>>
      %dma_wait3A_260 = tpu.memref_squeeze %dma_wait3A_259 : memref<1x1x128xi32, #tpu.memory_space<vmem>> -> memref<128xi32, #tpu.memory_space<vmem>>
      %dma_wait3A_261 = arith.constant 0 : i32
      %dma_wait3A_262 = arith.constant 0 : i32
      %dma_wait3A_263 = tpu.memref_slice %arg2[%dma_wait3A_261, %dma_wait3A_262] : memref<10000x128xf32, #tpu.memory_space<hbm>> -> memref<10000x128xf32, #tpu.memory_space<hbm>>
      tpu.wait_indirect_dma semaphore(%arg12 : memref<!tpu.dma_semaphore, #tpu.memory_space<semaphore_mem>>) src(%dma_wait3A_263 : memref<10000x128xf32, #tpu.memory_space<hbm>>) dst(%arg9 : memref<128x128xf32, #tpu.memory_space<vmem>>)
      %run_scoped3A_264 = arith.constant 6 : i32
      "tpu.region"() ({
        %run_scoped3A_286 = tpu.sem_alloc : memref<!tpu.dma_semaphore, #tpu.memory_space<semaphore_mem>>
        %dma_start3A_287 = arith.constant 0 : i32
        %dma_start3A_288 = tpu.memref_slice %arg8[%select_n3A_166, %run_scoped3A_264, %dma_start3A_287] : memref<2x8x128xi32, #tpu.memory_space<vmem>> -> memref<1x1x128xi32, #tpu.memory_space<vmem>>
        %dma_start3A_289 = tpu.memref_squeeze %dma_start3A_288 : memref<1x1x128xi32, #tpu.memory_space<vmem>> -> memref<128xi32, #tpu.memory_space<vmem>>
        %dma_start3A_290 = arith.constant 0 : i32
        %dma_start3A_291 = arith.constant 0 : i32
        %dma_start3A_292 = tpu.memref_slice %arg6[%dma_start3A_290, %dma_start3A_291] : memref<11024x128xf32, #tpu.memory_space<vmem_shared>> -> memref<11024x128xf32, #tpu.memory_space<vmem_shared>>
        tpu.enqueue_indirect_dma source(%arg9 : memref<128x128xf32, #tpu.memory_space<vmem>>) target(%dma_start3A_292 : memref<11024x128xf32, #tpu.memory_space<vmem_shared>>) offsets(%dma_start3A_289 : memref<128xi32, #tpu.memory_space<vmem>>) semaphore(%run_scoped3A_286 : memref<!tpu.dma_semaphore, #tpu.memory_space<semaphore_mem>>) {add = true}
        %dma_wait3A_293 = arith.constant 0 : i32
        %dma_wait3A_294 = tpu.memref_slice %arg8[%select_n3A_166, %run_scoped3A_264, %dma_wait3A_293] : memref<2x8x128xi32, #tpu.memory_space<vmem>> -> memref<1x1x128xi32, #tpu.memory_space<vmem>>
        %dma_wait3A_295 = tpu.memref_squeeze %dma_wait3A_294 : memref<1x1x128xi32, #tpu.memory_space<vmem>> -> memref<128xi32, #tpu.memory_space<vmem>>
        %dma_wait3A_296 = arith.constant 0 : i32
        %dma_wait3A_297 = arith.constant 0 : i32
        %dma_wait3A_298 = tpu.memref_slice %arg6[%dma_wait3A_296, %dma_wait3A_297] : memref<11024x128xf32, #tpu.memory_space<vmem_shared>> -> memref<11024x128xf32, #tpu.memory_space<vmem_shared>>
        tpu.wait_indirect_dma semaphore(%run_scoped3A_286 : memref<!tpu.dma_semaphore, #tpu.memory_space<semaphore_mem>>) src(%arg9 : memref<128x128xf32, #tpu.memory_space<vmem>>) dst(%dma_wait3A_298 : memref<11024x128xf32, #tpu.memory_space<vmem_shared>>)
        tpu.yield
      }) : () -> ()
      %lt3A_265 = arith.constant 9 : i32
      %lt3A_266 = arith.cmpi slt, %add3A_157, %lt3A_265 : i32
      %convert_element_type3A = arith.extui %lt3A_266 : i1 to i32
      %cond3A = arith.constant 0 : i32
      %cond3A_267 = arith.cmpi ne, %convert_element_type3A, %cond3A : i32
      scf.if %cond3A_267 {
        %dma_wait3A_286 = arith.constant 0 : i32
        %dma_wait3A_287 = arith.constant 0 : i32
        %dma_wait3A_288 = arith.constant 0 : i32
        %dma_wait3A_289 = arith.constant 0 : i32
        %dma_wait3A_290 = tpu.memref_slice %arg7[%dma_wait3A_287, %dma_wait3A_288, %dma_wait3A_289] : memref<2x8x128xi32, #tpu.memory_space<vmem>> -> memref<1x8x128xi32, #tpu.memory_space<vmem>>
        %dma_wait3A_291 = tpu.memref_squeeze %dma_wait3A_290 : memref<1x8x128xi32, #tpu.memory_space<vmem>> -> memref<8x128xi32, #tpu.memory_space<vmem>>
        %dma_wait3A_292 = arith.constant 0 : i32
        %dma_wait3A_293 = arith.constant 0 : i32
        %dma_wait3A_294 = tpu.memref_slice %arg3[%add3A, %dma_wait3A_286, %dma_wait3A_292, %dma_wait3A_293] : memref<32x10x8x128xi32, #tpu.memory_space<hbm>> -> memref<1x1x8x128xi32, #tpu.memory_space<hbm>>
        %dma_wait3A_295 = tpu.memref_squeeze %dma_wait3A_294 : memref<1x1x8x128xi32, #tpu.memory_space<hbm>> -> memref<8x128xi32, #tpu.memory_space<hbm>>
        %dma_wait3A_296 = arith.constant 0 : i32
        %dma_wait3A_297 = arith.constant 0 : i32
        %dma_wait3A_298 = tpu.memref_slice %arg7[%dma_wait3A_287, %dma_wait3A_296, %dma_wait3A_297] : memref<2x8x128xi32, #tpu.memory_space<vmem>> -> memref<1x8x128xi32, #tpu.memory_space<vmem>>
        %dma_wait3A_299 = tpu.memref_squeeze %dma_wait3A_298 : memref<1x8x128xi32, #tpu.memory_space<vmem>> -> memref<8x128xi32, #tpu.memory_space<vmem>>
        %dma_wait3A_300 = arith.constant 0 : i32
        %dma_wait3A_301 = arith.constant 0 : i32
        %dma_wait3A_302 = tpu.memref_slice %arg3[%add3A, %dma_wait3A_286, %dma_wait3A_300, %dma_wait3A_301] : memref<32x10x8x128xi32, #tpu.memory_space<hbm>> -> memref<1x1x8x128xi32, #tpu.memory_space<hbm>>
        %dma_wait3A_303 = tpu.memref_squeeze %dma_wait3A_302 : memref<1x1x8x128xi32, #tpu.memory_space<hbm>> -> memref<8x128xi32, #tpu.memory_space<hbm>>
        tpu.wait_dma2 semaphore(%arg11 : memref<!tpu.dma_semaphore, #tpu.memory_space<semaphore_mem>>) src(%dma_wait3A_303 : memref<8x128xi32, #tpu.memory_space<hbm>>) dst(%dma_wait3A_299 : memref<8x128xi32, #tpu.memory_space<vmem>>)
        %dma_wait3A_304 = arith.constant 0 : i32
        %dma_wait3A_305 = arith.constant 0 : i32
        %dma_wait3A_306 = arith.constant 0 : i32
        %dma_wait3A_307 = arith.constant 0 : i32
        %dma_wait3A_308 = tpu.memref_slice %arg8[%dma_wait3A_305, %dma_wait3A_306, %dma_wait3A_307] : memref<2x8x128xi32, #tpu.memory_space<vmem>> -> memref<1x8x128xi32, #tpu.memory_space<vmem>>
        %dma_wait3A_309 = tpu.memref_squeeze %dma_wait3A_308 : memref<1x8x128xi32, #tpu.memory_space<vmem>> -> memref<8x128xi32, #tpu.memory_space<vmem>>
        %dma_wait3A_310 = arith.constant 0 : i32
        %dma_wait3A_311 = arith.constant 0 : i32
        %dma_wait3A_312 = tpu.memref_slice %arg4[%add3A, %dma_wait3A_304, %dma_wait3A_310, %dma_wait3A_311] : memref<32x10x8x128xi32, #tpu.memory_space<hbm>> -> memref<1x1x8x128xi32, #tpu.memory_space<hbm>>
        %dma_wait3A_313 = tpu.memref_squeeze %dma_wait3A_312 : memref<1x1x8x128xi32, #tpu.memory_space<hbm>> -> memref<8x128xi32, #tpu.memory_space<hbm>>
        %dma_wait3A_314 = arith.constant 0 : i32
        %dma_wait3A_315 = arith.constant 0 : i32
        %dma_wait3A_316 = tpu.memref_slice %arg8[%dma_wait3A_305, %dma_wait3A_314, %dma_wait3A_315] : memref<2x8x128xi32, #tpu.memory_space<vmem>> -> memref<1x8x128xi32, #tpu.memory_space<vmem>>
        %dma_wait3A_317 = tpu.memref_squeeze %dma_wait3A_316 : memref<1x8x128xi32, #tpu.memory_space<vmem>> -> memref<8x128xi32, #tpu.memory_space<vmem>>
        %dma_wait3A_318 = arith.constant 0 : i32
        %dma_wait3A_319 = arith.constant 0 : i32
        %dma_wait3A_320 = tpu.memref_slice %arg4[%add3A, %dma_wait3A_304, %dma_wait3A_318, %dma_wait3A_319] : memref<32x10x8x128xi32, #tpu.memory_space<hbm>> -> memref<1x1x8x128xi32, #tpu.memory_space<hbm>>
        %dma_wait3A_321 = tpu.memref_squeeze %dma_wait3A_320 : memref<1x1x8x128xi32, #tpu.memory_space<hbm>> -> memref<8x128xi32, #tpu.memory_space<hbm>>
        tpu.wait_dma2 semaphore(%arg11 : memref<!tpu.dma_semaphore, #tpu.memory_space<semaphore_mem>>) src(%dma_wait3A_321 : memref<8x128xi32, #tpu.memory_space<hbm>>) dst(%dma_wait3A_317 : memref<8x128xi32, #tpu.memory_space<vmem>>)
        %dma_start3A_322 = arith.constant 0 : i32
        %dma_start3A_323 = arith.constant 0 : i32
        %dma_start3A_324 = tpu.memref_slice %arg7[%sub3A_167, %dma_start3A_322, %dma_start3A_323] : memref<2x8x128xi32, #tpu.memory_space<vmem>> -> memref<1x1x128xi32, #tpu.memory_space<vmem>>
        %dma_start3A_325 = tpu.memref_squeeze %dma_start3A_324 : memref<1x1x128xi32, #tpu.memory_space<vmem>> -> memref<128xi32, #tpu.memory_space<vmem>>
        %dma_start3A_326 = arith.constant 0 : i32
        %dma_start3A_327 = arith.constant 0 : i32
        %dma_start3A_328 = tpu.memref_slice %arg2[%dma_start3A_326, %dma_start3A_327] : memref<10000x128xf32, #tpu.memory_space<hbm>> -> memref<10000x128xf32, #tpu.memory_space<hbm>>
        tpu.enqueue_indirect_dma source(%dma_start3A_328 : memref<10000x128xf32, #tpu.memory_space<hbm>>) target(%arg9 : memref<128x128xf32, #tpu.memory_space<vmem>>) offsets(%dma_start3A_325 : memref<128xi32, #tpu.memory_space<vmem>>) semaphore(%arg12 : memref<!tpu.dma_semaphore, #tpu.memory_space<semaphore_mem>>)
      } else {
      }
      %dma_wait3A_268 = arith.constant 7 : i32
      %dma_wait3A_269 = arith.constant 0 : i32
      %dma_wait3A_270 = tpu.memref_slice %arg7[%select_n3A_166, %dma_wait3A_268, %dma_wait3A_269] : memref<2x8x128xi32, #tpu.memory_space<vmem>> -> memref<1x1x128xi32, #tpu.memory_space<vmem>>
      %dma_wait3A_271 = tpu.memref_squeeze %dma_wait3A_270 : memref<1x1x128xi32, #tpu.memory_space<vmem>> -> memref<128xi32, #tpu.memory_space<vmem>>
      %dma_wait3A_272 = arith.constant 0 : i32
      %dma_wait3A_273 = arith.constant 0 : i32
      %dma_wait3A_274 = tpu.memref_slice %arg2[%dma_wait3A_272, %dma_wait3A_273] : memref<10000x128xf32, #tpu.memory_space<hbm>> -> memref<10000x128xf32, #tpu.memory_space<hbm>>
      tpu.wait_indirect_dma semaphore(%arg13 : memref<!tpu.dma_semaphore, #tpu.memory_space<semaphore_mem>>) src(%dma_wait3A_274 : memref<10000x128xf32, #tpu.memory_space<hbm>>) dst(%arg10 : memref<128x128xf32, #tpu.memory_space<vmem>>)
      %run_scoped3A_275 = arith.constant 7 : i32
      "tpu.region"() ({
        %run_scoped3A_286 = tpu.sem_alloc : memref<!tpu.dma_semaphore, #tpu.memory_space<semaphore_mem>>
        %dma_start3A_287 = arith.constant 0 : i32
        %dma_start3A_288 = tpu.memref_slice %arg8[%select_n3A_166, %run_scoped3A_275, %dma_start3A_287] : memref<2x8x128xi32, #tpu.memory_space<vmem>> -> memref<1x1x128xi32, #tpu.memory_space<vmem>>
        %dma_start3A_289 = tpu.memref_squeeze %dma_start3A_288 : memref<1x1x128xi32, #tpu.memory_space<vmem>> -> memref<128xi32, #tpu.memory_space<vmem>>
        %dma_start3A_290 = arith.constant 0 : i32
        %dma_start3A_291 = arith.constant 0 : i32
        %dma_start3A_292 = tpu.memref_slice %arg6[%dma_start3A_290, %dma_start3A_291] : memref<11024x128xf32, #tpu.memory_space<vmem_shared>> -> memref<11024x128xf32, #tpu.memory_space<vmem_shared>>
        tpu.enqueue_indirect_dma source(%arg10 : memref<128x128xf32, #tpu.memory_space<vmem>>) target(%dma_start3A_292 : memref<11024x128xf32, #tpu.memory_space<vmem_shared>>) offsets(%dma_start3A_289 : memref<128xi32, #tpu.memory_space<vmem>>) semaphore(%run_scoped3A_286 : memref<!tpu.dma_semaphore, #tpu.memory_space<semaphore_mem>>) {add = true}
        %dma_wait3A_293 = arith.constant 0 : i32
        %dma_wait3A_294 = tpu.memref_slice %arg8[%select_n3A_166, %run_scoped3A_275, %dma_wait3A_293] : memref<2x8x128xi32, #tpu.memory_space<vmem>> -> memref<1x1x128xi32, #tpu.memory_space<vmem>>
        %dma_wait3A_295 = tpu.memref_squeeze %dma_wait3A_294 : memref<1x1x128xi32, #tpu.memory_space<vmem>> -> memref<128xi32, #tpu.memory_space<vmem>>
        %dma_wait3A_296 = arith.constant 0 : i32
        %dma_wait3A_297 = arith.constant 0 : i32
        %dma_wait3A_298 = tpu.memref_slice %arg6[%dma_wait3A_296, %dma_wait3A_297] : memref<11024x128xf32, #tpu.memory_space<vmem_shared>> -> memref<11024x128xf32, #tpu.memory_space<vmem_shared>>
        tpu.wait_indirect_dma semaphore(%run_scoped3A_286 : memref<!tpu.dma_semaphore, #tpu.memory_space<semaphore_mem>>) src(%arg10 : memref<128x128xf32, #tpu.memory_space<vmem>>) dst(%dma_wait3A_298 : memref<11024x128xf32, #tpu.memory_space<vmem_shared>>)
        tpu.yield
      }) : () -> ()
      %lt3A_276 = arith.constant 9 : i32
      %lt3A_277 = arith.cmpi slt, %add3A_157, %lt3A_276 : i32
      %convert_element_type3A_278 = arith.extui %lt3A_277 : i1 to i32
      %cond3A_279 = arith.constant 0 : i32
      %cond3A_280 = arith.cmpi ne, %convert_element_type3A_278, %cond3A_279 : i32
      scf.if %cond3A_280 {
        %dma_start3A_286 = arith.constant 1 : i32
        %dma_start3A_287 = arith.constant 0 : i32
        %dma_start3A_288 = tpu.memref_slice %arg7[%sub3A_167, %dma_start3A_286, %dma_start3A_287] : memref<2x8x128xi32, #tpu.memory_space<vmem>> -> memref<1x1x128xi32, #tpu.memory_space<vmem>>
        %dma_start3A_289 = tpu.memref_squeeze %dma_start3A_288 : memref<1x1x128xi32, #tpu.memory_space<vmem>> -> memref<128xi32, #tpu.memory_space<vmem>>
        %dma_start3A_290 = arith.constant 0 : i32
        %dma_start3A_291 = arith.constant 0 : i32
        %dma_start3A_292 = tpu.memref_slice %arg2[%dma_start3A_290, %dma_start3A_291] : memref<10000x128xf32, #tpu.memory_space<hbm>> -> memref<10000x128xf32, #tpu.memory_space<hbm>>
        tpu.enqueue_indirect_dma source(%dma_start3A_292 : memref<10000x128xf32, #tpu.memory_space<hbm>>) target(%arg10 : memref<128x128xf32, #tpu.memory_space<vmem>>) offsets(%dma_start3A_289 : memref<128xi32, #tpu.memory_space<vmem>>) semaphore(%arg13 : memref<!tpu.dma_semaphore, #tpu.memory_space<semaphore_mem>>)
      } else {
      }
      %lt3A_281 = arith.constant 8 : i32
      %lt3A_282 = arith.cmpi slt, %add3A_157, %lt3A_281 : i32
      %convert_element_type3A_283 = arith.extui %lt3A_282 : i1 to i32
      %cond3A_284 = arith.constant 0 : i32
      %cond3A_285 = arith.cmpi ne, %convert_element_type3A_283, %cond3A_284 : i32
      scf.if %cond3A_285 {
        %add3A_286 = arith.constant 2 : i32
        %add3A_287 = arith.addi %add3A_157, %add3A_286 : i32
        %dma_start3A_288 = arith.constant 0 : i32
        %dma_start3A_289 = arith.constant 0 : i32
        %dma_start3A_290 = tpu.memref_slice %arg7[%select_n3A_166, %dma_start3A_288, %dma_start3A_289] : memref<2x8x128xi32, #tpu.memory_space<vmem>> -> memref<1x8x128xi32, #tpu.memory_space<vmem>>
        %dma_start3A_291 = tpu.memref_squeeze %dma_start3A_290 : memref<1x8x128xi32, #tpu.memory_space<vmem>> -> memref<8x128xi32, #tpu.memory_space<vmem>>
        %dma_start3A_292 = arith.constant 0 : i32
        %dma_start3A_293 = arith.constant 0 : i32
        %dma_start3A_294 = tpu.memref_slice %arg3[%add3A, %add3A_287, %dma_start3A_292, %dma_start3A_293] : memref<32x10x8x128xi32, #tpu.memory_space<hbm>> -> memref<1x1x8x128xi32, #tpu.memory_space<hbm>>
        %dma_start3A_295 = tpu.memref_squeeze %dma_start3A_294 : memref<1x1x8x128xi32, #tpu.memory_space<hbm>> -> memref<8x128xi32, #tpu.memory_space<hbm>>
        %dma_start3A_296 = arith.constant 0 : i32
        %dma_start3A_297 = arith.constant 0 : i32
        %dma_start3A_298 = tpu.memref_slice %arg7[%select_n3A_166, %dma_start3A_296, %dma_start3A_297] : memref<2x8x128xi32, #tpu.memory_space<vmem>> -> memref<1x8x128xi32, #tpu.memory_space<vmem>>
        %dma_start3A_299 = tpu.memref_squeeze %dma_start3A_298 : memref<1x8x128xi32, #tpu.memory_space<vmem>> -> memref<8x128xi32, #tpu.memory_space<vmem>>
        %dma_start3A_300 = arith.constant 0 : i32
        %dma_start3A_301 = arith.constant 0 : i32
        %dma_start3A_302 = tpu.memref_slice %arg3[%add3A, %add3A_287, %dma_start3A_300, %dma_start3A_301] : memref<32x10x8x128xi32, #tpu.memory_space<hbm>> -> memref<1x1x8x128xi32, #tpu.memory_space<hbm>>
        %dma_start3A_303 = tpu.memref_squeeze %dma_start3A_302 : memref<1x1x8x128xi32, #tpu.memory_space<hbm>> -> memref<8x128xi32, #tpu.memory_space<hbm>>
        tpu.enqueue_dma source(%dma_start3A_303 : memref<8x128xi32, #tpu.memory_space<hbm>>) target(%dma_start3A_299 : memref<8x128xi32, #tpu.memory_space<vmem>>) target_semaphore(%arg11 : memref<!tpu.dma_semaphore, #tpu.memory_space<semaphore_mem>>)
        %add3A_304 = arith.constant 2 : i32
        %add3A_305 = arith.addi %add3A_157, %add3A_304 : i32
        %dma_start3A_306 = arith.constant 0 : i32
        %dma_start3A_307 = arith.constant 0 : i32
        %dma_start3A_308 = tpu.memref_slice %arg8[%select_n3A_166, %dma_start3A_306, %dma_start3A_307] : memref<2x8x128xi32, #tpu.memory_space<vmem>> -> memref<1x8x128xi32, #tpu.memory_space<vmem>>
        %dma_start3A_309 = tpu.memref_squeeze %dma_start3A_308 : memref<1x8x128xi32, #tpu.memory_space<vmem>> -> memref<8x128xi32, #tpu.memory_space<vmem>>
        %dma_start3A_310 = arith.constant 0 : i32
        %dma_start3A_311 = arith.constant 0 : i32
        %dma_start3A_312 = tpu.memref_slice %arg4[%add3A, %add3A_305, %dma_start3A_310, %dma_start3A_311] : memref<32x10x8x128xi32, #tpu.memory_space<hbm>> -> memref<1x1x8x128xi32, #tpu.memory_space<hbm>>
        %dma_start3A_313 = tpu.memref_squeeze %dma_start3A_312 : memref<1x1x8x128xi32, #tpu.memory_space<hbm>> -> memref<8x128xi32, #tpu.memory_space<hbm>>
        %dma_start3A_314 = arith.constant 0 : i32
        %dma_start3A_315 = arith.constant 0 : i32
        %dma_start3A_316 = tpu.memref_slice %arg8[%select_n3A_166, %dma_start3A_314, %dma_start3A_315] : memref<2x8x128xi32, #tpu.memory_space<vmem>> -> memref<1x8x128xi32, #tpu.memory_space<vmem>>
        %dma_start3A_317 = tpu.memref_squeeze %dma_start3A_316 : memref<1x8x128xi32, #tpu.memory_space<vmem>> -> memref<8x128xi32, #tpu.memory_space<vmem>>
        %dma_start3A_318 = arith.constant 0 : i32
        %dma_start3A_319 = arith.constant 0 : i32
        %dma_start3A_320 = tpu.memref_slice %arg4[%add3A, %add3A_305, %dma_start3A_318, %dma_start3A_319] : memref<32x10x8x128xi32, #tpu.memory_space<hbm>> -> memref<1x1x8x128xi32, #tpu.memory_space<hbm>>
        %dma_start3A_321 = tpu.memref_squeeze %dma_start3A_320 : memref<1x1x8x128xi32, #tpu.memory_space<hbm>> -> memref<8x128xi32, #tpu.memory_space<hbm>>
        tpu.enqueue_dma source(%dma_start3A_321 : memref<8x128xi32, #tpu.memory_space<hbm>>) target(%dma_start3A_317 : memref<8x128xi32, #tpu.memory_space<vmem>>) target_semaphore(%arg11 : memref<!tpu.dma_semaphore, #tpu.memory_space<semaphore_mem>>)
      } else {
      }
    }
    %scan3A_147 = arith.constant 10 : i32
    %barrier3A_148 = arith.constant 0 : index
    tpu.barrier barrier_id(%barrier3A_148)
    %mul3A_149 = arith.constant 640 : i32
    %mul3A_150 = arith.muli %arg1, %mul3A_149 : i32
    %min3A_151 = arith.constant 9360 : i32
    %min3A_152 = arith.minsi %mul3A_150, %min3A_151 : i32
    "tpu.region"() ({
      %run_scoped3A = tpu.sem_alloc : memref<!tpu.dma_semaphore, #tpu.memory_space<semaphore_mem>>
      %dma_start3A_153 = arith.constant 0 : i32
      %dma_start3A_154 = tpu.memref_slice %arg5[%arg0, %min3A_152, %dma_start3A_153] : memref<2x10000x128xf32, #tpu.memory_space<hbm>> -> memref<1x640x128xf32, #tpu.memory_space<hbm>>
      %dma_start3A_155 = tpu.memref_squeeze %dma_start3A_154 : memref<1x640x128xf32, #tpu.memory_space<hbm>> -> memref<640x128xf32, #tpu.memory_space<hbm>>
      %dma_start3A_156 = arith.constant 0 : i32
      %dma_start3A_157 = tpu.memref_slice %arg6[%min3A_152, %dma_start3A_156] : memref<11024x128xf32, #tpu.memory_space<vmem_shared>> -> memref<640x128xf32, #tpu.memory_space<vmem_shared>>
      tpu.enqueue_dma source(%dma_start3A_157 : memref<640x128xf32, #tpu.memory_space<vmem_shared>>) target(%dma_start3A_155 : memref<640x128xf32, #tpu.memory_space<hbm>>) target_semaphore(%run_scoped3A : memref<!tpu.dma_semaphore, #tpu.memory_space<semaphore_mem>>)
      %dma_wait3A_158 = arith.constant 0 : i32
      %dma_wait3A_159 = tpu.memref_slice %arg5[%arg0, %min3A_152, %dma_wait3A_158] : memref<2x10000x128xf32, #tpu.memory_space<hbm>> -> memref<1x640x128xf32, #tpu.memory_space<hbm>>
      %dma_wait3A_160 = tpu.memref_squeeze %dma_wait3A_159 : memref<1x640x128xf32, #tpu.memory_space<hbm>> -> memref<640x128xf32, #tpu.memory_space<hbm>>
      %dma_wait3A_161 = arith.constant 0 : i32
      %dma_wait3A_162 = tpu.memref_slice %arg6[%min3A_152, %dma_wait3A_161] : memref<11024x128xf32, #tpu.memory_space<vmem_shared>> -> memref<640x128xf32, #tpu.memory_space<vmem_shared>>
      tpu.wait_dma2 semaphore(%run_scoped3A : memref<!tpu.dma_semaphore, #tpu.memory_space<semaphore_mem>>) src(%dma_wait3A_162 : memref<640x128xf32, #tpu.memory_space<vmem_shared>>) dst(%dma_wait3A_160 : memref<640x128xf32, #tpu.memory_space<hbm>>)
      tpu.yield
    }) : () -> ()
    return
  }
}

#map = affine_map<(d0, d1) -> (0, 0)>
#map1 = affine_map<(d0, d1) -> (0, 0, 0)>
#map2 = affine_map<(d0, d1) -> (0)>
module attributes {stable_mosaic.version = 14 : i64} {
  func.func @k(%arg0: i32, %arg1: i32, %arg2: memref<2x320000xi32, #tpu.memory_space<hbm>>, %arg3: memref<2x2x10240xf32, #tpu.memory_space<hbm>>, %arg4: memref<327680xi32, #tpu.memory_space<hbm>>, %arg5: memref<327680xi32, #tpu.memory_space<hbm>>, %arg6: memref<2x16x10240xf32, #tpu.memory_space<vmem_shared>>, %arg7: memref<10240xf32, #tpu.memory_space<vmem>>, %arg8: memref<10240xf32, #tpu.memory_space<vmem>>, %arg9: memref<2x10240xi32, #tpu.memory_space<vmem>>, %arg10: memref<7680xi32, #tpu.memory_space<vmem>>, %arg11: memref<16x640xf32, #tpu.memory_space<vmem>>, %arg12: memref<640xf32, #tpu.memory_space<vmem>>) attributes {dimension_semantics = [#tpu.dimension_semantics<core_parallel>, #tpu.dimension_semantics<subcore_parallel>], iteration_bounds = array<i64: 2, 16>, scalar_prefetch = 0 : i64, scratch_operands = 7 : i64, tpu.core_type = #tpu.core_type<sc_vector_subcore>, window_params = [{transform_indices = #map}, {transform_indices = #map1}, {transform_indices = #map2}, {transform_indices = #map2}]} {
    %mul3A = arith.constant 16 : i32
    %mul3A_0 = arith.muli %arg0, %mul3A : i32
    %add3A = arith.addi %mul3A_0, %arg1 : i32
    %eq3A = arith.constant 31 : i32
    %eq3A_1 = arith.cmpi eq, %add3A, %eq3A : i32
    %broadcast_in_dim3A = arith.constant 1.000000e+00 : f32
    %broadcast_in_dim3A_2 = vector.broadcast %broadcast_in_dim3A : f32 to vector<16xf32>
    %broadcast_in_dim3A_3 = arith.constant 0.000000e+00 : f32
    %broadcast_in_dim3A_4 = vector.broadcast %broadcast_in_dim3A_3 : f32 to vector<16xf32>
    %scan3A = arith.constant 0 : i32
    %scan3A_5 = arith.constant 640 : i32
    %scan3A_6 = arith.addi %scan3A, %scan3A_5 : i32
    %scan3A_7 = arith.constant 1 : i32
    scf.for %scan3A_58 = %scan3A to %scan3A_6 step %scan3A_7  : i32 {
      %mul3A_59 = arith.constant 16 : i32
      %mul3A_60 = arith.muli %scan3A_58, %mul3A_59 : i32
      %add3A_61 = arith.constant 0 : i32
      %add3A_62 = arith.addi %add3A_61, %mul3A_60 : i32
      %swap3A = arith.index_cast %add3A_62 : i32 to index
      %swap3A_63 = tpu.vector_load %arg7[%swap3A] {strides = array<i32>} : memref<10240xf32, #tpu.memory_space<vmem>>, vector<16xf32>,
      tpu.vector_store %arg7[%swap3A], %broadcast_in_dim3A_4 {strides = array<i32>} : memref<10240xf32, #tpu.memory_space<vmem>>, vector<16xf32>,
      %swap3A_64 = arith.index_cast %add3A_62 : i32 to index
      %swap3A_65 = tpu.vector_load %arg8[%swap3A_64] {strides = array<i32>} : memref<10240xf32, #tpu.memory_space<vmem>>, vector<16xf32>,
      tpu.vector_store %arg8[%swap3A_64], %broadcast_in_dim3A_4 {strides = array<i32>} : memref<10240xf32, #tpu.memory_space<vmem>>, vector<16xf32>,
    }
    %scan3A_8 = arith.constant 640 : i32
    %mul3A_9 = arith.constant 10240 : i32
    %mul3A_10 = arith.muli %add3A, %mul3A_9 : i32
    %not3A = arith.constant true
    %not3A_11 = arith.xori %eq3A_1, %not3A : i1
    %convert_element_type3A = arith.extui %not3A_11 : i1 to i32
    %cond3A = arith.constant 0 : i32
    %cond3A_12 = arith.cmpi ne, %convert_element_type3A, %cond3A : i32
    scf.if %cond3A_12 {
      "tpu.region"() ({
        %run_scoped3A_58 = tpu.sem_alloc : memref<!tpu.dma_semaphore, #tpu.memory_space<semaphore_mem>>
        %dma_start3A = arith.constant 0 : i32
        %dma_start3A_59 = tpu.memref_slice %arg2[%dma_start3A, %mul3A_10] : memref<2x320000xi32, #tpu.memory_space<hbm>> -> memref<2x10240xi32, #tpu.memory_space<hbm>>
        %dma_start3A_60 = arith.constant 0 : i32
        %dma_start3A_61 = tpu.memref_slice %arg2[%dma_start3A_60, %mul3A_10] : memref<2x320000xi32, #tpu.memory_space<hbm>> -> memref<2x10240xi32, #tpu.memory_space<hbm>>
        tpu.enqueue_dma source(%dma_start3A_61 : memref<2x10240xi32, #tpu.memory_space<hbm>>) target(%arg9 : memref<2x10240xi32, #tpu.memory_space<vmem>>) target_semaphore(%run_scoped3A_58 : memref<!tpu.dma_semaphore, #tpu.memory_space<semaphore_mem>>)
        %dma_wait3A = arith.constant 0 : i32
        %dma_wait3A_62 = tpu.memref_slice %arg2[%dma_wait3A, %mul3A_10] : memref<2x320000xi32, #tpu.memory_space<hbm>> -> memref<2x10240xi32, #tpu.memory_space<hbm>>
        %dma_wait3A_63 = arith.constant 0 : i32
        %dma_wait3A_64 = tpu.memref_slice %arg2[%dma_wait3A_63, %mul3A_10] : memref<2x320000xi32, #tpu.memory_space<hbm>> -> memref<2x10240xi32, #tpu.memory_space<hbm>>
        tpu.wait_dma2 semaphore(%run_scoped3A_58 : memref<!tpu.dma_semaphore, #tpu.memory_space<semaphore_mem>>) src(%dma_wait3A_64 : memref<2x10240xi32, #tpu.memory_space<hbm>>) dst(%arg9 : memref<2x10240xi32, #tpu.memory_space<vmem>>)
        tpu.yield
      }) : () -> ()
    } else {
    }
    %convert_element_type3A_13 = arith.extui %eq3A_1 : i1 to i32
    %cond3A_14 = arith.constant 0 : i32
    %cond3A_15 = arith.cmpi ne, %convert_element_type3A_13, %cond3A_14 : i32
    scf.if %cond3A_15 {
      "tpu.region"() ({
        %run_scoped3A_58 = tpu.sem_alloc : memref<!tpu.dma_semaphore, #tpu.memory_space<semaphore_mem>>
        %dma_start3A = arith.constant 0 : i32
        %dma_start3A_59 = arith.constant 0 : i32
        %dma_start3A_60 = tpu.memref_slice %arg9[%dma_start3A, %dma_start3A_59] : memref<2x10240xi32, #tpu.memory_space<vmem>> -> memref<2x2560xi32, #tpu.memory_space<vmem>>
        %dma_start3A_61 = arith.constant 0 : i32
        %dma_start3A_62 = tpu.memref_slice %arg2[%dma_start3A_61, %mul3A_10] : memref<2x320000xi32, #tpu.memory_space<hbm>> -> memref<2x2560xi32, #tpu.memory_space<hbm>>
        %dma_start3A_63 = arith.constant 0 : i32
        %dma_start3A_64 = arith.constant 0 : i32
        %dma_start3A_65 = tpu.memref_slice %arg9[%dma_start3A_63, %dma_start3A_64] : memref<2x10240xi32, #tpu.memory_space<vmem>> -> memref<2x2560xi32, #tpu.memory_space<vmem>>
        %dma_start3A_66 = arith.constant 0 : i32
        %dma_start3A_67 = tpu.memref_slice %arg2[%dma_start3A_66, %mul3A_10] : memref<2x320000xi32, #tpu.memory_space<hbm>> -> memref<2x2560xi32, #tpu.memory_space<hbm>>
        tpu.enqueue_dma source(%dma_start3A_67 : memref<2x2560xi32, #tpu.memory_space<hbm>>) target(%dma_start3A_65 : memref<2x2560xi32, #tpu.memory_space<vmem>>) target_semaphore(%run_scoped3A_58 : memref<!tpu.dma_semaphore, #tpu.memory_space<semaphore_mem>>)
        %dma_wait3A = arith.constant 0 : i32
        %dma_wait3A_68 = arith.constant 0 : i32
        %dma_wait3A_69 = tpu.memref_slice %arg9[%dma_wait3A, %dma_wait3A_68] : memref<2x10240xi32, #tpu.memory_space<vmem>> -> memref<2x2560xi32, #tpu.memory_space<vmem>>
        %dma_wait3A_70 = arith.constant 0 : i32
        %dma_wait3A_71 = tpu.memref_slice %arg2[%dma_wait3A_70, %mul3A_10] : memref<2x320000xi32, #tpu.memory_space<hbm>> -> memref<2x2560xi32, #tpu.memory_space<hbm>>
        %dma_wait3A_72 = arith.constant 0 : i32
        %dma_wait3A_73 = arith.constant 0 : i32
        %dma_wait3A_74 = tpu.memref_slice %arg9[%dma_wait3A_72, %dma_wait3A_73] : memref<2x10240xi32, #tpu.memory_space<vmem>> -> memref<2x2560xi32, #tpu.memory_space<vmem>>
        %dma_wait3A_75 = arith.constant 0 : i32
        %dma_wait3A_76 = tpu.memref_slice %arg2[%dma_wait3A_75, %mul3A_10] : memref<2x320000xi32, #tpu.memory_space<hbm>> -> memref<2x2560xi32, #tpu.memory_space<hbm>>
        tpu.wait_dma2 semaphore(%run_scoped3A_58 : memref<!tpu.dma_semaphore, #tpu.memory_space<semaphore_mem>>) src(%dma_wait3A_76 : memref<2x2560xi32, #tpu.memory_space<hbm>>) dst(%dma_wait3A_74 : memref<2x2560xi32, #tpu.memory_space<vmem>>)
        tpu.yield
      }) : () -> ()
    } else {
    }
    %jit3A = arith.constant 2560 : i32
    %jit3A_16 = arith.constant 10240 : i32
    %select_n3A = arith.select %eq3A_1, %jit3A, %jit3A_16 : i32
    %sub3A = arith.constant 0 : i32
    %sub3A_17 = arith.subi %select_n3A, %sub3A : i32
    %sub3A_18 = arith.constant 16 : i32
    %sub3A_19 = arith.constant 1 : i32
    %sub3A_20 = arith.subi %sub3A_18, %sub3A_19 : i32
    %add3A_21 = arith.addi %sub3A_17, %sub3A_20 : i32
    %div3A = arith.constant 16 : i32
    %div3A_22 = arith.divsi %add3A_21, %div3A : i32
    %while3A = arith.constant 16 : i32
    %while3A_23 = arith.constant 0 : i32
    %while3A_24 = arith.constant 0 : i32
    %while3A_25 = arith.subi %div3A_22, %while3A_24 : i32
    %while3A_26 = arith.addi %while3A_24, %while3A_25 : i32
    %while3A_27 = arith.constant 1 : i32
    %while3A_28 = arith.divsi %while3A_25, %while3A_27 : i32
    %while3A_29 = arith.muli %while3A_28, %while3A_27 : i32
    %while3A_30 = arith.addi %while3A_24, %while3A_29 : i32
    %while3A_31 = arith.constant 1 : i32
    scf.for %while3A_58 = %while3A_24 to %while3A_30 step %while3A_31  : i32 {
      %mul3A_59 = arith.muli %while3A_58, %while3A : i32
      %add3A_60 = arith.addi %while3A_23, %mul3A_59 : i32
      %get3A = arith.constant 0 : i32
      %get3A_61 = arith.index_cast %get3A : i32 to index
      %get3A_62 = arith.index_cast %add3A_60 : i32 to index
      %get3A_63 = tpu.vector_load %arg9[%get3A_61, %get3A_62] {strides = array<i32>} : memref<2x10240xi32, #tpu.memory_space<vmem>>, vector<16xi32>,
      tpu.vector_store_idx %arg7[%get3A_63], %broadcast_in_dim3A_2 {add = true} : memref<10240xf32, #tpu.memory_space<vmem>>[vector<16xi32>], vector<16xf32>,
      %get3A_64 = arith.constant 1 : i32
      %get3A_65 = arith.index_cast %get3A_64 : i32 to index
      %get3A_66 = arith.index_cast %add3A_60 : i32 to index
      %get3A_67 = tpu.vector_load %arg9[%get3A_65, %get3A_66] {strides = array<i32>} : memref<2x10240xi32, #tpu.memory_space<vmem>>, vector<16xi32>,
      tpu.vector_store_idx %arg8[%get3A_67], %broadcast_in_dim3A_2 {add = true} : memref<10240xf32, #tpu.memory_space<vmem>>[vector<16xi32>], vector<16xf32>,
    }
    %while3A_32 = arith.constant 1 : i32
    scf.for %while3A_58 = %while3A_30 to %while3A_26 step %while3A_32  : i32 {
      %mul3A_59 = arith.muli %while3A_58, %while3A : i32
      %add3A_60 = arith.addi %while3A_23, %mul3A_59 : i32
      %get3A = arith.constant 0 : i32
      %get3A_61 = arith.index_cast %get3A : i32 to index
      %get3A_62 = arith.index_cast %add3A_60 : i32 to index
      %get3A_63 = tpu.vector_load %arg9[%get3A_61, %get3A_62] {strides = array<i32>} : memref<2x10240xi32, #tpu.memory_space<vmem>>, vector<16xi32>,
      tpu.vector_store_idx %arg7[%get3A_63], %broadcast_in_dim3A_2 {add = true} : memref<10240xf32, #tpu.memory_space<vmem>>[vector<16xi32>], vector<16xf32>,
      %get3A_64 = arith.constant 1 : i32
      %get3A_65 = arith.index_cast %get3A_64 : i32 to index
      %get3A_66 = arith.index_cast %add3A_60 : i32 to index
      %get3A_67 = tpu.vector_load %arg9[%get3A_65, %get3A_66] {strides = array<i32>} : memref<2x10240xi32, #tpu.memory_space<vmem>>, vector<16xi32>,
      tpu.vector_store_idx %arg8[%get3A_67], %broadcast_in_dim3A_2 {add = true} : memref<10240xf32, #tpu.memory_space<vmem>>[vector<16xi32>], vector<16xf32>,
    }
    %not3A_33 = arith.constant true
    %not3A_34 = arith.xori %eq3A_1, %not3A_33 : i1
    %convert_element_type3A_35 = arith.extui %not3A_34 : i1 to i32
    %cond3A_36 = arith.constant 0 : i32
    %cond3A_37 = arith.cmpi ne, %convert_element_type3A_35, %cond3A_36 : i32
    scf.if %cond3A_37 {
      %run_scoped3A_58 = arith.constant 0 : i32
      "tpu.region"() ({
        %run_scoped3A_60 = tpu.sem_alloc : memref<!tpu.dma_semaphore, #tpu.memory_space<semaphore_mem>>
        %dma_start3A = arith.constant 0 : i32
        %dma_start3A_61 = tpu.memref_slice %arg9[%run_scoped3A_58, %dma_start3A] : memref<2x10240xi32, #tpu.memory_space<vmem>> -> memref<1x10240xi32, #tpu.memory_space<vmem>>
        %dma_start3A_62 = tpu.memref_squeeze %dma_start3A_61 : memref<1x10240xi32, #tpu.memory_space<vmem>> -> memref<10240xi32, #tpu.memory_space<vmem>>
        %dma_start3A_63 = tpu.memref_slice %arg4[%mul3A_10] : memref<327680xi32, #tpu.memory_space<hbm>> -> memref<10240xi32, #tpu.memory_space<hbm>>
        %dma_start3A_64 = tpu.memref_slice %arg4[%mul3A_10] : memref<327680xi32, #tpu.memory_space<hbm>> -> memref<10240xi32, #tpu.memory_space<hbm>>
        %dma_start3A_65 = arith.constant 0 : i32
        %dma_start3A_66 = tpu.memref_slice %arg9[%run_scoped3A_58, %dma_start3A_65] : memref<2x10240xi32, #tpu.memory_space<vmem>> -> memref<1x10240xi32, #tpu.memory_space<vmem>>
        %dma_start3A_67 = tpu.memref_squeeze %dma_start3A_66 : memref<1x10240xi32, #tpu.memory_space<vmem>> -> memref<10240xi32, #tpu.memory_space<vmem>>
        tpu.enqueue_dma source(%dma_start3A_67 : memref<10240xi32, #tpu.memory_space<vmem>>) target(%dma_start3A_64 : memref<10240xi32, #tpu.memory_space<hbm>>) target_semaphore(%run_scoped3A_60 : memref<!tpu.dma_semaphore, #tpu.memory_space<semaphore_mem>>)
        %dma_wait3A = arith.constant 0 : i32
        %dma_wait3A_68 = tpu.memref_slice %arg9[%run_scoped3A_58, %dma_wait3A] : memref<2x10240xi32, #tpu.memory_space<vmem>> -> memref<1x10240xi32, #tpu.memory_space<vmem>>
        %dma_wait3A_69 = tpu.memref_squeeze %dma_wait3A_68 : memref<1x10240xi32, #tpu.memory_space<vmem>> -> memref<10240xi32, #tpu.memory_space<vmem>>
        %dma_wait3A_70 = tpu.memref_slice %arg4[%mul3A_10] : memref<327680xi32, #tpu.memory_space<hbm>> -> memref<10240xi32, #tpu.memory_space<hbm>>
        %dma_wait3A_71 = tpu.memref_slice %arg4[%mul3A_10] : memref<327680xi32, #tpu.memory_space<hbm>> -> memref<10240xi32, #tpu.memory_space<hbm>>
        %dma_wait3A_72 = arith.constant 0 : i32
        %dma_wait3A_73 = tpu.memref_slice %arg9[%run_scoped3A_58, %dma_wait3A_72] : memref<2x10240xi32, #tpu.memory_space<vmem>> -> memref<1x10240xi32, #tpu.memory_space<vmem>>
        %dma_wait3A_74 = tpu.memref_squeeze %dma_wait3A_73 : memref<1x10240xi32, #tpu.memory_space<vmem>> -> memref<10240xi32, #tpu.memory_space<vmem>>
        tpu.wait_dma2 semaphore(%run_scoped3A_60 : memref<!tpu.dma_semaphore, #tpu.memory_space<semaphore_mem>>) src(%dma_wait3A_74 : memref<10240xi32, #tpu.memory_space<vmem>>) dst(%dma_wait3A_71 : memref<10240xi32, #tpu.memory_space<hbm>>)
        tpu.yield
      }) : () -> ()
      %run_scoped3A_59 = arith.constant 1 : i32
      "tpu.region"() ({
        %run_scoped3A_60 = tpu.sem_alloc : memref<!tpu.dma_semaphore, #tpu.memory_space<semaphore_mem>>
        %dma_start3A = arith.constant 0 : i32
        %dma_start3A_61 = tpu.memref_slice %arg9[%run_scoped3A_59, %dma_start3A] : memref<2x10240xi32, #tpu.memory_space<vmem>> -> memref<1x10240xi32, #tpu.memory_space<vmem>>
        %dma_start3A_62 = tpu.memref_squeeze %dma_start3A_61 : memref<1x10240xi32, #tpu.memory_space<vmem>> -> memref<10240xi32, #tpu.memory_space<vmem>>
        %dma_start3A_63 = tpu.memref_slice %arg5[%mul3A_10] : memref<327680xi32, #tpu.memory_space<hbm>> -> memref<10240xi32, #tpu.memory_space<hbm>>
        %dma_start3A_64 = tpu.memref_slice %arg5[%mul3A_10] : memref<327680xi32, #tpu.memory_space<hbm>> -> memref<10240xi32, #tpu.memory_space<hbm>>
        %dma_start3A_65 = arith.constant 0 : i32
        %dma_start3A_66 = tpu.memref_slice %arg9[%run_scoped3A_59, %dma_start3A_65] : memref<2x10240xi32, #tpu.memory_space<vmem>> -> memref<1x10240xi32, #tpu.memory_space<vmem>>
        %dma_start3A_67 = tpu.memref_squeeze %dma_start3A_66 : memref<1x10240xi32, #tpu.memory_space<vmem>> -> memref<10240xi32, #tpu.memory_space<vmem>>
        tpu.enqueue_dma source(%dma_start3A_67 : memref<10240xi32, #tpu.memory_space<vmem>>) target(%dma_start3A_64 : memref<10240xi32, #tpu.memory_space<hbm>>) target_semaphore(%run_scoped3A_60 : memref<!tpu.dma_semaphore, #tpu.memory_space<semaphore_mem>>)
        %dma_wait3A = arith.constant 0 : i32
        %dma_wait3A_68 = tpu.memref_slice %arg9[%run_scoped3A_59, %dma_wait3A] : memref<2x10240xi32, #tpu.memory_space<vmem>> -> memref<1x10240xi32, #tpu.memory_space<vmem>>
        %dma_wait3A_69 = tpu.memref_squeeze %dma_wait3A_68 : memref<1x10240xi32, #tpu.memory_space<vmem>> -> memref<10240xi32, #tpu.memory_space<vmem>>
        %dma_wait3A_70 = tpu.memref_slice %arg5[%mul3A_10] : memref<327680xi32, #tpu.memory_space<hbm>> -> memref<10240xi32, #tpu.memory_space<hbm>>
        %dma_wait3A_71 = tpu.memref_slice %arg5[%mul3A_10] : memref<327680xi32, #tpu.memory_space<hbm>> -> memref<10240xi32, #tpu.memory_space<hbm>>
        %dma_wait3A_72 = arith.constant 0 : i32
        %dma_wait3A_73 = tpu.memref_slice %arg9[%run_scoped3A_59, %dma_wait3A_72] : memref<2x10240xi32, #tpu.memory_space<vmem>> -> memref<1x10240xi32, #tpu.memory_space<vmem>>
        %dma_wait3A_74 = tpu.memref_squeeze %dma_wait3A_73 : memref<1x10240xi32, #tpu.memory_space<vmem>> -> memref<10240xi32, #tpu.memory_space<vmem>>
        tpu.wait_dma2 semaphore(%run_scoped3A_60 : memref<!tpu.dma_semaphore, #tpu.memory_space<semaphore_mem>>) src(%dma_wait3A_74 : memref<10240xi32, #tpu.memory_space<vmem>>) dst(%dma_wait3A_71 : memref<10240xi32, #tpu.memory_space<hbm>>)
        tpu.yield
      }) : () -> ()
    } else {
    }
    %convert_element_type3A_38 = arith.extui %eq3A_1 : i1 to i32
    %cond3A_39 = arith.constant 0 : i32
    %cond3A_40 = arith.cmpi ne, %convert_element_type3A_38, %cond3A_39 : i32
    scf.if %cond3A_40 {
      %run_scoped3A_58 = arith.constant 0 : i32
      "tpu.region"() ({
        %run_scoped3A_74 = tpu.sem_alloc : memref<!tpu.dma_semaphore, #tpu.memory_space<semaphore_mem>>
        %dma_start3A = arith.constant 0 : i32
        %dma_start3A_75 = tpu.memref_slice %arg9[%run_scoped3A_58, %dma_start3A] : memref<2x10240xi32, #tpu.memory_space<vmem>> -> memref<1x2560xi32, #tpu.memory_space<vmem>>
        %dma_start3A_76 = tpu.memref_squeeze %dma_start3A_75 : memref<1x2560xi32, #tpu.memory_space<vmem>> -> memref<2560xi32, #tpu.memory_space<vmem>>
        %dma_start3A_77 = tpu.memref_slice %arg4[%mul3A_10] : memref<327680xi32, #tpu.memory_space<hbm>> -> memref<2560xi32, #tpu.memory_space<hbm>>
        %dma_start3A_78 = tpu.memref_slice %arg4[%mul3A_10] : memref<327680xi32, #tpu.memory_space<hbm>> -> memref<2560xi32, #tpu.memory_space<hbm>>
        %dma_start3A_79 = arith.constant 0 : i32
        %dma_start3A_80 = tpu.memref_slice %arg9[%run_scoped3A_58, %dma_start3A_79] : memref<2x10240xi32, #tpu.memory_space<vmem>> -> memref<1x2560xi32, #tpu.memory_space<vmem>>
        %dma_start3A_81 = tpu.memref_squeeze %dma_start3A_80 : memref<1x2560xi32, #tpu.memory_space<vmem>> -> memref<2560xi32, #tpu.memory_space<vmem>>
        tpu.enqueue_dma source(%dma_start3A_81 : memref<2560xi32, #tpu.memory_space<vmem>>) target(%dma_start3A_78 : memref<2560xi32, #tpu.memory_space<hbm>>) target_semaphore(%run_scoped3A_74 : memref<!tpu.dma_semaphore, #tpu.memory_space<semaphore_mem>>)
        %dma_wait3A = arith.constant 0 : i32
        %dma_wait3A_82 = tpu.memref_slice %arg9[%run_scoped3A_58, %dma_wait3A] : memref<2x10240xi32, #tpu.memory_space<vmem>> -> memref<1x2560xi32, #tpu.memory_space<vmem>>
        %dma_wait3A_83 = tpu.memref_squeeze %dma_wait3A_82 : memref<1x2560xi32, #tpu.memory_space<vmem>> -> memref<2560xi32, #tpu.memory_space<vmem>>
        %dma_wait3A_84 = tpu.memref_slice %arg4[%mul3A_10] : memref<327680xi32, #tpu.memory_space<hbm>> -> memref<2560xi32, #tpu.memory_space<hbm>>
        %dma_wait3A_85 = tpu.memref_slice %arg4[%mul3A_10] : memref<327680xi32, #tpu.memory_space<hbm>> -> memref<2560xi32, #tpu.memory_space<hbm>>
        %dma_wait3A_86 = arith.constant 0 : i32
        %dma_wait3A_87 = tpu.memref_slice %arg9[%run_scoped3A_58, %dma_wait3A_86] : memref<2x10240xi32, #tpu.memory_space<vmem>> -> memref<1x2560xi32, #tpu.memory_space<vmem>>
        %dma_wait3A_88 = tpu.memref_squeeze %dma_wait3A_87 : memref<1x2560xi32, #tpu.memory_space<vmem>> -> memref<2560xi32, #tpu.memory_space<vmem>>
        tpu.wait_dma2 semaphore(%run_scoped3A_74 : memref<!tpu.dma_semaphore, #tpu.memory_space<semaphore_mem>>) src(%dma_wait3A_88 : memref<2560xi32, #tpu.memory_space<vmem>>) dst(%dma_wait3A_85 : memref<2560xi32, #tpu.memory_space<hbm>>)
        tpu.yield
      }) : () -> ()
      %run_scoped3A_59 = arith.constant 1 : i32
      "tpu.region"() ({
        %run_scoped3A_74 = tpu.sem_alloc : memref<!tpu.dma_semaphore, #tpu.memory_space<semaphore_mem>>
        %dma_start3A = arith.constant 0 : i32
        %dma_start3A_75 = tpu.memref_slice %arg9[%run_scoped3A_59, %dma_start3A] : memref<2x10240xi32, #tpu.memory_space<vmem>> -> memref<1x2560xi32, #tpu.memory_space<vmem>>
        %dma_start3A_76 = tpu.memref_squeeze %dma_start3A_75 : memref<1x2560xi32, #tpu.memory_space<vmem>> -> memref<2560xi32, #tpu.memory_space<vmem>>
        %dma_start3A_77 = tpu.memref_slice %arg5[%mul3A_10] : memref<327680xi32, #tpu.memory_space<hbm>> -> memref<2560xi32, #tpu.memory_space<hbm>>
        %dma_start3A_78 = tpu.memref_slice %arg5[%mul3A_10] : memref<327680xi32, #tpu.memory_space<hbm>> -> memref<2560xi32, #tpu.memory_space<hbm>>
        %dma_start3A_79 = arith.constant 0 : i32
        %dma_start3A_80 = tpu.memref_slice %arg9[%run_scoped3A_59, %dma_start3A_79] : memref<2x10240xi32, #tpu.memory_space<vmem>> -> memref<1x2560xi32, #tpu.memory_space<vmem>>
        %dma_start3A_81 = tpu.memref_squeeze %dma_start3A_80 : memref<1x2560xi32, #tpu.memory_space<vmem>> -> memref<2560xi32, #tpu.memory_space<vmem>>
        tpu.enqueue_dma source(%dma_start3A_81 : memref<2560xi32, #tpu.memory_space<vmem>>) target(%dma_start3A_78 : memref<2560xi32, #tpu.memory_space<hbm>>) target_semaphore(%run_scoped3A_74 : memref<!tpu.dma_semaphore, #tpu.memory_space<semaphore_mem>>)
        %dma_wait3A = arith.constant 0 : i32
        %dma_wait3A_82 = tpu.memref_slice %arg9[%run_scoped3A_59, %dma_wait3A] : memref<2x10240xi32, #tpu.memory_space<vmem>> -> memref<1x2560xi32, #tpu.memory_space<vmem>>
        %dma_wait3A_83 = tpu.memref_squeeze %dma_wait3A_82 : memref<1x2560xi32, #tpu.memory_space<vmem>> -> memref<2560xi32, #tpu.memory_space<vmem>>
        %dma_wait3A_84 = tpu.memref_slice %arg5[%mul3A_10] : memref<327680xi32, #tpu.memory_space<hbm>> -> memref<2560xi32, #tpu.memory_space<hbm>>
        %dma_wait3A_85 = tpu.memref_slice %arg5[%mul3A_10] : memref<327680xi32, #tpu.memory_space<hbm>> -> memref<2560xi32, #tpu.memory_space<hbm>>
        %dma_wait3A_86 = arith.constant 0 : i32
        %dma_wait3A_87 = tpu.memref_slice %arg9[%run_scoped3A_59, %dma_wait3A_86] : memref<2x10240xi32, #tpu.memory_space<vmem>> -> memref<1x2560xi32, #tpu.memory_space<vmem>>
        %dma_wait3A_88 = tpu.memref_squeeze %dma_wait3A_87 : memref<1x2560xi32, #tpu.memory_space<vmem>> -> memref<2560xi32, #tpu.memory_space<vmem>>
        tpu.wait_dma2 semaphore(%run_scoped3A_74 : memref<!tpu.dma_semaphore, #tpu.memory_space<semaphore_mem>>) src(%dma_wait3A_88 : memref<2560xi32, #tpu.memory_space<vmem>>) dst(%dma_wait3A_85 : memref<2560xi32, #tpu.memory_space<hbm>>)
        tpu.yield
      }) : () -> ()
      %scan3A_60 = arith.constant 0 : i32
      %scan3A_61 = arith.constant 480 : i32
      %scan3A_62 = arith.addi %scan3A_60, %scan3A_61 : i32
      %scan3A_63 = arith.constant 1 : i32
      scf.for %scan3A_74 = %scan3A_60 to %scan3A_62 step %scan3A_63  : i32 {
        %mul3A_75 = arith.constant 16 : i32
        %mul3A_76 = arith.muli %scan3A_74, %mul3A_75 : i32
        %add3A_77 = arith.constant 0 : i32
        %add3A_78 = arith.addi %add3A_77, %mul3A_76 : i32
        %iota3A = tpu.iota {dimensions = array<i32: 0>} : vector<16xi32>
        %add3A_79 = vector.broadcast %add3A_78 : i32 to vector<16xi32>
        %add3A_80 = arith.addi %iota3A, %add3A_79 : vector<16xi32>
        %swap3A = arith.index_cast %add3A_78 : i32 to index
        %swap3A_81 = tpu.vector_load %arg10[%swap3A] {strides = array<i32>} : memref<7680xi32, #tpu.memory_space<vmem>>, vector<16xi32>,
        tpu.vector_store %arg10[%swap3A], %add3A_80 {strides = array<i32>} : memref<7680xi32, #tpu.memory_space<vmem>>, vector<16xi32>,
      }
      %scan3A_64 = arith.constant 480 : i32
      %add3A_65 = arith.constant 2560 : i32
      %add3A_66 = arith.addi %mul3A_10, %add3A_65 : i32
      "tpu.region"() ({
        %run_scoped3A_74 = tpu.sem_alloc : memref<!tpu.dma_semaphore, #tpu.memory_space<semaphore_mem>>
        %dma_start3A = tpu.memref_slice %arg4[%add3A_66] : memref<327680xi32, #tpu.memory_space<hbm>> -> memref<7680xi32, #tpu.memory_space<hbm>>
        %dma_start3A_75 = tpu.memref_slice %arg4[%add3A_66] : memref<327680xi32, #tpu.memory_space<hbm>> -> memref<7680xi32, #tpu.memory_space<hbm>>
        tpu.enqueue_dma source(%arg10 : memref<7680xi32, #tpu.memory_space<vmem>>) target(%dma_start3A_75 : memref<7680xi32, #tpu.memory_space<hbm>>) target_semaphore(%run_scoped3A_74 : memref<!tpu.dma_semaphore, #tpu.memory_space<semaphore_mem>>)
        %dma_wait3A = tpu.memref_slice %arg4[%add3A_66] : memref<327680xi32, #tpu.memory_space<hbm>> -> memref<7680xi32, #tpu.memory_space<hbm>>
        %dma_wait3A_76 = tpu.memref_slice %arg4[%add3A_66] : memref<327680xi32, #tpu.memory_space<hbm>> -> memref<7680xi32, #tpu.memory_space<hbm>>
        tpu.wait_dma2 semaphore(%run_scoped3A_74 : memref<!tpu.dma_semaphore, #tpu.memory_space<semaphore_mem>>) src(%arg10 : memref<7680xi32, #tpu.memory_space<vmem>>) dst(%dma_wait3A_76 : memref<7680xi32, #tpu.memory_space<hbm>>)
        tpu.yield
      }) : () -> ()
      %scan3A_67 = arith.constant 0 : i32
      %scan3A_68 = arith.constant 480 : i32
      %scan3A_69 = arith.addi %scan3A_67, %scan3A_68 : i32
      %scan3A_70 = arith.constant 1 : i32
      scf.for %scan3A_74 = %scan3A_67 to %scan3A_69 step %scan3A_70  : i32 {
        %mul3A_75 = arith.constant 16 : i32
        %mul3A_76 = arith.muli %scan3A_74, %mul3A_75 : i32
        %add3A_77 = arith.constant 0 : i32
        %add3A_78 = arith.addi %add3A_77, %mul3A_76 : i32
        %iota3A = tpu.iota {dimensions = array<i32: 0>} : vector<16xi32>
        %add3A_79 = vector.broadcast %add3A_78 : i32 to vector<16xi32>
        %add3A_80 = arith.addi %iota3A, %add3A_79 : vector<16xi32>
        %and3A = arith.constant 1023 : i32
        %and3A_81 = vector.broadcast %and3A : i32 to vector<16xi32>
        %and3A_82 = arith.andi %add3A_80, %and3A_81 : vector<16xi32>
        %add3A_83 = arith.constant 10000 : i32
        %add3A_84 = vector.broadcast %add3A_83 : i32 to vector<16xi32>
        %add3A_85 = arith.addi %and3A_82, %add3A_84 : vector<16xi32>
        %swap3A = arith.index_cast %add3A_78 : i32 to index
        %swap3A_86 = tpu.vector_load %arg10[%swap3A] {strides = array<i32>} : memref<7680xi32, #tpu.memory_space<vmem>>, vector<16xi32>,
        tpu.vector_store %arg10[%swap3A], %add3A_85 {strides = array<i32>} : memref<7680xi32, #tpu.memory_space<vmem>>, vector<16xi32>,
      }
      %scan3A_71 = arith.constant 480 : i32
      %add3A_72 = arith.constant 2560 : i32
      %add3A_73 = arith.addi %mul3A_10, %add3A_72 : i32
      "tpu.region"() ({
        %run_scoped3A_74 = tpu.sem_alloc : memref<!tpu.dma_semaphore, #tpu.memory_space<semaphore_mem>>
        %dma_start3A = tpu.memref_slice %arg5[%add3A_73] : memref<327680xi32, #tpu.memory_space<hbm>> -> memref<7680xi32, #tpu.memory_space<hbm>>
        %dma_start3A_75 = tpu.memref_slice %arg5[%add3A_73] : memref<327680xi32, #tpu.memory_space<hbm>> -> memref<7680xi32, #tpu.memory_space<hbm>>
        tpu.enqueue_dma source(%arg10 : memref<7680xi32, #tpu.memory_space<vmem>>) target(%dma_start3A_75 : memref<7680xi32, #tpu.memory_space<hbm>>) target_semaphore(%run_scoped3A_74 : memref<!tpu.dma_semaphore, #tpu.memory_space<semaphore_mem>>)
        %dma_wait3A = tpu.memref_slice %arg5[%add3A_73] : memref<327680xi32, #tpu.memory_space<hbm>> -> memref<7680xi32, #tpu.memory_space<hbm>>
        %dma_wait3A_76 = tpu.memref_slice %arg5[%add3A_73] : memref<327680xi32, #tpu.memory_space<hbm>> -> memref<7680xi32, #tpu.memory_space<hbm>>
        tpu.wait_dma2 semaphore(%run_scoped3A_74 : memref<!tpu.dma_semaphore, #tpu.memory_space<semaphore_mem>>) src(%arg10 : memref<7680xi32, #tpu.memory_space<vmem>>) dst(%dma_wait3A_76 : memref<7680xi32, #tpu.memory_space<hbm>>)
        tpu.yield
      }) : () -> ()
    } else {
    }
    %run_scoped3A = arith.constant 0 : i32
    "tpu.region"() ({
      %run_scoped3A_58 = tpu.sem_alloc : memref<!tpu.dma_semaphore, #tpu.memory_space<semaphore_mem>>
      %dma_start3A = arith.constant 0 : i32
      %dma_start3A_59 = tpu.memref_slice %arg6[%run_scoped3A, %arg1, %dma_start3A] : memref<2x16x10240xf32, #tpu.memory_space<vmem_shared>> -> memref<1x1x10240xf32, #tpu.memory_space<vmem_shared>>
      %dma_start3A_60 = tpu.memref_squeeze %dma_start3A_59 : memref<1x1x10240xf32, #tpu.memory_space<vmem_shared>> -> memref<10240xf32, #tpu.memory_space<vmem_shared>>
      %dma_start3A_61 = arith.constant 0 : i32
      %dma_start3A_62 = tpu.memref_slice %arg6[%run_scoped3A, %arg1, %dma_start3A_61] : memref<2x16x10240xf32, #tpu.memory_space<vmem_shared>> -> memref<1x1x10240xf32, #tpu.memory_space<vmem_shared>>
      %dma_start3A_63 = tpu.memref_squeeze %dma_start3A_62 : memref<1x1x10240xf32, #tpu.memory_space<vmem_shared>> -> memref<10240xf32, #tpu.memory_space<vmem_shared>>
      tpu.enqueue_dma source(%arg7 : memref<10240xf32, #tpu.memory_space<vmem>>) target(%dma_start3A_63 : memref<10240xf32, #tpu.memory_space<vmem_shared>>) target_semaphore(%run_scoped3A_58 : memref<!tpu.dma_semaphore, #tpu.memory_space<semaphore_mem>>)
      %dma_wait3A = arith.constant 0 : i32
      %dma_wait3A_64 = tpu.memref_slice %arg6[%run_scoped3A, %arg1, %dma_wait3A] : memref<2x16x10240xf32, #tpu.memory_space<vmem_shared>> -> memref<1x1x10240xf32, #tpu.memory_space<vmem_shared>>
      %dma_wait3A_65 = tpu.memref_squeeze %dma_wait3A_64 : memref<1x1x10240xf32, #tpu.memory_space<vmem_shared>> -> memref<10240xf32, #tpu.memory_space<vmem_shared>>
      %dma_wait3A_66 = arith.constant 0 : i32
      %dma_wait3A_67 = tpu.memref_slice %arg6[%run_scoped3A, %arg1, %dma_wait3A_66] : memref<2x16x10240xf32, #tpu.memory_space<vmem_shared>> -> memref<1x1x10240xf32, #tpu.memory_space<vmem_shared>>
      %dma_wait3A_68 = tpu.memref_squeeze %dma_wait3A_67 : memref<1x1x10240xf32, #tpu.memory_space<vmem_shared>> -> memref<10240xf32, #tpu.memory_space<vmem_shared>>
      tpu.wait_dma2 semaphore(%run_scoped3A_58 : memref<!tpu.dma_semaphore, #tpu.memory_space<semaphore_mem>>) src(%arg7 : memref<10240xf32, #tpu.memory_space<vmem>>) dst(%dma_wait3A_68 : memref<10240xf32, #tpu.memory_space<vmem_shared>>)
      tpu.yield
    }) : () -> ()
    %run_scoped3A_41 = arith.constant 1 : i32
    "tpu.region"() ({
      %run_scoped3A_58 = tpu.sem_alloc : memref<!tpu.dma_semaphore, #tpu.memory_space<semaphore_mem>>
      %dma_start3A = arith.constant 0 : i32
      %dma_start3A_59 = tpu.memref_slice %arg6[%run_scoped3A_41, %arg1, %dma_start3A] : memref<2x16x10240xf32, #tpu.memory_space<vmem_shared>> -> memref<1x1x10240xf32, #tpu.memory_space<vmem_shared>>
      %dma_start3A_60 = tpu.memref_squeeze %dma_start3A_59 : memref<1x1x10240xf32, #tpu.memory_space<vmem_shared>> -> memref<10240xf32, #tpu.memory_space<vmem_shared>>
      %dma_start3A_61 = arith.constant 0 : i32
      %dma_start3A_62 = tpu.memref_slice %arg6[%run_scoped3A_41, %arg1, %dma_start3A_61] : memref<2x16x10240xf32, #tpu.memory_space<vmem_shared>> -> memref<1x1x10240xf32, #tpu.memory_space<vmem_shared>>
      %dma_start3A_63 = tpu.memref_squeeze %dma_start3A_62 : memref<1x1x10240xf32, #tpu.memory_space<vmem_shared>> -> memref<10240xf32, #tpu.memory_space<vmem_shared>>
      tpu.enqueue_dma source(%arg8 : memref<10240xf32, #tpu.memory_space<vmem>>) target(%dma_start3A_63 : memref<10240xf32, #tpu.memory_space<vmem_shared>>) target_semaphore(%run_scoped3A_58 : memref<!tpu.dma_semaphore, #tpu.memory_space<semaphore_mem>>)
      %dma_wait3A = arith.constant 0 : i32
      %dma_wait3A_64 = tpu.memref_slice %arg6[%run_scoped3A_41, %arg1, %dma_wait3A] : memref<2x16x10240xf32, #tpu.memory_space<vmem_shared>> -> memref<1x1x10240xf32, #tpu.memory_space<vmem_shared>>
      %dma_wait3A_65 = tpu.memref_squeeze %dma_wait3A_64 : memref<1x1x10240xf32, #tpu.memory_space<vmem_shared>> -> memref<10240xf32, #tpu.memory_space<vmem_shared>>
      %dma_wait3A_66 = arith.constant 0 : i32
      %dma_wait3A_67 = tpu.memref_slice %arg6[%run_scoped3A_41, %arg1, %dma_wait3A_66] : memref<2x16x10240xf32, #tpu.memory_space<vmem_shared>> -> memref<1x1x10240xf32, #tpu.memory_space<vmem_shared>>
      %dma_wait3A_68 = tpu.memref_squeeze %dma_wait3A_67 : memref<1x1x10240xf32, #tpu.memory_space<vmem_shared>> -> memref<10240xf32, #tpu.memory_space<vmem_shared>>
      tpu.wait_dma2 semaphore(%run_scoped3A_58 : memref<!tpu.dma_semaphore, #tpu.memory_space<semaphore_mem>>) src(%arg8 : memref<10240xf32, #tpu.memory_space<vmem>>) dst(%dma_wait3A_68 : memref<10240xf32, #tpu.memory_space<vmem_shared>>)
      tpu.yield
    }) : () -> ()
    %barrier3A = arith.constant 0 : index
    tpu.barrier barrier_id(%barrier3A)
    %mul3A_42 = arith.constant 640 : i32
    %mul3A_43 = arith.muli %arg1, %mul3A_42 : i32
    %run_scoped3A_44 = arith.constant 0 : i32
    "tpu.region"() ({
      %run_scoped3A_58 = tpu.sem_alloc : memref<!tpu.dma_semaphore, #tpu.memory_space<semaphore_mem>>
      %dma_start3A = arith.constant 0 : i32
      %dma_start3A_59 = tpu.memref_slice %arg6[%run_scoped3A_44, %dma_start3A, %mul3A_43] : memref<2x16x10240xf32, #tpu.memory_space<vmem_shared>> -> memref<1x16x640xf32, #tpu.memory_space<vmem_shared>>
      %dma_start3A_60 = tpu.memref_squeeze %dma_start3A_59 : memref<1x16x640xf32, #tpu.memory_space<vmem_shared>> -> memref<16x640xf32, #tpu.memory_space<vmem_shared>>
      %dma_start3A_61 = arith.constant 0 : i32
      %dma_start3A_62 = tpu.memref_slice %arg6[%run_scoped3A_44, %dma_start3A_61, %mul3A_43] : memref<2x16x10240xf32, #tpu.memory_space<vmem_shared>> -> memref<1x16x640xf32, #tpu.memory_space<vmem_shared>>
      %dma_start3A_63 = tpu.memref_squeeze %dma_start3A_62 : memref<1x16x640xf32, #tpu.memory_space<vmem_shared>> -> memref<16x640xf32, #tpu.memory_space<vmem_shared>>
      tpu.enqueue_dma source(%dma_start3A_63 : memref<16x640xf32, #tpu.memory_space<vmem_shared>>) target(%arg11 : memref<16x640xf32, #tpu.memory_space<vmem>>) target_semaphore(%run_scoped3A_58 : memref<!tpu.dma_semaphore, #tpu.memory_space<semaphore_mem>>)
      %dma_wait3A = arith.constant 0 : i32
      %dma_wait3A_64 = tpu.memref_slice %arg6[%run_scoped3A_44, %dma_wait3A, %mul3A_43] : memref<2x16x10240xf32, #tpu.memory_space<vmem_shared>> -> memref<1x16x640xf32, #tpu.memory_space<vmem_shared>>
      %dma_wait3A_65 = tpu.memref_squeeze %dma_wait3A_64 : memref<1x16x640xf32, #tpu.memory_space<vmem_shared>> -> memref<16x640xf32, #tpu.memory_space<vmem_shared>>
      %dma_wait3A_66 = arith.constant 0 : i32
      %dma_wait3A_67 = tpu.memref_slice %arg6[%run_scoped3A_44, %dma_wait3A_66, %mul3A_43] : memref<2x16x10240xf32, #tpu.memory_space<vmem_shared>> -> memref<1x16x640xf32, #tpu.memory_space<vmem_shared>>
      %dma_wait3A_68 = tpu.memref_squeeze %dma_wait3A_67 : memref<1x16x640xf32, #tpu.memory_space<vmem_shared>> -> memref<16x640xf32, #tpu.memory_space<vmem_shared>>
      tpu.wait_dma2 semaphore(%run_scoped3A_58 : memref<!tpu.dma_semaphore, #tpu.memory_space<semaphore_mem>>) src(%dma_wait3A_68 : memref<16x640xf32, #tpu.memory_space<vmem_shared>>) dst(%arg11 : memref<16x640xf32, #tpu.memory_space<vmem>>)
      tpu.yield
    }) : () -> ()
    %scan3A_45 = arith.constant 0 : i32
    %scan3A_46 = arith.constant 40 : i32
    %scan3A_47 = arith.addi %scan3A_45, %scan3A_46 : i32
    %scan3A_48 = arith.constant 1 : i32
    scf.for %scan3A_58 = %scan3A_45 to %scan3A_47 step %scan3A_48  : i32 {
      %mul3A_59 = arith.constant 16 : i32
      %mul3A_60 = arith.muli %scan3A_58, %mul3A_59 : i32
      %add3A_61 = arith.constant 0 : i32
      %add3A_62 = arith.addi %add3A_61, %mul3A_60 : i32
      %get3A = arith.constant 0 : i32
      %get3A_63 = arith.index_cast %get3A : i32 to index
      %get3A_64 = arith.index_cast %add3A_62 : i32 to index
      %get3A_65 = tpu.vector_load %arg11[%get3A_63, %get3A_64] {strides = array<i32>} : memref<16x640xf32, #tpu.memory_space<vmem>>, vector<16xf32>,
      %get3A_66 = arith.constant 1 : i32
      %get3A_67 = arith.index_cast %get3A_66 : i32 to index
      %get3A_68 = arith.index_cast %add3A_62 : i32 to index
      %get3A_69 = tpu.vector_load %arg11[%get3A_67, %get3A_68] {strides = array<i32>} : memref<16x640xf32, #tpu.memory_space<vmem>>, vector<16xf32>,
      %add3A_70 = arith.addf %get3A_65, %get3A_69 : vector<16xf32>
      %get3A_71 = arith.constant 2 : i32
      %get3A_72 = arith.index_cast %get3A_71 : i32 to index
      %get3A_73 = arith.index_cast %add3A_62 : i32 to index
      %get3A_74 = tpu.vector_load %arg11[%get3A_72, %get3A_73] {strides = array<i32>} : memref<16x640xf32, #tpu.memory_space<vmem>>, vector<16xf32>,
      %add3A_75 = arith.addf %add3A_70, %get3A_74 : vector<16xf32>
      %get3A_76 = arith.constant 3 : i32
      %get3A_77 = arith.index_cast %get3A_76 : i32 to index
      %get3A_78 = arith.index_cast %add3A_62 : i32 to index
      %get3A_79 = tpu.vector_load %arg11[%get3A_77, %get3A_78] {strides = array<i32>} : memref<16x640xf32, #tpu.memory_space<vmem>>, vector<16xf32>,
      %add3A_80 = arith.addf %add3A_75, %get3A_79 : vector<16xf32>
      %get3A_81 = arith.constant 4 : i32
      %get3A_82 = arith.index_cast %get3A_81 : i32 to index
      %get3A_83 = arith.index_cast %add3A_62 : i32 to index
      %get3A_84 = tpu.vector_load %arg11[%get3A_82, %get3A_83] {strides = array<i32>} : memref<16x640xf32, #tpu.memory_space<vmem>>, vector<16xf32>,
      %add3A_85 = arith.addf %add3A_80, %get3A_84 : vector<16xf32>
      %get3A_86 = arith.constant 5 : i32
      %get3A_87 = arith.index_cast %get3A_86 : i32 to index
      %get3A_88 = arith.index_cast %add3A_62 : i32 to index
      %get3A_89 = tpu.vector_load %arg11[%get3A_87, %get3A_88] {strides = array<i32>} : memref<16x640xf32, #tpu.memory_space<vmem>>, vector<16xf32>,
      %add3A_90 = arith.addf %add3A_85, %get3A_89 : vector<16xf32>
      %get3A_91 = arith.constant 6 : i32
      %get3A_92 = arith.index_cast %get3A_91 : i32 to index
      %get3A_93 = arith.index_cast %add3A_62 : i32 to index
      %get3A_94 = tpu.vector_load %arg11[%get3A_92, %get3A_93] {strides = array<i32>} : memref<16x640xf32, #tpu.memory_space<vmem>>, vector<16xf32>,
      %add3A_95 = arith.addf %add3A_90, %get3A_94 : vector<16xf32>
      %get3A_96 = arith.constant 7 : i32
      %get3A_97 = arith.index_cast %get3A_96 : i32 to index
      %get3A_98 = arith.index_cast %add3A_62 : i32 to index
      %get3A_99 = tpu.vector_load %arg11[%get3A_97, %get3A_98] {strides = array<i32>} : memref<16x640xf32, #tpu.memory_space<vmem>>, vector<16xf32>,
      %add3A_100 = arith.addf %add3A_95, %get3A_99 : vector<16xf32>
      %get3A_101 = arith.constant 8 : i32
      %get3A_102 = arith.index_cast %get3A_101 : i32 to index
      %get3A_103 = arith.index_cast %add3A_62 : i32 to index
      %get3A_104 = tpu.vector_load %arg11[%get3A_102, %get3A_103] {strides = array<i32>} : memref<16x640xf32, #tpu.memory_space<vmem>>, vector<16xf32>,
      %add3A_105 = arith.addf %add3A_100, %get3A_104 : vector<16xf32>
      %get3A_106 = arith.constant 9 : i32
      %get3A_107 = arith.index_cast %get3A_106 : i32 to index
      %get3A_108 = arith.index_cast %add3A_62 : i32 to index
      %get3A_109 = tpu.vector_load %arg11[%get3A_107, %get3A_108] {strides = array<i32>} : memref<16x640xf32, #tpu.memory_space<vmem>>, vector<16xf32>,
      %add3A_110 = arith.addf %add3A_105, %get3A_109 : vector<16xf32>
      %get3A_111 = arith.constant 10 : i32
      %get3A_112 = arith.index_cast %get3A_111 : i32 to index
      %get3A_113 = arith.index_cast %add3A_62 : i32 to index
      %get3A_114 = tpu.vector_load %arg11[%get3A_112, %get3A_113] {strides = array<i32>} : memref<16x640xf32, #tpu.memory_space<vmem>>, vector<16xf32>,
      %add3A_115 = arith.addf %add3A_110, %get3A_114 : vector<16xf32>
      %get3A_116 = arith.constant 11 : i32
      %get3A_117 = arith.index_cast %get3A_116 : i32 to index
      %get3A_118 = arith.index_cast %add3A_62 : i32 to index
      %get3A_119 = tpu.vector_load %arg11[%get3A_117, %get3A_118] {strides = array<i32>} : memref<16x640xf32, #tpu.memory_space<vmem>>, vector<16xf32>,
      %add3A_120 = arith.addf %add3A_115, %get3A_119 : vector<16xf32>
      %get3A_121 = arith.constant 12 : i32
      %get3A_122 = arith.index_cast %get3A_121 : i32 to index
      %get3A_123 = arith.index_cast %add3A_62 : i32 to index
      %get3A_124 = tpu.vector_load %arg11[%get3A_122, %get3A_123] {strides = array<i32>} : memref<16x640xf32, #tpu.memory_space<vmem>>, vector<16xf32>,
      %add3A_125 = arith.addf %add3A_120, %get3A_124 : vector<16xf32>
      %get3A_126 = arith.constant 13 : i32
      %get3A_127 = arith.index_cast %get3A_126 : i32 to index
      %get3A_128 = arith.index_cast %add3A_62 : i32 to index
      %get3A_129 = tpu.vector_load %arg11[%get3A_127, %get3A_128] {strides = array<i32>} : memref<16x640xf32, #tpu.memory_space<vmem>>, vector<16xf32>,
      %add3A_130 = arith.addf %add3A_125, %get3A_129 : vector<16xf32>
      %get3A_131 = arith.constant 14 : i32
      %get3A_132 = arith.index_cast %get3A_131 : i32 to index
      %get3A_133 = arith.index_cast %add3A_62 : i32 to index
      %get3A_134 = tpu.vector_load %arg11[%get3A_132, %get3A_133] {strides = array<i32>} : memref<16x640xf32, #tpu.memory_space<vmem>>, vector<16xf32>,
      %add3A_135 = arith.addf %add3A_130, %get3A_134 : vector<16xf32>
      %get3A_136 = arith.constant 15 : i32
      %get3A_137 = arith.index_cast %get3A_136 : i32 to index
      %get3A_138 = arith.index_cast %add3A_62 : i32 to index
      %get3A_139 = tpu.vector_load %arg11[%get3A_137, %get3A_138] {strides = array<i32>} : memref<16x640xf32, #tpu.memory_space<vmem>>, vector<16xf32>,
      %add3A_140 = arith.addf %add3A_135, %get3A_139 : vector<16xf32>
      %swap3A = arith.index_cast %add3A_62 : i32 to index
      %swap3A_141 = tpu.vector_load %arg12[%swap3A] {strides = array<i32>} : memref<640xf32, #tpu.memory_space<vmem>>, vector<16xf32>,
      tpu.vector_store %arg12[%swap3A], %add3A_140 {strides = array<i32>} : memref<640xf32, #tpu.memory_space<vmem>>, vector<16xf32>,
    }
    %scan3A_49 = arith.constant 40 : i32
    %run_scoped3A_50 = arith.constant 0 : i32
    "tpu.region"() ({
      %run_scoped3A_58 = tpu.sem_alloc : memref<!tpu.dma_semaphore, #tpu.memory_space<semaphore_mem>>
      %dma_start3A = tpu.memref_slice %arg3[%arg0, %run_scoped3A_50, %mul3A_43] : memref<2x2x10240xf32, #tpu.memory_space<hbm>> -> memref<1x1x640xf32, #tpu.memory_space<hbm>>
      %dma_start3A_59 = tpu.memref_squeeze %dma_start3A : memref<1x1x640xf32, #tpu.memory_space<hbm>> -> memref<640xf32, #tpu.memory_space<hbm>>
      %dma_start3A_60 = tpu.memref_slice %arg3[%arg0, %run_scoped3A_50, %mul3A_43] : memref<2x2x10240xf32, #tpu.memory_space<hbm>> -> memref<1x1x640xf32, #tpu.memory_space<hbm>>
      %dma_start3A_61 = tpu.memref_squeeze %dma_start3A_60 : memref<1x1x640xf32, #tpu.memory_space<hbm>> -> memref<640xf32, #tpu.memory_space<hbm>>
      tpu.enqueue_dma source(%arg12 : memref<640xf32, #tpu.memory_space<vmem>>) target(%dma_start3A_61 : memref<640xf32, #tpu.memory_space<hbm>>) target_semaphore(%run_scoped3A_58 : memref<!tpu.dma_semaphore, #tpu.memory_space<semaphore_mem>>)
      %dma_wait3A = tpu.memref_slice %arg3[%arg0, %run_scoped3A_50, %mul3A_43] : memref<2x2x10240xf32, #tpu.memory_space<hbm>> -> memref<1x1x640xf32, #tpu.memory_space<hbm>>
      %dma_wait3A_62 = tpu.memref_squeeze %dma_wait3A : memref<1x1x640xf32, #tpu.memory_space<hbm>> -> memref<640xf32, #tpu.memory_space<hbm>>
      %dma_wait3A_63 = tpu.memref_slice %arg3[%arg0, %run_scoped3A_50, %mul3A_43] : memref<2x2x10240xf32, #tpu.memory_space<hbm>> -> memref<1x1x640xf32, #tpu.memory_space<hbm>>
      %dma_wait3A_64 = tpu.memref_squeeze %dma_wait3A_63 : memref<1x1x640xf32, #tpu.memory_space<hbm>> -> memref<640xf32, #tpu.memory_space<hbm>>
      tpu.wait_dma2 semaphore(%run_scoped3A_58 : memref<!tpu.dma_semaphore, #tpu.memory_space<semaphore_mem>>) src(%arg12 : memref<640xf32, #tpu.memory_space<vmem>>) dst(%dma_wait3A_64 : memref<640xf32, #tpu.memory_space<hbm>>)
      tpu.yield
    }) : () -> ()
    %run_scoped3A_51 = arith.constant 1 : i32
    "tpu.region"() ({
      %run_scoped3A_58 = tpu.sem_alloc : memref<!tpu.dma_semaphore, #tpu.memory_space<semaphore_mem>>
      %dma_start3A = arith.constant 0 : i32
      %dma_start3A_59 = tpu.memref_slice %arg6[%run_scoped3A_51, %dma_start3A, %mul3A_43] : memref<2x16x10240xf32, #tpu.memory_space<vmem_shared>> -> memref<1x16x640xf32, #tpu.memory_space<vmem_shared>>
      %dma_start3A_60 = tpu.memref_squeeze %dma_start3A_59 : memref<1x16x640xf32, #tpu.memory_space<vmem_shared>> -> memref<16x640xf32, #tpu.memory_space<vmem_shared>>
      %dma_start3A_61 = arith.constant 0 : i32
      %dma_start3A_62 = tpu.memref_slice %arg6[%run_scoped3A_51, %dma_start3A_61, %mul3A_43] : memref<2x16x10240xf32, #tpu.memory_space<vmem_shared>> -> memref<1x16x640xf32, #tpu.memory_space<vmem_shared>>
      %dma_start3A_63 = tpu.memref_squeeze %dma_start3A_62 : memref<1x16x640xf32, #tpu.memory_space<vmem_shared>> -> memref<16x640xf32, #tpu.memory_space<vmem_shared>>
      tpu.enqueue_dma source(%dma_start3A_63 : memref<16x640xf32, #tpu.memory_space<vmem_shared>>) target(%arg11 : memref<16x640xf32, #tpu.memory_space<vmem>>) target_semaphore(%run_scoped3A_58 : memref<!tpu.dma_semaphore, #tpu.memory_space<semaphore_mem>>)
      %dma_wait3A = arith.constant 0 : i32
      %dma_wait3A_64 = tpu.memref_slice %arg6[%run_scoped3A_51, %dma_wait3A, %mul3A_43] : memref<2x16x10240xf32, #tpu.memory_space<vmem_shared>> -> memref<1x16x640xf32, #tpu.memory_space<vmem_shared>>
      %dma_wait3A_65 = tpu.memref_squeeze %dma_wait3A_64 : memref<1x16x640xf32, #tpu.memory_space<vmem_shared>> -> memref<16x640xf32, #tpu.memory_space<vmem_shared>>
      %dma_wait3A_66 = arith.constant 0 : i32
      %dma_wait3A_67 = tpu.memref_slice %arg6[%run_scoped3A_51, %dma_wait3A_66, %mul3A_43] : memref<2x16x10240xf32, #tpu.memory_space<vmem_shared>> -> memref<1x16x640xf32, #tpu.memory_space<vmem_shared>>
      %dma_wait3A_68 = tpu.memref_squeeze %dma_wait3A_67 : memref<1x16x640xf32, #tpu.memory_space<vmem_shared>> -> memref<16x640xf32, #tpu.memory_space<vmem_shared>>
      tpu.wait_dma2 semaphore(%run_scoped3A_58 : memref<!tpu.dma_semaphore, #tpu.memory_space<semaphore_mem>>) src(%dma_wait3A_68 : memref<16x640xf32, #tpu.memory_space<vmem_shared>>) dst(%arg11 : memref<16x640xf32, #tpu.memory_space<vmem>>)
      tpu.yield
    }) : () -> ()
    %scan3A_52 = arith.constant 0 : i32
    %scan3A_53 = arith.constant 40 : i32
    %scan3A_54 = arith.addi %scan3A_52, %scan3A_53 : i32
    %scan3A_55 = arith.constant 1 : i32
    scf.for %scan3A_58 = %scan3A_52 to %scan3A_54 step %scan3A_55  : i32 {
      %mul3A_59 = arith.constant 16 : i32
      %mul3A_60 = arith.muli %scan3A_58, %mul3A_59 : i32
      %add3A_61 = arith.constant 0 : i32
      %add3A_62 = arith.addi %add3A_61, %mul3A_60 : i32
      %get3A = arith.constant 0 : i32
      %get3A_63 = arith.index_cast %get3A : i32 to index
      %get3A_64 = arith.index_cast %add3A_62 : i32 to index
      %get3A_65 = tpu.vector_load %arg11[%get3A_63, %get3A_64] {strides = array<i32>} : memref<16x640xf32, #tpu.memory_space<vmem>>, vector<16xf32>,
      %get3A_66 = arith.constant 1 : i32
      %get3A_67 = arith.index_cast %get3A_66 : i32 to index
      %get3A_68 = arith.index_cast %add3A_62 : i32 to index
      %get3A_69 = tpu.vector_load %arg11[%get3A_67, %get3A_68] {strides = array<i32>} : memref<16x640xf32, #tpu.memory_space<vmem>>, vector<16xf32>,
      %add3A_70 = arith.addf %get3A_65, %get3A_69 : vector<16xf32>
      %get3A_71 = arith.constant 2 : i32
      %get3A_72 = arith.index_cast %get3A_71 : i32 to index
      %get3A_73 = arith.index_cast %add3A_62 : i32 to index
      %get3A_74 = tpu.vector_load %arg11[%get3A_72, %get3A_73] {strides = array<i32>} : memref<16x640xf32, #tpu.memory_space<vmem>>, vector<16xf32>,
      %add3A_75 = arith.addf %add3A_70, %get3A_74 : vector<16xf32>
      %get3A_76 = arith.constant 3 : i32
      %get3A_77 = arith.index_cast %get3A_76 : i32 to index
      %get3A_78 = arith.index_cast %add3A_62 : i32 to index
      %get3A_79 = tpu.vector_load %arg11[%get3A_77, %get3A_78] {strides = array<i32>} : memref<16x640xf32, #tpu.memory_space<vmem>>, vector<16xf32>,
      %add3A_80 = arith.addf %add3A_75, %get3A_79 : vector<16xf32>
      %get3A_81 = arith.constant 4 : i32
      %get3A_82 = arith.index_cast %get3A_81 : i32 to index
      %get3A_83 = arith.index_cast %add3A_62 : i32 to index
      %get3A_84 = tpu.vector_load %arg11[%get3A_82, %get3A_83] {strides = array<i32>} : memref<16x640xf32, #tpu.memory_space<vmem>>, vector<16xf32>,
      %add3A_85 = arith.addf %add3A_80, %get3A_84 : vector<16xf32>
      %get3A_86 = arith.constant 5 : i32
      %get3A_87 = arith.index_cast %get3A_86 : i32 to index
      %get3A_88 = arith.index_cast %add3A_62 : i32 to index
      %get3A_89 = tpu.vector_load %arg11[%get3A_87, %get3A_88] {strides = array<i32>} : memref<16x640xf32, #tpu.memory_space<vmem>>, vector<16xf32>,
      %add3A_90 = arith.addf %add3A_85, %get3A_89 : vector<16xf32>
      %get3A_91 = arith.constant 6 : i32
      %get3A_92 = arith.index_cast %get3A_91 : i32 to index
      %get3A_93 = arith.index_cast %add3A_62 : i32 to index
      %get3A_94 = tpu.vector_load %arg11[%get3A_92, %get3A_93] {strides = array<i32>} : memref<16x640xf32, #tpu.memory_space<vmem>>, vector<16xf32>,
      %add3A_95 = arith.addf %add3A_90, %get3A_94 : vector<16xf32>
      %get3A_96 = arith.constant 7 : i32
      %get3A_97 = arith.index_cast %get3A_96 : i32 to index
      %get3A_98 = arith.index_cast %add3A_62 : i32 to index
      %get3A_99 = tpu.vector_load %arg11[%get3A_97, %get3A_98] {strides = array<i32>} : memref<16x640xf32, #tpu.memory_space<vmem>>, vector<16xf32>,
      %add3A_100 = arith.addf %add3A_95, %get3A_99 : vector<16xf32>
      %get3A_101 = arith.constant 8 : i32
      %get3A_102 = arith.index_cast %get3A_101 : i32 to index
      %get3A_103 = arith.index_cast %add3A_62 : i32 to index
      %get3A_104 = tpu.vector_load %arg11[%get3A_102, %get3A_103] {strides = array<i32>} : memref<16x640xf32, #tpu.memory_space<vmem>>, vector<16xf32>,
      %add3A_105 = arith.addf %add3A_100, %get3A_104 : vector<16xf32>
      %get3A_106 = arith.constant 9 : i32
      %get3A_107 = arith.index_cast %get3A_106 : i32 to index
      %get3A_108 = arith.index_cast %add3A_62 : i32 to index
      %get3A_109 = tpu.vector_load %arg11[%get3A_107, %get3A_108] {strides = array<i32>} : memref<16x640xf32, #tpu.memory_space<vmem>>, vector<16xf32>,
      %add3A_110 = arith.addf %add3A_105, %get3A_109 : vector<16xf32>
      %get3A_111 = arith.constant 10 : i32
      %get3A_112 = arith.index_cast %get3A_111 : i32 to index
      %get3A_113 = arith.index_cast %add3A_62 : i32 to index
      %get3A_114 = tpu.vector_load %arg11[%get3A_112, %get3A_113] {strides = array<i32>} : memref<16x640xf32, #tpu.memory_space<vmem>>, vector<16xf32>,
      %add3A_115 = arith.addf %add3A_110, %get3A_114 : vector<16xf32>
      %get3A_116 = arith.constant 11 : i32
      %get3A_117 = arith.index_cast %get3A_116 : i32 to index
      %get3A_118 = arith.index_cast %add3A_62 : i32 to index
      %get3A_119 = tpu.vector_load %arg11[%get3A_117, %get3A_118] {strides = array<i32>} : memref<16x640xf32, #tpu.memory_space<vmem>>, vector<16xf32>,
      %add3A_120 = arith.addf %add3A_115, %get3A_119 : vector<16xf32>
      %get3A_121 = arith.constant 12 : i32
      %get3A_122 = arith.index_cast %get3A_121 : i32 to index
      %get3A_123 = arith.index_cast %add3A_62 : i32 to index
      %get3A_124 = tpu.vector_load %arg11[%get3A_122, %get3A_123] {strides = array<i32>} : memref<16x640xf32, #tpu.memory_space<vmem>>, vector<16xf32>,
      %add3A_125 = arith.addf %add3A_120, %get3A_124 : vector<16xf32>
      %get3A_126 = arith.constant 13 : i32
      %get3A_127 = arith.index_cast %get3A_126 : i32 to index
      %get3A_128 = arith.index_cast %add3A_62 : i32 to index
      %get3A_129 = tpu.vector_load %arg11[%get3A_127, %get3A_128] {strides = array<i32>} : memref<16x640xf32, #tpu.memory_space<vmem>>, vector<16xf32>,
      %add3A_130 = arith.addf %add3A_125, %get3A_129 : vector<16xf32>
      %get3A_131 = arith.constant 14 : i32
      %get3A_132 = arith.index_cast %get3A_131 : i32 to index
      %get3A_133 = arith.index_cast %add3A_62 : i32 to index
      %get3A_134 = tpu.vector_load %arg11[%get3A_132, %get3A_133] {strides = array<i32>} : memref<16x640xf32, #tpu.memory_space<vmem>>, vector<16xf32>,
      %add3A_135 = arith.addf %add3A_130, %get3A_134 : vector<16xf32>
      %get3A_136 = arith.constant 15 : i32
      %get3A_137 = arith.index_cast %get3A_136 : i32 to index
      %get3A_138 = arith.index_cast %add3A_62 : i32 to index
      %get3A_139 = tpu.vector_load %arg11[%get3A_137, %get3A_138] {strides = array<i32>} : memref<16x640xf32, #tpu.memory_space<vmem>>, vector<16xf32>,
      %add3A_140 = arith.addf %add3A_135, %get3A_139 : vector<16xf32>
      %swap3A = arith.index_cast %add3A_62 : i32 to index
      %swap3A_141 = tpu.vector_load %arg12[%swap3A] {strides = array<i32>} : memref<640xf32, #tpu.memory_space<vmem>>, vector<16xf32>,
      tpu.vector_store %arg12[%swap3A], %add3A_140 {strides = array<i32>} : memref<640xf32, #tpu.memory_space<vmem>>, vector<16xf32>,
    }
    %scan3A_56 = arith.constant 40 : i32
    %run_scoped3A_57 = arith.constant 1 : i32
    "tpu.region"() ({
      %run_scoped3A_58 = tpu.sem_alloc : memref<!tpu.dma_semaphore, #tpu.memory_space<semaphore_mem>>
      %dma_start3A = tpu.memref_slice %arg3[%arg0, %run_scoped3A_57, %mul3A_43] : memref<2x2x10240xf32, #tpu.memory_space<hbm>> -> memref<1x1x640xf32, #tpu.memory_space<hbm>>
      %dma_start3A_59 = tpu.memref_squeeze %dma_start3A : memref<1x1x640xf32, #tpu.memory_space<hbm>> -> memref<640xf32, #tpu.memory_space<hbm>>
      %dma_start3A_60 = tpu.memref_slice %arg3[%arg0, %run_scoped3A_57, %mul3A_43] : memref<2x2x10240xf32, #tpu.memory_space<hbm>> -> memref<1x1x640xf32, #tpu.memory_space<hbm>>
      %dma_start3A_61 = tpu.memref_squeeze %dma_start3A_60 : memref<1x1x640xf32, #tpu.memory_space<hbm>> -> memref<640xf32, #tpu.memory_space<hbm>>
      tpu.enqueue_dma source(%arg12 : memref<640xf32, #tpu.memory_space<vmem>>) target(%dma_start3A_61 : memref<640xf32, #tpu.memory_space<hbm>>) target_semaphore(%run_scoped3A_58 : memref<!tpu.dma_semaphore, #tpu.memory_space<semaphore_mem>>)
      %dma_wait3A = tpu.memref_slice %arg3[%arg0, %run_scoped3A_57, %mul3A_43] : memref<2x2x10240xf32, #tpu.memory_space<hbm>> -> memref<1x1x640xf32, #tpu.memory_space<hbm>>
      %dma_wait3A_62 = tpu.memref_squeeze %dma_wait3A : memref<1x1x640xf32, #tpu.memory_space<hbm>> -> memref<640xf32, #tpu.memory_space<hbm>>
      %dma_wait3A_63 = tpu.memref_slice %arg3[%arg0, %run_scoped3A_57, %mul3A_43] : memref<2x2x10240xf32, #tpu.memory_space<hbm>> -> memref<1x1x640xf32, #tpu.memory_space<hbm>>
      %dma_wait3A_64 = tpu.memref_squeeze %dma_wait3A_63 : memref<1x1x640xf32, #tpu.memory_space<hbm>> -> memref<640xf32, #tpu.memory_space<hbm>>
      tpu.wait_dma2 semaphore(%run_scoped3A_58 : memref<!tpu.dma_semaphore, #tpu.memory_space<semaphore_mem>>) src(%arg12 : memref<640xf32, #tpu.memory_space<vmem>>) dst(%dma_wait3A_64 : memref<640xf32, #tpu.memory_space<hbm>>)
      tpu.yield
    }) : () -> ()
    return
  }
}

#map = affine_map<(d0, d1) -> (0, 0)>
#map1 = affine_map<(d0, d1) -> (0, 0, 0, 0)>
#map2 = affine_map<(d0, d1) -> (0, 0, 0)>
module attributes {stable_mosaic.version = 14 : i64} {
  func.func @k(%arg0: i32, %arg1: i32, %arg2: memref<10000x128xf32, #tpu.memory_space<hbm>>, %arg3: memref<32x10x8x128xi32, #tpu.memory_space<hbm>>, %arg4: memref<32x10x8x128xi32, #tpu.memory_space<hbm>>, %arg5: memref<2x10000x128xf32, #tpu.memory_space<hbm>>, %arg6: memref<11024x128xf32, #tpu.memory_space<vmem_shared>>, %arg7: memref<2x8x128xi32, #tpu.memory_space<vmem>>, %arg8: memref<2x8x128xi32, #tpu.memory_space<vmem>>, %arg9: memref<128x128xf32, #tpu.memory_space<vmem>>, %arg10: memref<128x128xf32, #tpu.memory_space<vmem>>, %arg11: memref<!tpu.dma_semaphore, #tpu.memory_space<semaphore_mem>>, %arg12: memref<!tpu.dma_semaphore, #tpu.memory_space<semaphore_mem>>, %arg13: memref<!tpu.dma_semaphore, #tpu.memory_space<semaphore_mem>>) attributes {dimension_semantics = [#tpu.dimension_semantics<core_parallel>, #tpu.dimension_semantics<subcore_parallel>], iteration_bounds = array<i64: 2, 16>, scalar_prefetch = 0 : i64, scratch_operands = 8 : i64, tpu.core_type = #tpu.core_type<sc_vector_subcore>, window_params = [{transform_indices = #map}, {transform_indices = #map1}, {transform_indices = #map1}, {transform_indices = #map2}]} {
    %mul3A = arith.constant 16 : i32
    %mul3A_0 = arith.muli %arg0, %mul3A : i32
    %add3A = arith.addi %mul3A_0, %arg1 : i32
    %dma_start3A = arith.constant 0 : i32
    %dma_start3A_1 = arith.constant 0 : i32
    %dma_start3A_2 = arith.constant 0 : i32
    %dma_start3A_3 = arith.constant 0 : i32
    %dma_start3A_4 = tpu.memref_slice %arg7[%dma_start3A_1, %dma_start3A_2, %dma_start3A_3] : memref<2x8x128xi32, #tpu.memory_space<vmem>> -> memref<1x8x128xi32, #tpu.memory_space<vmem>>
    %dma_start3A_5 = tpu.memref_squeeze %dma_start3A_4 : memref<1x8x128xi32, #tpu.memory_space<vmem>> -> memref<8x128xi32, #tpu.memory_space<vmem>>
    %dma_start3A_6 = arith.constant 0 : i32
    %dma_start3A_7 = arith.constant 0 : i32
    %dma_start3A_8 = tpu.memref_slice %arg3[%add3A, %dma_start3A, %dma_start3A_6, %dma_start3A_7] : memref<32x10x8x128xi32, #tpu.memory_space<hbm>> -> memref<1x1x8x128xi32, #tpu.memory_space<hbm>>
    %dma_start3A_9 = tpu.memref_squeeze %dma_start3A_8 : memref<1x1x8x128xi32, #tpu.memory_space<hbm>> -> memref<8x128xi32, #tpu.memory_space<hbm>>
    %dma_start3A_10 = arith.constant 0 : i32
    %dma_start3A_11 = arith.constant 0 : i32
    %dma_start3A_12 = tpu.memref_slice %arg7[%dma_start3A_1, %dma_start3A_10, %dma_start3A_11] : memref<2x8x128xi32, #tpu.memory_space<vmem>> -> memref<1x8x128xi32, #tpu.memory_space<vmem>>
    %dma_start3A_13 = tpu.memref_squeeze %dma_start3A_12 : memref<1x8x128xi32, #tpu.memory_space<vmem>> -> memref<8x128xi32, #tpu.memory_space<vmem>>
    %dma_start3A_14 = arith.constant 0 : i32
    %dma_start3A_15 = arith.constant 0 : i32
    %dma_start3A_16 = tpu.memref_slice %arg3[%add3A, %dma_start3A, %dma_start3A_14, %dma_start3A_15] : memref<32x10x8x128xi32, #tpu.memory_space<hbm>> -> memref<1x1x8x128xi32, #tpu.memory_space<hbm>>
    %dma_start3A_17 = tpu.memref_squeeze %dma_start3A_16 : memref<1x1x8x128xi32, #tpu.memory_space<hbm>> -> memref<8x128xi32, #tpu.memory_space<hbm>>
    tpu.enqueue_dma source(%dma_start3A_17 : memref<8x128xi32, #tpu.memory_space<hbm>>) target(%dma_start3A_13 : memref<8x128xi32, #tpu.memory_space<vmem>>) target_semaphore(%arg11 : memref<!tpu.dma_semaphore, #tpu.memory_space<semaphore_mem>>)
    %dma_start3A_18 = arith.constant 0 : i32
    %dma_start3A_19 = arith.constant 0 : i32
    %dma_start3A_20 = arith.constant 0 : i32
    %dma_start3A_21 = arith.constant 0 : i32
    %dma_start3A_22 = tpu.memref_slice %arg8[%dma_start3A_19, %dma_start3A_20, %dma_start3A_21] : memref<2x8x128xi32, #tpu.memory_space<vmem>> -> memref<1x8x128xi32, #tpu.memory_space<vmem>>
    %dma_start3A_23 = tpu.memref_squeeze %dma_start3A_22 : memref<1x8x128xi32, #tpu.memory_space<vmem>> -> memref<8x128xi32, #tpu.memory_space<vmem>>
    %dma_start3A_24 = arith.constant 0 : i32
    %dma_start3A_25 = arith.constant 0 : i32
    %dma_start3A_26 = tpu.memref_slice %arg4[%add3A, %dma_start3A_18, %dma_start3A_24, %dma_start3A_25] : memref<32x10x8x128xi32, #tpu.memory_space<hbm>> -> memref<1x1x8x128xi32, #tpu.memory_space<hbm>>
    %dma_start3A_27 = tpu.memref_squeeze %dma_start3A_26 : memref<1x1x8x128xi32, #tpu.memory_space<hbm>> -> memref<8x128xi32, #tpu.memory_space<hbm>>
    %dma_start3A_28 = arith.constant 0 : i32
    %dma_start3A_29 = arith.constant 0 : i32
    %dma_start3A_30 = tpu.memref_slice %arg8[%dma_start3A_19, %dma_start3A_28, %dma_start3A_29] : memref<2x8x128xi32, #tpu.memory_space<vmem>> -> memref<1x8x128xi32, #tpu.memory_space<vmem>>
    %dma_start3A_31 = tpu.memref_squeeze %dma_start3A_30 : memref<1x8x128xi32, #tpu.memory_space<vmem>> -> memref<8x128xi32, #tpu.memory_space<vmem>>
    %dma_start3A_32 = arith.constant 0 : i32
    %dma_start3A_33 = arith.constant 0 : i32
    %dma_start3A_34 = tpu.memref_slice %arg4[%add3A, %dma_start3A_18, %dma_start3A_32, %dma_start3A_33] : memref<32x10x8x128xi32, #tpu.memory_space<hbm>> -> memref<1x1x8x128xi32, #tpu.memory_space<hbm>>
    %dma_start3A_35 = tpu.memref_squeeze %dma_start3A_34 : memref<1x1x8x128xi32, #tpu.memory_space<hbm>> -> memref<8x128xi32, #tpu.memory_space<hbm>>
    tpu.enqueue_dma source(%dma_start3A_35 : memref<8x128xi32, #tpu.memory_space<hbm>>) target(%dma_start3A_31 : memref<8x128xi32, #tpu.memory_space<vmem>>) target_semaphore(%arg11 : memref<!tpu.dma_semaphore, #tpu.memory_space<semaphore_mem>>)
    %broadcast_in_dim3A = arith.constant 0.000000e+00 : f32
    %broadcast_in_dim3A_36 = vector.broadcast %broadcast_in_dim3A : f32 to vector<16xf32>
    %scan3A = arith.constant 0 : i32
    %scan3A_37 = arith.constant 128 : i32
    %scan3A_38 = arith.addi %scan3A, %scan3A_37 : i32
    %scan3A_39 = arith.constant 1 : i32
    scf.for %scan3A_153 = %scan3A to %scan3A_38 step %scan3A_39  : i32 {
      %mul3A_154 = arith.constant 1 : i32
      %mul3A_155 = arith.muli %scan3A_153, %mul3A_154 : i32
      %add3A_156 = arith.constant 0 : i32
      %add3A_157 = arith.addi %add3A_156, %mul3A_155 : i32
      %scan3A_158 = arith.constant 0 : i32
      %scan3A_159 = arith.constant 8 : i32
      %scan3A_160 = arith.addi %scan3A_158, %scan3A_159 : i32
      %scan3A_161 = arith.constant 1 : i32
      scf.for %scan3A_163 = %scan3A_158 to %scan3A_160 step %scan3A_161  : i32 {
        %mul3A_164 = arith.constant 16 : i32
        %mul3A_165 = arith.muli %scan3A_163, %mul3A_164 : i32
        %add3A_166 = arith.constant 0 : i32
        %add3A_167 = arith.addi %add3A_166, %mul3A_165 : i32
        %swap3A = arith.index_cast %add3A_157 : i32 to index
        %swap3A_168 = arith.index_cast %add3A_167 : i32 to index
        %swap3A_169 = tpu.vector_load %arg9[%swap3A, %swap3A_168] {strides = array<i32>} : memref<128x128xf32, #tpu.memory_space<vmem>>, vector<1x16xf32>,
        %swap3A_170 = vector.shape_cast %swap3A_169 : vector<1x16xf32> to vector<16xf32>
        %swap3A_171 = vector.shape_cast %broadcast_in_dim3A_36 : vector<16xf32> to vector<1x16xf32>
        tpu.vector_store %arg9[%swap3A, %swap3A_168], %swap3A_171 {strides = array<i32>} : memref<128x128xf32, #tpu.memory_space<vmem>>, vector<1x16xf32>,
      }
      %scan3A_162 = arith.constant 8 : i32
    }
    %scan3A_40 = arith.constant 128 : i32
    %mul3A_41 = arith.constant 696 : i32
    %mul3A_42 = arith.muli %arg1, %mul3A_41 : i32
    %min3A = arith.constant 10256 : i32
    %min3A_43 = arith.minsi %mul3A_42, %min3A : i32
    %add3A_44 = arith.constant 0 : i32
    %add3A_45 = arith.addi %min3A_43, %add3A_44 : i32
    "tpu.region"() ({
      %run_scoped3A = tpu.sem_alloc : memref<!tpu.dma_semaphore, #tpu.memory_space<semaphore_mem>>
      %dma_start3A_153 = arith.constant 0 : i32
      %dma_start3A_154 = tpu.memref_slice %arg6[%add3A_45, %dma_start3A_153] : memref<11024x128xf32, #tpu.memory_space<vmem_shared>> -> memref<128x128xf32, #tpu.memory_space<vmem_shared>>
      %dma_start3A_155 = arith.constant 0 : i32
      %dma_start3A_156 = tpu.memref_slice %arg6[%add3A_45, %dma_start3A_155] : memref<11024x128xf32, #tpu.memory_space<vmem_shared>> -> memref<128x128xf32, #tpu.memory_space<vmem_shared>>
      tpu.enqueue_dma source(%arg9 : memref<128x128xf32, #tpu.memory_space<vmem>>) target(%dma_start3A_156 : memref<128x128xf32, #tpu.memory_space<vmem_shared>>) target_semaphore(%run_scoped3A : memref<!tpu.dma_semaphore, #tpu.memory_space<semaphore_mem>>)
      %dma_wait3A_157 = arith.constant 0 : i32
      %dma_wait3A_158 = tpu.memref_slice %arg6[%add3A_45, %dma_wait3A_157] : memref<11024x128xf32, #tpu.memory_space<vmem_shared>> -> memref<128x128xf32, #tpu.memory_space<vmem_shared>>
      %dma_wait3A_159 = arith.constant 0 : i32
      %dma_wait3A_160 = tpu.memref_slice %arg6[%add3A_45, %dma_wait3A_159] : memref<11024x128xf32, #tpu.memory_space<vmem_shared>> -> memref<128x128xf32, #tpu.memory_space<vmem_shared>>
      tpu.wait_dma2 semaphore(%run_scoped3A : memref<!tpu.dma_semaphore, #tpu.memory_space<semaphore_mem>>) src(%arg9 : memref<128x128xf32, #tpu.memory_space<vmem>>) dst(%dma_wait3A_160 : memref<128x128xf32, #tpu.memory_space<vmem_shared>>)
      tpu.yield
    }) : () -> ()
    %add3A_46 = arith.constant 128 : i32
    %add3A_47 = arith.addi %min3A_43, %add3A_46 : i32
    "tpu.region"() ({
      %run_scoped3A = tpu.sem_alloc : memref<!tpu.dma_semaphore, #tpu.memory_space<semaphore_mem>>
      %dma_start3A_153 = arith.constant 0 : i32
      %dma_start3A_154 = tpu.memref_slice %arg6[%add3A_47, %dma_start3A_153] : memref<11024x128xf32, #tpu.memory_space<vmem_shared>> -> memref<128x128xf32, #tpu.memory_space<vmem_shared>>
      %dma_start3A_155 = arith.constant 0 : i32
      %dma_start3A_156 = tpu.memref_slice %arg6[%add3A_47, %dma_start3A_155] : memref<11024x128xf32, #tpu.memory_space<vmem_shared>> -> memref<128x128xf32, #tpu.memory_space<vmem_shared>>
      tpu.enqueue_dma source(%arg9 : memref<128x128xf32, #tpu.memory_space<vmem>>) target(%dma_start3A_156 : memref<128x128xf32, #tpu.memory_space<vmem_shared>>) target_semaphore(%run_scoped3A : memref<!tpu.dma_semaphore, #tpu.memory_space<semaphore_mem>>)
      %dma_wait3A_157 = arith.constant 0 : i32
      %dma_wait3A_158 = tpu.memref_slice %arg6[%add3A_47, %dma_wait3A_157] : memref<11024x128xf32, #tpu.memory_space<vmem_shared>> -> memref<128x128xf32, #tpu.memory_space<vmem_shared>>
      %dma_wait3A_159 = arith.constant 0 : i32
      %dma_wait3A_160 = tpu.memref_slice %arg6[%add3A_47, %dma_wait3A_159] : memref<11024x128xf32, #tpu.memory_space<vmem_shared>> -> memref<128x128xf32, #tpu.memory_space<vmem_shared>>
      tpu.wait_dma2 semaphore(%run_scoped3A : memref<!tpu.dma_semaphore, #tpu.memory_space<semaphore_mem>>) src(%arg9 : memref<128x128xf32, #tpu.memory_space<vmem>>) dst(%dma_wait3A_160 : memref<128x128xf32, #tpu.memory_space<vmem_shared>>)
      tpu.yield
    }) : () -> ()
    %add3A_48 = arith.constant 256 : i32
    %add3A_49 = arith.addi %min3A_43, %add3A_48 : i32
    "tpu.region"() ({
      %run_scoped3A = tpu.sem_alloc : memref<!tpu.dma_semaphore, #tpu.memory_space<semaphore_mem>>
      %dma_start3A_153 = arith.constant 0 : i32
      %dma_start3A_154 = tpu.memref_slice %arg6[%add3A_49, %dma_start3A_153] : memref<11024x128xf32, #tpu.memory_space<vmem_shared>> -> memref<128x128xf32, #tpu.memory_space<vmem_shared>>
      %dma_start3A_155 = arith.constant 0 : i32
      %dma_start3A_156 = tpu.memref_slice %arg6[%add3A_49, %dma_start3A_155] : memref<11024x128xf32, #tpu.memory_space<vmem_shared>> -> memref<128x128xf32, #tpu.memory_space<vmem_shared>>
      tpu.enqueue_dma source(%arg9 : memref<128x128xf32, #tpu.memory_space<vmem>>) target(%dma_start3A_156 : memref<128x128xf32, #tpu.memory_space<vmem_shared>>) target_semaphore(%run_scoped3A : memref<!tpu.dma_semaphore, #tpu.memory_space<semaphore_mem>>)
      %dma_wait3A_157 = arith.constant 0 : i32
      %dma_wait3A_158 = tpu.memref_slice %arg6[%add3A_49, %dma_wait3A_157] : memref<11024x128xf32, #tpu.memory_space<vmem_shared>> -> memref<128x128xf32, #tpu.memory_space<vmem_shared>>
      %dma_wait3A_159 = arith.constant 0 : i32
      %dma_wait3A_160 = tpu.memref_slice %arg6[%add3A_49, %dma_wait3A_159] : memref<11024x128xf32, #tpu.memory_space<vmem_shared>> -> memref<128x128xf32, #tpu.memory_space<vmem_shared>>
      tpu.wait_dma2 semaphore(%run_scoped3A : memref<!tpu.dma_semaphore, #tpu.memory_space<semaphore_mem>>) src(%arg9 : memref<128x128xf32, #tpu.memory_space<vmem>>) dst(%dma_wait3A_160 : memref<128x128xf32, #tpu.memory_space<vmem_shared>>)
      tpu.yield
    }) : () -> ()
    %add3A_50 = arith.constant 384 : i32
    %add3A_51 = arith.addi %min3A_43, %add3A_50 : i32
    "tpu.region"() ({
      %run_scoped3A = tpu.sem_alloc : memref<!tpu.dma_semaphore, #tpu.memory_space<semaphore_mem>>
      %dma_start3A_153 = arith.constant 0 : i32
      %dma_start3A_154 = tpu.memref_slice %arg6[%add3A_51, %dma_start3A_153] : memref<11024x128xf32, #tpu.memory_space<vmem_shared>> -> memref<128x128xf32, #tpu.memory_space<vmem_shared>>
      %dma_start3A_155 = arith.constant 0 : i32
      %dma_start3A_156 = tpu.memref_slice %arg6[%add3A_51, %dma_start3A_155] : memref<11024x128xf32, #tpu.memory_space<vmem_shared>> -> memref<128x128xf32, #tpu.memory_space<vmem_shared>>
      tpu.enqueue_dma source(%arg9 : memref<128x128xf32, #tpu.memory_space<vmem>>) target(%dma_start3A_156 : memref<128x128xf32, #tpu.memory_space<vmem_shared>>) target_semaphore(%run_scoped3A : memref<!tpu.dma_semaphore, #tpu.memory_space<semaphore_mem>>)
      %dma_wait3A_157 = arith.constant 0 : i32
      %dma_wait3A_158 = tpu.memref_slice %arg6[%add3A_51, %dma_wait3A_157] : memref<11024x128xf32, #tpu.memory_space<vmem_shared>> -> memref<128x128xf32, #tpu.memory_space<vmem_shared>>
      %dma_wait3A_159 = arith.constant 0 : i32
      %dma_wait3A_160 = tpu.memref_slice %arg6[%add3A_51, %dma_wait3A_159] : memref<11024x128xf32, #tpu.memory_space<vmem_shared>> -> memref<128x128xf32, #tpu.memory_space<vmem_shared>>
      tpu.wait_dma2 semaphore(%run_scoped3A : memref<!tpu.dma_semaphore, #tpu.memory_space<semaphore_mem>>) src(%arg9 : memref<128x128xf32, #tpu.memory_space<vmem>>) dst(%dma_wait3A_160 : memref<128x128xf32, #tpu.memory_space<vmem_shared>>)
      tpu.yield
    }) : () -> ()
    %add3A_52 = arith.constant 512 : i32
    %add3A_53 = arith.addi %min3A_43, %add3A_52 : i32
    "tpu.region"() ({
      %run_scoped3A = tpu.sem_alloc : memref<!tpu.dma_semaphore, #tpu.memory_space<semaphore_mem>>
      %dma_start3A_153 = arith.constant 0 : i32
      %dma_start3A_154 = tpu.memref_slice %arg6[%add3A_53, %dma_start3A_153] : memref<11024x128xf32, #tpu.memory_space<vmem_shared>> -> memref<128x128xf32, #tpu.memory_space<vmem_shared>>
      %dma_start3A_155 = arith.constant 0 : i32
      %dma_start3A_156 = tpu.memref_slice %arg6[%add3A_53, %dma_start3A_155] : memref<11024x128xf32, #tpu.memory_space<vmem_shared>> -> memref<128x128xf32, #tpu.memory_space<vmem_shared>>
      tpu.enqueue_dma source(%arg9 : memref<128x128xf32, #tpu.memory_space<vmem>>) target(%dma_start3A_156 : memref<128x128xf32, #tpu.memory_space<vmem_shared>>) target_semaphore(%run_scoped3A : memref<!tpu.dma_semaphore, #tpu.memory_space<semaphore_mem>>)
      %dma_wait3A_157 = arith.constant 0 : i32
      %dma_wait3A_158 = tpu.memref_slice %arg6[%add3A_53, %dma_wait3A_157] : memref<11024x128xf32, #tpu.memory_space<vmem_shared>> -> memref<128x128xf32, #tpu.memory_space<vmem_shared>>
      %dma_wait3A_159 = arith.constant 0 : i32
      %dma_wait3A_160 = tpu.memref_slice %arg6[%add3A_53, %dma_wait3A_159] : memref<11024x128xf32, #tpu.memory_space<vmem_shared>> -> memref<128x128xf32, #tpu.memory_space<vmem_shared>>
      tpu.wait_dma2 semaphore(%run_scoped3A : memref<!tpu.dma_semaphore, #tpu.memory_space<semaphore_mem>>) src(%arg9 : memref<128x128xf32, #tpu.memory_space<vmem>>) dst(%dma_wait3A_160 : memref<128x128xf32, #tpu.memory_space<vmem_shared>>)
      tpu.yield
    }) : () -> ()
    %add3A_54 = arith.constant 640 : i32
    %add3A_55 = arith.addi %min3A_43, %add3A_54 : i32
    "tpu.region"() ({
      %run_scoped3A = tpu.sem_alloc : memref<!tpu.dma_semaphore, #tpu.memory_space<semaphore_mem>>
      %dma_start3A_153 = arith.constant 0 : i32
      %dma_start3A_154 = tpu.memref_slice %arg6[%add3A_55, %dma_start3A_153] : memref<11024x128xf32, #tpu.memory_space<vmem_shared>> -> memref<128x128xf32, #tpu.memory_space<vmem_shared>>
      %dma_start3A_155 = arith.constant 0 : i32
      %dma_start3A_156 = tpu.memref_slice %arg6[%add3A_55, %dma_start3A_155] : memref<11024x128xf32, #tpu.memory_space<vmem_shared>> -> memref<128x128xf32, #tpu.memory_space<vmem_shared>>
      tpu.enqueue_dma source(%arg9 : memref<128x128xf32, #tpu.memory_space<vmem>>) target(%dma_start3A_156 : memref<128x128xf32, #tpu.memory_space<vmem_shared>>) target_semaphore(%run_scoped3A : memref<!tpu.dma_semaphore, #tpu.memory_space<semaphore_mem>>)
      %dma_wait3A_157 = arith.constant 0 : i32
      %dma_wait3A_158 = tpu.memref_slice %arg6[%add3A_55, %dma_wait3A_157] : memref<11024x128xf32, #tpu.memory_space<vmem_shared>> -> memref<128x128xf32, #tpu.memory_space<vmem_shared>>
      %dma_wait3A_159 = arith.constant 0 : i32
      %dma_wait3A_160 = tpu.memref_slice %arg6[%add3A_55, %dma_wait3A_159] : memref<11024x128xf32, #tpu.memory_space<vmem_shared>> -> memref<128x128xf32, #tpu.memory_space<vmem_shared>>
      tpu.wait_dma2 semaphore(%run_scoped3A : memref<!tpu.dma_semaphore, #tpu.memory_space<semaphore_mem>>) src(%arg9 : memref<128x128xf32, #tpu.memory_space<vmem>>) dst(%dma_wait3A_160 : memref<128x128xf32, #tpu.memory_space<vmem_shared>>)
      tpu.yield
    }) : () -> ()
    %dma_wait3A = arith.constant 0 : i32
    %dma_wait3A_56 = arith.constant 0 : i32
    %dma_wait3A_57 = arith.constant 0 : i32
    %dma_wait3A_58 = arith.constant 0 : i32
    %dma_wait3A_59 = tpu.memref_slice %arg7[%dma_wait3A_56, %dma_wait3A_57, %dma_wait3A_58] : memref<2x8x128xi32, #tpu.memory_space<vmem>> -> memref<1x8x128xi32, #tpu.memory_space<vmem>>
    %dma_wait3A_60 = tpu.memref_squeeze %dma_wait3A_59 : memref<1x8x128xi32, #tpu.memory_space<vmem>> -> memref<8x128xi32, #tpu.memory_space<vmem>>
    %dma_wait3A_61 = arith.constant 0 : i32
    %dma_wait3A_62 = arith.constant 0 : i32
    %dma_wait3A_63 = tpu.memref_slice %arg3[%add3A, %dma_wait3A, %dma_wait3A_61, %dma_wait3A_62] : memref<32x10x8x128xi32, #tpu.memory_space<hbm>> -> memref<1x1x8x128xi32, #tpu.memory_space<hbm>>
    %dma_wait3A_64 = tpu.memref_squeeze %dma_wait3A_63 : memref<1x1x8x128xi32, #tpu.memory_space<hbm>> -> memref<8x128xi32, #tpu.memory_space<hbm>>
    %dma_wait3A_65 = arith.constant 0 : i32
    %dma_wait3A_66 = arith.constant 0 : i32
    %dma_wait3A_67 = tpu.memref_slice %arg7[%dma_wait3A_56, %dma_wait3A_65, %dma_wait3A_66] : memref<2x8x128xi32, #tpu.memory_space<vmem>> -> memref<1x8x128xi32, #tpu.memory_space<vmem>>
    %dma_wait3A_68 = tpu.memref_squeeze %dma_wait3A_67 : memref<1x8x128xi32, #tpu.memory_space<vmem>> -> memref<8x128xi32, #tpu.memory_space<vmem>>
    %dma_wait3A_69 = arith.constant 0 : i32
    %dma_wait3A_70 = arith.constant 0 : i32
    %dma_wait3A_71 = tpu.memref_slice %arg3[%add3A, %dma_wait3A, %dma_wait3A_69, %dma_wait3A_70] : memref<32x10x8x128xi32, #tpu.memory_space<hbm>> -> memref<1x1x8x128xi32, #tpu.memory_space<hbm>>
    %dma_wait3A_72 = tpu.memref_squeeze %dma_wait3A_71 : memref<1x1x8x128xi32, #tpu.memory_space<hbm>> -> memref<8x128xi32, #tpu.memory_space<hbm>>
    tpu.wait_dma2 semaphore(%arg11 : memref<!tpu.dma_semaphore, #tpu.memory_space<semaphore_mem>>) src(%dma_wait3A_72 : memref<8x128xi32, #tpu.memory_space<hbm>>) dst(%dma_wait3A_68 : memref<8x128xi32, #tpu.memory_space<vmem>>)
    %dma_wait3A_73 = arith.constant 0 : i32
    %dma_wait3A_74 = arith.constant 0 : i32
    %dma_wait3A_75 = arith.constant 0 : i32
    %dma_wait3A_76 = arith.constant 0 : i32
    %dma_wait3A_77 = tpu.memref_slice %arg8[%dma_wait3A_74, %dma_wait3A_75, %dma_wait3A_76] : memref<2x8x128xi32, #tpu.memory_space<vmem>> -> memref<1x8x128xi32, #tpu.memory_space<vmem>>
    %dma_wait3A_78 = tpu.memref_squeeze %dma_wait3A_77 : memref<1x8x128xi32, #tpu.memory_space<vmem>> -> memref<8x128xi32, #tpu.memory_space<vmem>>
    %dma_wait3A_79 = arith.constant 0 : i32
    %dma_wait3A_80 = arith.constant 0 : i32
    %dma_wait3A_81 = tpu.memref_slice %arg4[%add3A, %dma_wait3A_73, %dma_wait3A_79, %dma_wait3A_80] : memref<32x10x8x128xi32, #tpu.memory_space<hbm>> -> memref<1x1x8x128xi32, #tpu.memory_space<hbm>>
    %dma_wait3A_82 = tpu.memref_squeeze %dma_wait3A_81 : memref<1x1x8x128xi32, #tpu.memory_space<hbm>> -> memref<8x128xi32, #tpu.memory_space<hbm>>
    %dma_wait3A_83 = arith.constant 0 : i32
    %dma_wait3A_84 = arith.constant 0 : i32
    %dma_wait3A_85 = tpu.memref_slice %arg8[%dma_wait3A_74, %dma_wait3A_83, %dma_wait3A_84] : memref<2x8x128xi32, #tpu.memory_space<vmem>> -> memref<1x8x128xi32, #tpu.memory_space<vmem>>
    %dma_wait3A_86 = tpu.memref_squeeze %dma_wait3A_85 : memref<1x8x128xi32, #tpu.memory_space<vmem>> -> memref<8x128xi32, #tpu.memory_space<vmem>>
    %dma_wait3A_87 = arith.constant 0 : i32
    %dma_wait3A_88 = arith.constant 0 : i32
    %dma_wait3A_89 = tpu.memref_slice %arg4[%add3A, %dma_wait3A_73, %dma_wait3A_87, %dma_wait3A_88] : memref<32x10x8x128xi32, #tpu.memory_space<hbm>> -> memref<1x1x8x128xi32, #tpu.memory_space<hbm>>
    %dma_wait3A_90 = tpu.memref_squeeze %dma_wait3A_89 : memref<1x1x8x128xi32, #tpu.memory_space<hbm>> -> memref<8x128xi32, #tpu.memory_space<hbm>>
    tpu.wait_dma2 semaphore(%arg11 : memref<!tpu.dma_semaphore, #tpu.memory_space<semaphore_mem>>) src(%dma_wait3A_90 : memref<8x128xi32, #tpu.memory_space<hbm>>) dst(%dma_wait3A_86 : memref<8x128xi32, #tpu.memory_space<vmem>>)
    %barrier3A = arith.constant 0 : index
    tpu.barrier barrier_id(%barrier3A)
    %dma_start3A_91 = arith.constant 1 : i32
    %dma_start3A_92 = arith.constant 1 : i32
    %dma_start3A_93 = arith.constant 0 : i32
    %dma_start3A_94 = arith.constant 0 : i32
    %dma_start3A_95 = tpu.memref_slice %arg7[%dma_start3A_92, %dma_start3A_93, %dma_start3A_94] : memref<2x8x128xi32, #tpu.memory_space<vmem>> -> memref<1x8x128xi32, #tpu.memory_space<vmem>>
    %dma_start3A_96 = tpu.memref_squeeze %dma_start3A_95 : memref<1x8x128xi32, #tpu.memory_space<vmem>> -> memref<8x128xi32, #tpu.memory_space<vmem>>
    %dma_start3A_97 = arith.constant 0 : i32
    %dma_start3A_98 = arith.constant 0 : i32
    %dma_start3A_99 = tpu.memref_slice %arg3[%add3A, %dma_start3A_91, %dma_start3A_97, %dma_start3A_98] : memref<32x10x8x128xi32, #tpu.memory_space<hbm>> -> memref<1x1x8x128xi32, #tpu.memory_space<hbm>>
    %dma_start3A_100 = tpu.memref_squeeze %dma_start3A_99 : memref<1x1x8x128xi32, #tpu.memory_space<hbm>> -> memref<8x128xi32, #tpu.memory_space<hbm>>
    %dma_start3A_101 = arith.constant 0 : i32
    %dma_start3A_102 = arith.constant 0 : i32
    %dma_start3A_103 = tpu.memref_slice %arg7[%dma_start3A_92, %dma_start3A_101, %dma_start3A_102] : memref<2x8x128xi32, #tpu.memory_space<vmem>> -> memref<1x8x128xi32, #tpu.memory_space<vmem>>
    %dma_start3A_104 = tpu.memref_squeeze %dma_start3A_103 : memref<1x8x128xi32, #tpu.memory_space<vmem>> -> memref<8x128xi32, #tpu.memory_space<vmem>>
    %dma_start3A_105 = arith.constant 0 : i32
    %dma_start3A_106 = arith.constant 0 : i32
    %dma_start3A_107 = tpu.memref_slice %arg3[%add3A, %dma_start3A_91, %dma_start3A_105, %dma_start3A_106] : memref<32x10x8x128xi32, #tpu.memory_space<hbm>> -> memref<1x1x8x128xi32, #tpu.memory_space<hbm>>
    %dma_start3A_108 = tpu.memref_squeeze %dma_start3A_107 : memref<1x1x8x128xi32, #tpu.memory_space<hbm>> -> memref<8x128xi32, #tpu.memory_space<hbm>>
    tpu.enqueue_dma source(%dma_start3A_108 : memref<8x128xi32, #tpu.memory_space<hbm>>) target(%dma_start3A_104 : memref<8x128xi32, #tpu.memory_space<vmem>>) target_semaphore(%arg11 : memref<!tpu.dma_semaphore, #tpu.memory_space<semaphore_mem>>)
    %dma_start3A_109 = arith.constant 1 : i32
    %dma_start3A_110 = arith.constant 1 : i32
    %dma_start3A_111 = arith.constant 0 : i32
    %dma_start3A_112 = arith.constant 0 : i32
    %dma_start3A_113 = tpu.memref_slice %arg8[%dma_start3A_110, %dma_start3A_111, %dma_start3A_112] : memref<2x8x128xi32, #tpu.memory_space<vmem>> -> memref<1x8x128xi32, #tpu.memory_space<vmem>>
    %dma_start3A_114 = tpu.memref_squeeze %dma_start3A_113 : memref<1x8x128xi32, #tpu.memory_space<vmem>> -> memref<8x128xi32, #tpu.memory_space<vmem>>
    %dma_start3A_115 = arith.constant 0 : i32
    %dma_start3A_116 = arith.constant 0 : i32
    %dma_start3A_117 = tpu.memref_slice %arg4[%add3A, %dma_start3A_109, %dma_start3A_115, %dma_start3A_116] : memref<32x10x8x128xi32, #tpu.memory_space<hbm>> -> memref<1x1x8x128xi32, #tpu.memory_space<hbm>>
    %dma_start3A_118 = tpu.memref_squeeze %dma_start3A_117 : memref<1x1x8x128xi32, #tpu.memory_space<hbm>> -> memref<8x128xi32, #tpu.memory_space<hbm>>
    %dma_start3A_119 = arith.constant 0 : i32
    %dma_start3A_120 = arith.constant 0 : i32
    %dma_start3A_121 = tpu.memref_slice %arg8[%dma_start3A_110, %dma_start3A_119, %dma_start3A_120] : memref<2x8x128xi32, #tpu.memory_space<vmem>> -> memref<1x8x128xi32, #tpu.memory_space<vmem>>
    %dma_start3A_122 = tpu.memref_squeeze %dma_start3A_121 : memref<1x8x128xi32, #tpu.memory_space<vmem>> -> memref<8x128xi32, #tpu.memory_space<vmem>>
    %dma_start3A_123 = arith.constant 0 : i32
    %dma_start3A_124 = arith.constant 0 : i32
    %dma_start3A_125 = tpu.memref_slice %arg4[%add3A, %dma_start3A_109, %dma_start3A_123, %dma_start3A_124] : memref<32x10x8x128xi32, #tpu.memory_space<hbm>> -> memref<1x1x8x128xi32, #tpu.memory_space<hbm>>
    %dma_start3A_126 = tpu.memref_squeeze %dma_start3A_125 : memref<1x1x8x128xi32, #tpu.memory_space<hbm>> -> memref<8x128xi32, #tpu.memory_space<hbm>>
    tpu.enqueue_dma source(%dma_start3A_126 : memref<8x128xi32, #tpu.memory_space<hbm>>) target(%dma_start3A_122 : memref<8x128xi32, #tpu.memory_space<vmem>>) target_semaphore(%arg11 : memref<!tpu.dma_semaphore, #tpu.memory_space<semaphore_mem>>)
    %dma_start3A_127 = arith.constant 0 : i32
    %dma_start3A_128 = arith.constant 0 : i32
    %dma_start3A_129 = arith.constant 0 : i32
    %dma_start3A_130 = tpu.memref_slice %arg7[%dma_start3A_127, %dma_start3A_128, %dma_start3A_129] : memref<2x8x128xi32, #tpu.memory_space<vmem>> -> memref<1x1x128xi32, #tpu.memory_space<vmem>>
    %dma_start3A_131 = tpu.memref_squeeze %dma_start3A_130 : memref<1x1x128xi32, #tpu.memory_space<vmem>> -> memref<128xi32, #tpu.memory_space<vmem>>
    %dma_start3A_132 = arith.constant 0 : i32
    %dma_start3A_133 = arith.constant 0 : i32
    %dma_start3A_134 = tpu.memref_slice %arg2[%dma_start3A_132, %dma_start3A_133] : memref<10000x128xf32, #tpu.memory_space<hbm>> -> memref<10000x128xf32, #tpu.memory_space<hbm>>
    tpu.enqueue_indirect_dma source(%dma_start3A_134 : memref<10000x128xf32, #tpu.memory_space<hbm>>) target(%arg9 : memref<128x128xf32, #tpu.memory_space<vmem>>) offsets(%dma_start3A_131 : memref<128xi32, #tpu.memory_space<vmem>>) semaphore(%arg12 : memref<!tpu.dma_semaphore, #tpu.memory_space<semaphore_mem>>)
    %dma_start3A_135 = arith.constant 0 : i32
    %dma_start3A_136 = arith.constant 1 : i32
    %dma_start3A_137 = arith.constant 0 : i32
    %dma_start3A_138 = tpu.memref_slice %arg7[%dma_start3A_135, %dma_start3A_136, %dma_start3A_137] : memref<2x8x128xi32, #tpu.memory_space<vmem>> -> memref<1x1x128xi32, #tpu.memory_space<vmem>>
    %dma_start3A_139 = tpu.memref_squeeze %dma_start3A_138 : memref<1x1x128xi32, #tpu.memory_space<vmem>> -> memref<128xi32, #tpu.memory_space<vmem>>
    %dma_start3A_140 = arith.constant 0 : i32
    %dma_start3A_141 = arith.constant 0 : i32
    %dma_start3A_142 = tpu.memref_slice %arg2[%dma_start3A_140, %dma_start3A_141] : memref<10000x128xf32, #tpu.memory_space<hbm>> -> memref<10000x128xf32, #tpu.memory_space<hbm>>
    tpu.enqueue_indirect_dma source(%dma_start3A_142 : memref<10000x128xf32, #tpu.memory_space<hbm>>) target(%arg10 : memref<128x128xf32, #tpu.memory_space<vmem>>) offsets(%dma_start3A_139 : memref<128xi32, #tpu.memory_space<vmem>>) semaphore(%arg13 : memref<!tpu.dma_semaphore, #tpu.memory_space<semaphore_mem>>)
    %scan3A_143 = arith.constant 0 : i32
    %scan3A_144 = arith.constant 10 : i32
    %scan3A_145 = arith.addi %scan3A_143, %scan3A_144 : i32
    %scan3A_146 = arith.constant 1 : i32
    scf.for %scan3A_153 = %scan3A_143 to %scan3A_145 step %scan3A_146  : i32 {
      %mul3A_154 = arith.constant 1 : i32
      %mul3A_155 = arith.muli %scan3A_153, %mul3A_154 : i32
      %add3A_156 = arith.constant 0 : i32
      %add3A_157 = arith.addi %add3A_156, %mul3A_155 : i32
      %jit3A = arith.constant 2 : i32
      %eq3A = arith.constant 0 : i32
      %eq3A_158 = arith.cmpi eq, %jit3A, %eq3A : i32
      %jit3A_159 = arith.constant 1 : i32
      %select_n3A = arith.select %eq3A_158, %jit3A_159, %jit3A : i32
      %rem3A = arith.remsi %add3A_157, %select_n3A : i32
      %ne3A = arith.constant 0 : i32
      %ne3A_160 = arith.cmpi ne, %rem3A, %ne3A : i32
      %lt3A = arith.constant 0 : i32
      %lt3A_161 = arith.cmpi slt, %rem3A, %lt3A : i32
      %lt3A_162 = arith.constant 0 : i32
      %lt3A_163 = arith.cmpi slt, %select_n3A, %lt3A_162 : i32
      %ne3A_164 = arith.xori %lt3A_161, %lt3A_163 : i1
      %and3A = arith.andi %ne3A_164, %ne3A_160 : i1
      %add3A_165 = arith.addi %rem3A, %select_n3A : i32
      %select_n3A_166 = arith.select %and3A, %add3A_165, %rem3A : i32
      %sub3A = arith.constant 1 : i32
      %sub3A_167 = arith.subi %sub3A, %select_n3A_166 : i32
      %dma_wait3A_168 = arith.constant 0 : i32
      %dma_wait3A_169 = arith.constant 0 : i32
      %dma_wait3A_170 = tpu.memref_slice %arg7[%select_n3A_166, %dma_wait3A_168, %dma_wait3A_169] : memref<2x8x128xi32, #tpu.memory_space<vmem>> -> memref<1x1x128xi32, #tpu.memory_space<vmem>>
      %dma_wait3A_171 = tpu.memref_squeeze %dma_wait3A_170 : memref<1x1x128xi32, #tpu.memory_space<vmem>> -> memref<128xi32, #tpu.memory_space<vmem>>
      %dma_wait3A_172 = arith.constant 0 : i32
      %dma_wait3A_173 = arith.constant 0 : i32
      %dma_wait3A_174 = tpu.memref_slice %arg2[%dma_wait3A_172, %dma_wait3A_173] : memref<10000x128xf32, #tpu.memory_space<hbm>> -> memref<10000x128xf32, #tpu.memory_space<hbm>>
      tpu.wait_indirect_dma semaphore(%arg12 : memref<!tpu.dma_semaphore, #tpu.memory_space<semaphore_mem>>) src(%dma_wait3A_174 : memref<10000x128xf32, #tpu.memory_space<hbm>>) dst(%arg9 : memref<128x128xf32, #tpu.memory_space<vmem>>)
      %run_scoped3A = arith.constant 0 : i32
      "tpu.region"() ({
        %run_scoped3A_286 = tpu.sem_alloc : memref<!tpu.dma_semaphore, #tpu.memory_space<semaphore_mem>>
        %dma_start3A_287 = arith.constant 0 : i32
        %dma_start3A_288 = tpu.memref_slice %arg8[%select_n3A_166, %run_scoped3A, %dma_start3A_287] : memref<2x8x128xi32, #tpu.memory_space<vmem>> -> memref<1x1x128xi32, #tpu.memory_space<vmem>>
        %dma_start3A_289 = tpu.memref_squeeze %dma_start3A_288 : memref<1x1x128xi32, #tpu.memory_space<vmem>> -> memref<128xi32, #tpu.memory_space<vmem>>
        %dma_start3A_290 = arith.constant 0 : i32
        %dma_start3A_291 = arith.constant 0 : i32
        %dma_start3A_292 = tpu.memref_slice %arg6[%dma_start3A_290, %dma_start3A_291] : memref<11024x128xf32, #tpu.memory_space<vmem_shared>> -> memref<11024x128xf32, #tpu.memory_space<vmem_shared>>
        tpu.enqueue_indirect_dma source(%arg9 : memref<128x128xf32, #tpu.memory_space<vmem>>) target(%dma_start3A_292 : memref<11024x128xf32, #tpu.memory_space<vmem_shared>>) offsets(%dma_start3A_289 : memref<128xi32, #tpu.memory_space<vmem>>) semaphore(%run_scoped3A_286 : memref<!tpu.dma_semaphore, #tpu.memory_space<semaphore_mem>>) {add = true}
        %dma_wait3A_293 = arith.constant 0 : i32
        %dma_wait3A_294 = tpu.memref_slice %arg8[%select_n3A_166, %run_scoped3A, %dma_wait3A_293] : memref<2x8x128xi32, #tpu.memory_space<vmem>> -> memref<1x1x128xi32, #tpu.memory_space<vmem>>
        %dma_wait3A_295 = tpu.memref_squeeze %dma_wait3A_294 : memref<1x1x128xi32, #tpu.memory_space<vmem>> -> memref<128xi32, #tpu.memory_space<vmem>>
        %dma_wait3A_296 = arith.constant 0 : i32
        %dma_wait3A_297 = arith.constant 0 : i32
        %dma_wait3A_298 = tpu.memref_slice %arg6[%dma_wait3A_296, %dma_wait3A_297] : memref<11024x128xf32, #tpu.memory_space<vmem_shared>> -> memref<11024x128xf32, #tpu.memory_space<vmem_shared>>
        tpu.wait_indirect_dma semaphore(%run_scoped3A_286 : memref<!tpu.dma_semaphore, #tpu.memory_space<semaphore_mem>>) src(%arg9 : memref<128x128xf32, #tpu.memory_space<vmem>>) dst(%dma_wait3A_298 : memref<11024x128xf32, #tpu.memory_space<vmem_shared>>)
        tpu.yield
      }) : () -> ()
      %dma_start3A_175 = arith.constant 2 : i32
      %dma_start3A_176 = arith.constant 0 : i32
      %dma_start3A_177 = tpu.memref_slice %arg7[%select_n3A_166, %dma_start3A_175, %dma_start3A_176] : memref<2x8x128xi32, #tpu.memory_space<vmem>> -> memref<1x1x128xi32, #tpu.memory_space<vmem>>
      %dma_start3A_178 = tpu.memref_squeeze %dma_start3A_177 : memref<1x1x128xi32, #tpu.memory_space<vmem>> -> memref<128xi32, #tpu.memory_space<vmem>>
      %dma_start3A_179 = arith.constant 0 : i32
      %dma_start3A_180 = arith.constant 0 : i32
      %dma_start3A_181 = tpu.memref_slice %arg2[%dma_start3A_179, %dma_start3A_180] : memref<10000x128xf32, #tpu.memory_space<hbm>> -> memref<10000x128xf32, #tpu.memory_space<hbm>>
      tpu.enqueue_indirect_dma source(%dma_start3A_181 : memref<10000x128xf32, #tpu.memory_space<hbm>>) target(%arg9 : memref<128x128xf32, #tpu.memory_space<vmem>>) offsets(%dma_start3A_178 : memref<128xi32, #tpu.memory_space<vmem>>) semaphore(%arg12 : memref<!tpu.dma_semaphore, #tpu.memory_space<semaphore_mem>>)
      %dma_wait3A_182 = arith.constant 1 : i32
      %dma_wait3A_183 = arith.constant 0 : i32
      %dma_wait3A_184 = tpu.memref_slice %arg7[%select_n3A_166, %dma_wait3A_182, %dma_wait3A_183] : memref<2x8x128xi32, #tpu.memory_space<vmem>> -> memref<1x1x128xi32, #tpu.memory_space<vmem>>
      %dma_wait3A_185 = tpu.memref_squeeze %dma_wait3A_184 : memref<1x1x128xi32, #tpu.memory_space<vmem>> -> memref<128xi32, #tpu.memory_space<vmem>>
      %dma_wait3A_186 = arith.constant 0 : i32
      %dma_wait3A_187 = arith.constant 0 : i32
      %dma_wait3A_188 = tpu.memref_slice %arg2[%dma_wait3A_186, %dma_wait3A_187] : memref<10000x128xf32, #tpu.memory_space<hbm>> -> memref<10000x128xf32, #tpu.memory_space<hbm>>
      tpu.wait_indirect_dma semaphore(%arg13 : memref<!tpu.dma_semaphore, #tpu.memory_space<semaphore_mem>>) src(%dma_wait3A_188 : memref<10000x128xf32, #tpu.memory_space<hbm>>) dst(%arg10 : memref<128x128xf32, #tpu.memory_space<vmem>>)
      %run_scoped3A_189 = arith.constant 1 : i32
      "tpu.region"() ({
        %run_scoped3A_286 = tpu.sem_alloc : memref<!tpu.dma_semaphore, #tpu.memory_space<semaphore_mem>>
        %dma_start3A_287 = arith.constant 0 : i32
        %dma_start3A_288 = tpu.memref_slice %arg8[%select_n3A_166, %run_scoped3A_189, %dma_start3A_287] : memref<2x8x128xi32, #tpu.memory_space<vmem>> -> memref<1x1x128xi32, #tpu.memory_space<vmem>>
        %dma_start3A_289 = tpu.memref_squeeze %dma_start3A_288 : memref<1x1x128xi32, #tpu.memory_space<vmem>> -> memref<128xi32, #tpu.memory_space<vmem>>
        %dma_start3A_290 = arith.constant 0 : i32
        %dma_start3A_291 = arith.constant 0 : i32
        %dma_start3A_292 = tpu.memref_slice %arg6[%dma_start3A_290, %dma_start3A_291] : memref<11024x128xf32, #tpu.memory_space<vmem_shared>> -> memref<11024x128xf32, #tpu.memory_space<vmem_shared>>
        tpu.enqueue_indirect_dma source(%arg10 : memref<128x128xf32, #tpu.memory_space<vmem>>) target(%dma_start3A_292 : memref<11024x128xf32, #tpu.memory_space<vmem_shared>>) offsets(%dma_start3A_289 : memref<128xi32, #tpu.memory_space<vmem>>) semaphore(%run_scoped3A_286 : memref<!tpu.dma_semaphore, #tpu.memory_space<semaphore_mem>>) {add = true}
        %dma_wait3A_293 = arith.constant 0 : i32
        %dma_wait3A_294 = tpu.memref_slice %arg8[%select_n3A_166, %run_scoped3A_189, %dma_wait3A_293] : memref<2x8x128xi32, #tpu.memory_space<vmem>> -> memref<1x1x128xi32, #tpu.memory_space<vmem>>
        %dma_wait3A_295 = tpu.memref_squeeze %dma_wait3A_294 : memref<1x1x128xi32, #tpu.memory_space<vmem>> -> memref<128xi32, #tpu.memory_space<vmem>>
        %dma_wait3A_296 = arith.constant 0 : i32
        %dma_wait3A_297 = arith.constant 0 : i32
        %dma_wait3A_298 = tpu.memref_slice %arg6[%dma_wait3A_296, %dma_wait3A_297] : memref<11024x128xf32, #tpu.memory_space<vmem_shared>> -> memref<11024x128xf32, #tpu.memory_space<vmem_shared>>
        tpu.wait_indirect_dma semaphore(%run_scoped3A_286 : memref<!tpu.dma_semaphore, #tpu.memory_space<semaphore_mem>>) src(%arg10 : memref<128x128xf32, #tpu.memory_space<vmem>>) dst(%dma_wait3A_298 : memref<11024x128xf32, #tpu.memory_space<vmem_shared>>)
        tpu.yield
      }) : () -> ()
      %dma_start3A_190 = arith.constant 3 : i32
      %dma_start3A_191 = arith.constant 0 : i32
      %dma_start3A_192 = tpu.memref_slice %arg7[%select_n3A_166, %dma_start3A_190, %dma_start3A_191] : memref<2x8x128xi32, #tpu.memory_space<vmem>> -> memref<1x1x128xi32, #tpu.memory_space<vmem>>
      %dma_start3A_193 = tpu.memref_squeeze %dma_start3A_192 : memref<1x1x128xi32, #tpu.memory_space<vmem>> -> memref<128xi32, #tpu.memory_space<vmem>>
      %dma_start3A_194 = arith.constant 0 : i32
      %dma_start3A_195 = arith.constant 0 : i32
      %dma_start3A_196 = tpu.memref_slice %arg2[%dma_start3A_194, %dma_start3A_195] : memref<10000x128xf32, #tpu.memory_space<hbm>> -> memref<10000x128xf32, #tpu.memory_space<hbm>>
      tpu.enqueue_indirect_dma source(%dma_start3A_196 : memref<10000x128xf32, #tpu.memory_space<hbm>>) target(%arg10 : memref<128x128xf32, #tpu.memory_space<vmem>>) offsets(%dma_start3A_193 : memref<128xi32, #tpu.memory_space<vmem>>) semaphore(%arg13 : memref<!tpu.dma_semaphore, #tpu.memory_space<semaphore_mem>>)
      %dma_wait3A_197 = arith.constant 2 : i32
      %dma_wait3A_198 = arith.constant 0 : i32
      %dma_wait3A_199 = tpu.memref_slice %arg7[%select_n3A_166, %dma_wait3A_197, %dma_wait3A_198] : memref<2x8x128xi32, #tpu.memory_space<vmem>> -> memref<1x1x128xi32, #tpu.memory_space<vmem>>
      %dma_wait3A_200 = tpu.memref_squeeze %dma_wait3A_199 : memref<1x1x128xi32, #tpu.memory_space<vmem>> -> memref<128xi32, #tpu.memory_space<vmem>>
      %dma_wait3A_201 = arith.constant 0 : i32
      %dma_wait3A_202 = arith.constant 0 : i32
      %dma_wait3A_203 = tpu.memref_slice %arg2[%dma_wait3A_201, %dma_wait3A_202] : memref<10000x128xf32, #tpu.memory_space<hbm>> -> memref<10000x128xf32, #tpu.memory_space<hbm>>
      tpu.wait_indirect_dma semaphore(%arg12 : memref<!tpu.dma_semaphore, #tpu.memory_space<semaphore_mem>>) src(%dma_wait3A_203 : memref<10000x128xf32, #tpu.memory_space<hbm>>) dst(%arg9 : memref<128x128xf32, #tpu.memory_space<vmem>>)
      %run_scoped3A_204 = arith.constant 2 : i32
      "tpu.region"() ({
        %run_scoped3A_286 = tpu.sem_alloc : memref<!tpu.dma_semaphore, #tpu.memory_space<semaphore_mem>>
        %dma_start3A_287 = arith.constant 0 : i32
        %dma_start3A_288 = tpu.memref_slice %arg8[%select_n3A_166, %run_scoped3A_204, %dma_start3A_287] : memref<2x8x128xi32, #tpu.memory_space<vmem>> -> memref<1x1x128xi32, #tpu.memory_space<vmem>>
        %dma_start3A_289 = tpu.memref_squeeze %dma_start3A_288 : memref<1x1x128xi32, #tpu.memory_space<vmem>> -> memref<128xi32, #tpu.memory_space<vmem>>
        %dma_start3A_290 = arith.constant 0 : i32
        %dma_start3A_291 = arith.constant 0 : i32
        %dma_start3A_292 = tpu.memref_slice %arg6[%dma_start3A_290, %dma_start3A_291] : memref<11024x128xf32, #tpu.memory_space<vmem_shared>> -> memref<11024x128xf32, #tpu.memory_space<vmem_shared>>
        tpu.enqueue_indirect_dma source(%arg9 : memref<128x128xf32, #tpu.memory_space<vmem>>) target(%dma_start3A_292 : memref<11024x128xf32, #tpu.memory_space<vmem_shared>>) offsets(%dma_start3A_289 : memref<128xi32, #tpu.memory_space<vmem>>) semaphore(%run_scoped3A_286 : memref<!tpu.dma_semaphore, #tpu.memory_space<semaphore_mem>>) {add = true}
        %dma_wait3A_293 = arith.constant 0 : i32
        %dma_wait3A_294 = tpu.memref_slice %arg8[%select_n3A_166, %run_scoped3A_204, %dma_wait3A_293] : memref<2x8x128xi32, #tpu.memory_space<vmem>> -> memref<1x1x128xi32, #tpu.memory_space<vmem>>
        %dma_wait3A_295 = tpu.memref_squeeze %dma_wait3A_294 : memref<1x1x128xi32, #tpu.memory_space<vmem>> -> memref<128xi32, #tpu.memory_space<vmem>>
        %dma_wait3A_296 = arith.constant 0 : i32
        %dma_wait3A_297 = arith.constant 0 : i32
        %dma_wait3A_298 = tpu.memref_slice %arg6[%dma_wait3A_296, %dma_wait3A_297] : memref<11024x128xf32, #tpu.memory_space<vmem_shared>> -> memref<11024x128xf32, #tpu.memory_space<vmem_shared>>
        tpu.wait_indirect_dma semaphore(%run_scoped3A_286 : memref<!tpu.dma_semaphore, #tpu.memory_space<semaphore_mem>>) src(%arg9 : memref<128x128xf32, #tpu.memory_space<vmem>>) dst(%dma_wait3A_298 : memref<11024x128xf32, #tpu.memory_space<vmem_shared>>)
        tpu.yield
      }) : () -> ()
      %dma_start3A_205 = arith.constant 4 : i32
      %dma_start3A_206 = arith.constant 0 : i32
      %dma_start3A_207 = tpu.memref_slice %arg7[%select_n3A_166, %dma_start3A_205, %dma_start3A_206] : memref<2x8x128xi32, #tpu.memory_space<vmem>> -> memref<1x1x128xi32, #tpu.memory_space<vmem>>
      %dma_start3A_208 = tpu.memref_squeeze %dma_start3A_207 : memref<1x1x128xi32, #tpu.memory_space<vmem>> -> memref<128xi32, #tpu.memory_space<vmem>>
      %dma_start3A_209 = arith.constant 0 : i32
      %dma_start3A_210 = arith.constant 0 : i32
      %dma_start3A_211 = tpu.memref_slice %arg2[%dma_start3A_209, %dma_start3A_210] : memref<10000x128xf32, #tpu.memory_space<hbm>> -> memref<10000x128xf32, #tpu.memory_space<hbm>>
      tpu.enqueue_indirect_dma source(%dma_start3A_211 : memref<10000x128xf32, #tpu.memory_space<hbm>>) target(%arg9 : memref<128x128xf32, #tpu.memory_space<vmem>>) offsets(%dma_start3A_208 : memref<128xi32, #tpu.memory_space<vmem>>) semaphore(%arg12 : memref<!tpu.dma_semaphore, #tpu.memory_space<semaphore_mem>>)
      %dma_wait3A_212 = arith.constant 3 : i32
      %dma_wait3A_213 = arith.constant 0 : i32
      %dma_wait3A_214 = tpu.memref_slice %arg7[%select_n3A_166, %dma_wait3A_212, %dma_wait3A_213] : memref<2x8x128xi32, #tpu.memory_space<vmem>> -> memref<1x1x128xi32, #tpu.memory_space<vmem>>
      %dma_wait3A_215 = tpu.memref_squeeze %dma_wait3A_214 : memref<1x1x128xi32, #tpu.memory_space<vmem>> -> memref<128xi32, #tpu.memory_space<vmem>>
      %dma_wait3A_216 = arith.constant 0 : i32
      %dma_wait3A_217 = arith.constant 0 : i32
      %dma_wait3A_218 = tpu.memref_slice %arg2[%dma_wait3A_216, %dma_wait3A_217] : memref<10000x128xf32, #tpu.memory_space<hbm>> -> memref<10000x128xf32, #tpu.memory_space<hbm>>
      tpu.wait_indirect_dma semaphore(%arg13 : memref<!tpu.dma_semaphore, #tpu.memory_space<semaphore_mem>>) src(%dma_wait3A_218 : memref<10000x128xf32, #tpu.memory_space<hbm>>) dst(%arg10 : memref<128x128xf32, #tpu.memory_space<vmem>>)
      %run_scoped3A_219 = arith.constant 3 : i32
      "tpu.region"() ({
        %run_scoped3A_286 = tpu.sem_alloc : memref<!tpu.dma_semaphore, #tpu.memory_space<semaphore_mem>>
        %dma_start3A_287 = arith.constant 0 : i32
        %dma_start3A_288 = tpu.memref_slice %arg8[%select_n3A_166, %run_scoped3A_219, %dma_start3A_287] : memref<2x8x128xi32, #tpu.memory_space<vmem>> -> memref<1x1x128xi32, #tpu.memory_space<vmem>>
        %dma_start3A_289 = tpu.memref_squeeze %dma_start3A_288 : memref<1x1x128xi32, #tpu.memory_space<vmem>> -> memref<128xi32, #tpu.memory_space<vmem>>
        %dma_start3A_290 = arith.constant 0 : i32
        %dma_start3A_291 = arith.constant 0 : i32
        %dma_start3A_292 = tpu.memref_slice %arg6[%dma_start3A_290, %dma_start3A_291] : memref<11024x128xf32, #tpu.memory_space<vmem_shared>> -> memref<11024x128xf32, #tpu.memory_space<vmem_shared>>
        tpu.enqueue_indirect_dma source(%arg10 : memref<128x128xf32, #tpu.memory_space<vmem>>) target(%dma_start3A_292 : memref<11024x128xf32, #tpu.memory_space<vmem_shared>>) offsets(%dma_start3A_289 : memref<128xi32, #tpu.memory_space<vmem>>) semaphore(%run_scoped3A_286 : memref<!tpu.dma_semaphore, #tpu.memory_space<semaphore_mem>>) {add = true}
        %dma_wait3A_293 = arith.constant 0 : i32
        %dma_wait3A_294 = tpu.memref_slice %arg8[%select_n3A_166, %run_scoped3A_219, %dma_wait3A_293] : memref<2x8x128xi32, #tpu.memory_space<vmem>> -> memref<1x1x128xi32, #tpu.memory_space<vmem>>
        %dma_wait3A_295 = tpu.memref_squeeze %dma_wait3A_294 : memref<1x1x128xi32, #tpu.memory_space<vmem>> -> memref<128xi32, #tpu.memory_space<vmem>>
        %dma_wait3A_296 = arith.constant 0 : i32
        %dma_wait3A_297 = arith.constant 0 : i32
        %dma_wait3A_298 = tpu.memref_slice %arg6[%dma_wait3A_296, %dma_wait3A_297] : memref<11024x128xf32, #tpu.memory_space<vmem_shared>> -> memref<11024x128xf32, #tpu.memory_space<vmem_shared>>
        tpu.wait_indirect_dma semaphore(%run_scoped3A_286 : memref<!tpu.dma_semaphore, #tpu.memory_space<semaphore_mem>>) src(%arg10 : memref<128x128xf32, #tpu.memory_space<vmem>>) dst(%dma_wait3A_298 : memref<11024x128xf32, #tpu.memory_space<vmem_shared>>)
        tpu.yield
      }) : () -> ()
      %dma_start3A_220 = arith.constant 5 : i32
      %dma_start3A_221 = arith.constant 0 : i32
      %dma_start3A_222 = tpu.memref_slice %arg7[%select_n3A_166, %dma_start3A_220, %dma_start3A_221] : memref<2x8x128xi32, #tpu.memory_space<vmem>> -> memref<1x1x128xi32, #tpu.memory_space<vmem>>
      %dma_start3A_223 = tpu.memref_squeeze %dma_start3A_222 : memref<1x1x128xi32, #tpu.memory_space<vmem>> -> memref<128xi32, #tpu.memory_space<vmem>>
      %dma_start3A_224 = arith.constant 0 : i32
      %dma_start3A_225 = arith.constant 0 : i32
      %dma_start3A_226 = tpu.memref_slice %arg2[%dma_start3A_224, %dma_start3A_225] : memref<10000x128xf32, #tpu.memory_space<hbm>> -> memref<10000x128xf32, #tpu.memory_space<hbm>>
      tpu.enqueue_indirect_dma source(%dma_start3A_226 : memref<10000x128xf32, #tpu.memory_space<hbm>>) target(%arg10 : memref<128x128xf32, #tpu.memory_space<vmem>>) offsets(%dma_start3A_223 : memref<128xi32, #tpu.memory_space<vmem>>) semaphore(%arg13 : memref<!tpu.dma_semaphore, #tpu.memory_space<semaphore_mem>>)
      %dma_wait3A_227 = arith.constant 4 : i32
      %dma_wait3A_228 = arith.constant 0 : i32
      %dma_wait3A_229 = tpu.memref_slice %arg7[%select_n3A_166, %dma_wait3A_227, %dma_wait3A_228] : memref<2x8x128xi32, #tpu.memory_space<vmem>> -> memref<1x1x128xi32, #tpu.memory_space<vmem>>
      %dma_wait3A_230 = tpu.memref_squeeze %dma_wait3A_229 : memref<1x1x128xi32, #tpu.memory_space<vmem>> -> memref<128xi32, #tpu.memory_space<vmem>>
      %dma_wait3A_231 = arith.constant 0 : i32
      %dma_wait3A_232 = arith.constant 0 : i32
      %dma_wait3A_233 = tpu.memref_slice %arg2[%dma_wait3A_231, %dma_wait3A_232] : memref<10000x128xf32, #tpu.memory_space<hbm>> -> memref<10000x128xf32, #tpu.memory_space<hbm>>
      tpu.wait_indirect_dma semaphore(%arg12 : memref<!tpu.dma_semaphore, #tpu.memory_space<semaphore_mem>>) src(%dma_wait3A_233 : memref<10000x128xf32, #tpu.memory_space<hbm>>) dst(%arg9 : memref<128x128xf32, #tpu.memory_space<vmem>>)
      %run_scoped3A_234 = arith.constant 4 : i32
      "tpu.region"() ({
        %run_scoped3A_286 = tpu.sem_alloc : memref<!tpu.dma_semaphore, #tpu.memory_space<semaphore_mem>>
        %dma_start3A_287 = arith.constant 0 : i32
        %dma_start3A_288 = tpu.memref_slice %arg8[%select_n3A_166, %run_scoped3A_234, %dma_start3A_287] : memref<2x8x128xi32, #tpu.memory_space<vmem>> -> memref<1x1x128xi32, #tpu.memory_space<vmem>>
        %dma_start3A_289 = tpu.memref_squeeze %dma_start3A_288 : memref<1x1x128xi32, #tpu.memory_space<vmem>> -> memref<128xi32, #tpu.memory_space<vmem>>
        %dma_start3A_290 = arith.constant 0 : i32
        %dma_start3A_291 = arith.constant 0 : i32
        %dma_start3A_292 = tpu.memref_slice %arg6[%dma_start3A_290, %dma_start3A_291] : memref<11024x128xf32, #tpu.memory_space<vmem_shared>> -> memref<11024x128xf32, #tpu.memory_space<vmem_shared>>
        tpu.enqueue_indirect_dma source(%arg9 : memref<128x128xf32, #tpu.memory_space<vmem>>) target(%dma_start3A_292 : memref<11024x128xf32, #tpu.memory_space<vmem_shared>>) offsets(%dma_start3A_289 : memref<128xi32, #tpu.memory_space<vmem>>) semaphore(%run_scoped3A_286 : memref<!tpu.dma_semaphore, #tpu.memory_space<semaphore_mem>>) {add = true}
        %dma_wait3A_293 = arith.constant 0 : i32
        %dma_wait3A_294 = tpu.memref_slice %arg8[%select_n3A_166, %run_scoped3A_234, %dma_wait3A_293] : memref<2x8x128xi32, #tpu.memory_space<vmem>> -> memref<1x1x128xi32, #tpu.memory_space<vmem>>
        %dma_wait3A_295 = tpu.memref_squeeze %dma_wait3A_294 : memref<1x1x128xi32, #tpu.memory_space<vmem>> -> memref<128xi32, #tpu.memory_space<vmem>>
        %dma_wait3A_296 = arith.constant 0 : i32
        %dma_wait3A_297 = arith.constant 0 : i32
        %dma_wait3A_298 = tpu.memref_slice %arg6[%dma_wait3A_296, %dma_wait3A_297] : memref<11024x128xf32, #tpu.memory_space<vmem_shared>> -> memref<11024x128xf32, #tpu.memory_space<vmem_shared>>
        tpu.wait_indirect_dma semaphore(%run_scoped3A_286 : memref<!tpu.dma_semaphore, #tpu.memory_space<semaphore_mem>>) src(%arg9 : memref<128x128xf32, #tpu.memory_space<vmem>>) dst(%dma_wait3A_298 : memref<11024x128xf32, #tpu.memory_space<vmem_shared>>)
        tpu.yield
      }) : () -> ()
      %dma_start3A_235 = arith.constant 6 : i32
      %dma_start3A_236 = arith.constant 0 : i32
      %dma_start3A_237 = tpu.memref_slice %arg7[%select_n3A_166, %dma_start3A_235, %dma_start3A_236] : memref<2x8x128xi32, #tpu.memory_space<vmem>> -> memref<1x1x128xi32, #tpu.memory_space<vmem>>
      %dma_start3A_238 = tpu.memref_squeeze %dma_start3A_237 : memref<1x1x128xi32, #tpu.memory_space<vmem>> -> memref<128xi32, #tpu.memory_space<vmem>>
      %dma_start3A_239 = arith.constant 0 : i32
      %dma_start3A_240 = arith.constant 0 : i32
      %dma_start3A_241 = tpu.memref_slice %arg2[%dma_start3A_239, %dma_start3A_240] : memref<10000x128xf32, #tpu.memory_space<hbm>> -> memref<10000x128xf32, #tpu.memory_space<hbm>>
      tpu.enqueue_indirect_dma source(%dma_start3A_241 : memref<10000x128xf32, #tpu.memory_space<hbm>>) target(%arg9 : memref<128x128xf32, #tpu.memory_space<vmem>>) offsets(%dma_start3A_238 : memref<128xi32, #tpu.memory_space<vmem>>) semaphore(%arg12 : memref<!tpu.dma_semaphore, #tpu.memory_space<semaphore_mem>>)
      %dma_wait3A_242 = arith.constant 5 : i32
      %dma_wait3A_243 = arith.constant 0 : i32
      %dma_wait3A_244 = tpu.memref_slice %arg7[%select_n3A_166, %dma_wait3A_242, %dma_wait3A_243] : memref<2x8x128xi32, #tpu.memory_space<vmem>> -> memref<1x1x128xi32, #tpu.memory_space<vmem>>
      %dma_wait3A_245 = tpu.memref_squeeze %dma_wait3A_244 : memref<1x1x128xi32, #tpu.memory_space<vmem>> -> memref<128xi32, #tpu.memory_space<vmem>>
      %dma_wait3A_246 = arith.constant 0 : i32
      %dma_wait3A_247 = arith.constant 0 : i32
      %dma_wait3A_248 = tpu.memref_slice %arg2[%dma_wait3A_246, %dma_wait3A_247] : memref<10000x128xf32, #tpu.memory_space<hbm>> -> memref<10000x128xf32, #tpu.memory_space<hbm>>
      tpu.wait_indirect_dma semaphore(%arg13 : memref<!tpu.dma_semaphore, #tpu.memory_space<semaphore_mem>>) src(%dma_wait3A_248 : memref<10000x128xf32, #tpu.memory_space<hbm>>) dst(%arg10 : memref<128x128xf32, #tpu.memory_space<vmem>>)
      %run_scoped3A_249 = arith.constant 5 : i32
      "tpu.region"() ({
        %run_scoped3A_286 = tpu.sem_alloc : memref<!tpu.dma_semaphore, #tpu.memory_space<semaphore_mem>>
        %dma_start3A_287 = arith.constant 0 : i32
        %dma_start3A_288 = tpu.memref_slice %arg8[%select_n3A_166, %run_scoped3A_249, %dma_start3A_287] : memref<2x8x128xi32, #tpu.memory_space<vmem>> -> memref<1x1x128xi32, #tpu.memory_space<vmem>>
        %dma_start3A_289 = tpu.memref_squeeze %dma_start3A_288 : memref<1x1x128xi32, #tpu.memory_space<vmem>> -> memref<128xi32, #tpu.memory_space<vmem>>
        %dma_start3A_290 = arith.constant 0 : i32
        %dma_start3A_291 = arith.constant 0 : i32
        %dma_start3A_292 = tpu.memref_slice %arg6[%dma_start3A_290, %dma_start3A_291] : memref<11024x128xf32, #tpu.memory_space<vmem_shared>> -> memref<11024x128xf32, #tpu.memory_space<vmem_shared>>
        tpu.enqueue_indirect_dma source(%arg10 : memref<128x128xf32, #tpu.memory_space<vmem>>) target(%dma_start3A_292 : memref<11024x128xf32, #tpu.memory_space<vmem_shared>>) offsets(%dma_start3A_289 : memref<128xi32, #tpu.memory_space<vmem>>) semaphore(%run_scoped3A_286 : memref<!tpu.dma_semaphore, #tpu.memory_space<semaphore_mem>>) {add = true}
        %dma_wait3A_293 = arith.constant 0 : i32
        %dma_wait3A_294 = tpu.memref_slice %arg8[%select_n3A_166, %run_scoped3A_249, %dma_wait3A_293] : memref<2x8x128xi32, #tpu.memory_space<vmem>> -> memref<1x1x128xi32, #tpu.memory_space<vmem>>
        %dma_wait3A_295 = tpu.memref_squeeze %dma_wait3A_294 : memref<1x1x128xi32, #tpu.memory_space<vmem>> -> memref<128xi32, #tpu.memory_space<vmem>>
        %dma_wait3A_296 = arith.constant 0 : i32
        %dma_wait3A_297 = arith.constant 0 : i32
        %dma_wait3A_298 = tpu.memref_slice %arg6[%dma_wait3A_296, %dma_wait3A_297] : memref<11024x128xf32, #tpu.memory_space<vmem_shared>> -> memref<11024x128xf32, #tpu.memory_space<vmem_shared>>
        tpu.wait_indirect_dma semaphore(%run_scoped3A_286 : memref<!tpu.dma_semaphore, #tpu.memory_space<semaphore_mem>>) src(%arg10 : memref<128x128xf32, #tpu.memory_space<vmem>>) dst(%dma_wait3A_298 : memref<11024x128xf32, #tpu.memory_space<vmem_shared>>)
        tpu.yield
      }) : () -> ()
      %dma_start3A_250 = arith.constant 7 : i32
      %dma_start3A_251 = arith.constant 0 : i32
      %dma_start3A_252 = tpu.memref_slice %arg7[%select_n3A_166, %dma_start3A_250, %dma_start3A_251] : memref<2x8x128xi32, #tpu.memory_space<vmem>> -> memref<1x1x128xi32, #tpu.memory_space<vmem>>
      %dma_start3A_253 = tpu.memref_squeeze %dma_start3A_252 : memref<1x1x128xi32, #tpu.memory_space<vmem>> -> memref<128xi32, #tpu.memory_space<vmem>>
      %dma_start3A_254 = arith.constant 0 : i32
      %dma_start3A_255 = arith.constant 0 : i32
      %dma_start3A_256 = tpu.memref_slice %arg2[%dma_start3A_254, %dma_start3A_255] : memref<10000x128xf32, #tpu.memory_space<hbm>> -> memref<10000x128xf32, #tpu.memory_space<hbm>>
      tpu.enqueue_indirect_dma source(%dma_start3A_256 : memref<10000x128xf32, #tpu.memory_space<hbm>>) target(%arg10 : memref<128x128xf32, #tpu.memory_space<vmem>>) offsets(%dma_start3A_253 : memref<128xi32, #tpu.memory_space<vmem>>) semaphore(%arg13 : memref<!tpu.dma_semaphore, #tpu.memory_space<semaphore_mem>>)
      %dma_wait3A_257 = arith.constant 6 : i32
      %dma_wait3A_258 = arith.constant 0 : i32
      %dma_wait3A_259 = tpu.memref_slice %arg7[%select_n3A_166, %dma_wait3A_257, %dma_wait3A_258] : memref<2x8x128xi32, #tpu.memory_space<vmem>> -> memref<1x1x128xi32, #tpu.memory_space<vmem>>
      %dma_wait3A_260 = tpu.memref_squeeze %dma_wait3A_259 : memref<1x1x128xi32, #tpu.memory_space<vmem>> -> memref<128xi32, #tpu.memory_space<vmem>>
      %dma_wait3A_261 = arith.constant 0 : i32
      %dma_wait3A_262 = arith.constant 0 : i32
      %dma_wait3A_263 = tpu.memref_slice %arg2[%dma_wait3A_261, %dma_wait3A_262] : memref<10000x128xf32, #tpu.memory_space<hbm>> -> memref<10000x128xf32, #tpu.memory_space<hbm>>
      tpu.wait_indirect_dma semaphore(%arg12 : memref<!tpu.dma_semaphore, #tpu.memory_space<semaphore_mem>>) src(%dma_wait3A_263 : memref<10000x128xf32, #tpu.memory_space<hbm>>) dst(%arg9 : memref<128x128xf32, #tpu.memory_space<vmem>>)
      %run_scoped3A_264 = arith.constant 6 : i32
      "tpu.region"() ({
        %run_scoped3A_286 = tpu.sem_alloc : memref<!tpu.dma_semaphore, #tpu.memory_space<semaphore_mem>>
        %dma_start3A_287 = arith.constant 0 : i32
        %dma_start3A_288 = tpu.memref_slice %arg8[%select_n3A_166, %run_scoped3A_264, %dma_start3A_287] : memref<2x8x128xi32, #tpu.memory_space<vmem>> -> memref<1x1x128xi32, #tpu.memory_space<vmem>>
        %dma_start3A_289 = tpu.memref_squeeze %dma_start3A_288 : memref<1x1x128xi32, #tpu.memory_space<vmem>> -> memref<128xi32, #tpu.memory_space<vmem>>
        %dma_start3A_290 = arith.constant 0 : i32
        %dma_start3A_291 = arith.constant 0 : i32
        %dma_start3A_292 = tpu.memref_slice %arg6[%dma_start3A_290, %dma_start3A_291] : memref<11024x128xf32, #tpu.memory_space<vmem_shared>> -> memref<11024x128xf32, #tpu.memory_space<vmem_shared>>
        tpu.enqueue_indirect_dma source(%arg9 : memref<128x128xf32, #tpu.memory_space<vmem>>) target(%dma_start3A_292 : memref<11024x128xf32, #tpu.memory_space<vmem_shared>>) offsets(%dma_start3A_289 : memref<128xi32, #tpu.memory_space<vmem>>) semaphore(%run_scoped3A_286 : memref<!tpu.dma_semaphore, #tpu.memory_space<semaphore_mem>>) {add = true}
        %dma_wait3A_293 = arith.constant 0 : i32
        %dma_wait3A_294 = tpu.memref_slice %arg8[%select_n3A_166, %run_scoped3A_264, %dma_wait3A_293] : memref<2x8x128xi32, #tpu.memory_space<vmem>> -> memref<1x1x128xi32, #tpu.memory_space<vmem>>
        %dma_wait3A_295 = tpu.memref_squeeze %dma_wait3A_294 : memref<1x1x128xi32, #tpu.memory_space<vmem>> -> memref<128xi32, #tpu.memory_space<vmem>>
        %dma_wait3A_296 = arith.constant 0 : i32
        %dma_wait3A_297 = arith.constant 0 : i32
        %dma_wait3A_298 = tpu.memref_slice %arg6[%dma_wait3A_296, %dma_wait3A_297] : memref<11024x128xf32, #tpu.memory_space<vmem_shared>> -> memref<11024x128xf32, #tpu.memory_space<vmem_shared>>
        tpu.wait_indirect_dma semaphore(%run_scoped3A_286 : memref<!tpu.dma_semaphore, #tpu.memory_space<semaphore_mem>>) src(%arg9 : memref<128x128xf32, #tpu.memory_space<vmem>>) dst(%dma_wait3A_298 : memref<11024x128xf32, #tpu.memory_space<vmem_shared>>)
        tpu.yield
      }) : () -> ()
      %lt3A_265 = arith.constant 9 : i32
      %lt3A_266 = arith.cmpi slt, %add3A_157, %lt3A_265 : i32
      %convert_element_type3A = arith.extui %lt3A_266 : i1 to i32
      %cond3A = arith.constant 0 : i32
      %cond3A_267 = arith.cmpi ne, %convert_element_type3A, %cond3A : i32
      scf.if %cond3A_267 {
        %dma_wait3A_286 = arith.constant 0 : i32
        %dma_wait3A_287 = arith.constant 0 : i32
        %dma_wait3A_288 = arith.constant 0 : i32
        %dma_wait3A_289 = arith.constant 0 : i32
        %dma_wait3A_290 = tpu.memref_slice %arg7[%dma_wait3A_287, %dma_wait3A_288, %dma_wait3A_289] : memref<2x8x128xi32, #tpu.memory_space<vmem>> -> memref<1x8x128xi32, #tpu.memory_space<vmem>>
        %dma_wait3A_291 = tpu.memref_squeeze %dma_wait3A_290 : memref<1x8x128xi32, #tpu.memory_space<vmem>> -> memref<8x128xi32, #tpu.memory_space<vmem>>
        %dma_wait3A_292 = arith.constant 0 : i32
        %dma_wait3A_293 = arith.constant 0 : i32
        %dma_wait3A_294 = tpu.memref_slice %arg3[%add3A, %dma_wait3A_286, %dma_wait3A_292, %dma_wait3A_293] : memref<32x10x8x128xi32, #tpu.memory_space<hbm>> -> memref<1x1x8x128xi32, #tpu.memory_space<hbm>>
        %dma_wait3A_295 = tpu.memref_squeeze %dma_wait3A_294 : memref<1x1x8x128xi32, #tpu.memory_space<hbm>> -> memref<8x128xi32, #tpu.memory_space<hbm>>
        %dma_wait3A_296 = arith.constant 0 : i32
        %dma_wait3A_297 = arith.constant 0 : i32
        %dma_wait3A_298 = tpu.memref_slice %arg7[%dma_wait3A_287, %dma_wait3A_296, %dma_wait3A_297] : memref<2x8x128xi32, #tpu.memory_space<vmem>> -> memref<1x8x128xi32, #tpu.memory_space<vmem>>
        %dma_wait3A_299 = tpu.memref_squeeze %dma_wait3A_298 : memref<1x8x128xi32, #tpu.memory_space<vmem>> -> memref<8x128xi32, #tpu.memory_space<vmem>>
        %dma_wait3A_300 = arith.constant 0 : i32
        %dma_wait3A_301 = arith.constant 0 : i32
        %dma_wait3A_302 = tpu.memref_slice %arg3[%add3A, %dma_wait3A_286, %dma_wait3A_300, %dma_wait3A_301] : memref<32x10x8x128xi32, #tpu.memory_space<hbm>> -> memref<1x1x8x128xi32, #tpu.memory_space<hbm>>
        %dma_wait3A_303 = tpu.memref_squeeze %dma_wait3A_302 : memref<1x1x8x128xi32, #tpu.memory_space<hbm>> -> memref<8x128xi32, #tpu.memory_space<hbm>>
        tpu.wait_dma2 semaphore(%arg11 : memref<!tpu.dma_semaphore, #tpu.memory_space<semaphore_mem>>) src(%dma_wait3A_303 : memref<8x128xi32, #tpu.memory_space<hbm>>) dst(%dma_wait3A_299 : memref<8x128xi32, #tpu.memory_space<vmem>>)
        %dma_wait3A_304 = arith.constant 0 : i32
        %dma_wait3A_305 = arith.constant 0 : i32
        %dma_wait3A_306 = arith.constant 0 : i32
        %dma_wait3A_307 = arith.constant 0 : i32
        %dma_wait3A_308 = tpu.memref_slice %arg8[%dma_wait3A_305, %dma_wait3A_306, %dma_wait3A_307] : memref<2x8x128xi32, #tpu.memory_space<vmem>> -> memref<1x8x128xi32, #tpu.memory_space<vmem>>
        %dma_wait3A_309 = tpu.memref_squeeze %dma_wait3A_308 : memref<1x8x128xi32, #tpu.memory_space<vmem>> -> memref<8x128xi32, #tpu.memory_space<vmem>>
        %dma_wait3A_310 = arith.constant 0 : i32
        %dma_wait3A_311 = arith.constant 0 : i32
        %dma_wait3A_312 = tpu.memref_slice %arg4[%add3A, %dma_wait3A_304, %dma_wait3A_310, %dma_wait3A_311] : memref<32x10x8x128xi32, #tpu.memory_space<hbm>> -> memref<1x1x8x128xi32, #tpu.memory_space<hbm>>
        %dma_wait3A_313 = tpu.memref_squeeze %dma_wait3A_312 : memref<1x1x8x128xi32, #tpu.memory_space<hbm>> -> memref<8x128xi32, #tpu.memory_space<hbm>>
        %dma_wait3A_314 = arith.constant 0 : i32
        %dma_wait3A_315 = arith.constant 0 : i32
        %dma_wait3A_316 = tpu.memref_slice %arg8[%dma_wait3A_305, %dma_wait3A_314, %dma_wait3A_315] : memref<2x8x128xi32, #tpu.memory_space<vmem>> -> memref<1x8x128xi32, #tpu.memory_space<vmem>>
        %dma_wait3A_317 = tpu.memref_squeeze %dma_wait3A_316 : memref<1x8x128xi32, #tpu.memory_space<vmem>> -> memref<8x128xi32, #tpu.memory_space<vmem>>
        %dma_wait3A_318 = arith.constant 0 : i32
        %dma_wait3A_319 = arith.constant 0 : i32
        %dma_wait3A_320 = tpu.memref_slice %arg4[%add3A, %dma_wait3A_304, %dma_wait3A_318, %dma_wait3A_319] : memref<32x10x8x128xi32, #tpu.memory_space<hbm>> -> memref<1x1x8x128xi32, #tpu.memory_space<hbm>>
        %dma_wait3A_321 = tpu.memref_squeeze %dma_wait3A_320 : memref<1x1x8x128xi32, #tpu.memory_space<hbm>> -> memref<8x128xi32, #tpu.memory_space<hbm>>
        tpu.wait_dma2 semaphore(%arg11 : memref<!tpu.dma_semaphore, #tpu.memory_space<semaphore_mem>>) src(%dma_wait3A_321 : memref<8x128xi32, #tpu.memory_space<hbm>>) dst(%dma_wait3A_317 : memref<8x128xi32, #tpu.memory_space<vmem>>)
        %dma_start3A_322 = arith.constant 0 : i32
        %dma_start3A_323 = arith.constant 0 : i32
        %dma_start3A_324 = tpu.memref_slice %arg7[%sub3A_167, %dma_start3A_322, %dma_start3A_323] : memref<2x8x128xi32, #tpu.memory_space<vmem>> -> memref<1x1x128xi32, #tpu.memory_space<vmem>>
        %dma_start3A_325 = tpu.memref_squeeze %dma_start3A_324 : memref<1x1x128xi32, #tpu.memory_space<vmem>> -> memref<128xi32, #tpu.memory_space<vmem>>
        %dma_start3A_326 = arith.constant 0 : i32
        %dma_start3A_327 = arith.constant 0 : i32
        %dma_start3A_328 = tpu.memref_slice %arg2[%dma_start3A_326, %dma_start3A_327] : memref<10000x128xf32, #tpu.memory_space<hbm>> -> memref<10000x128xf32, #tpu.memory_space<hbm>>
        tpu.enqueue_indirect_dma source(%dma_start3A_328 : memref<10000x128xf32, #tpu.memory_space<hbm>>) target(%arg9 : memref<128x128xf32, #tpu.memory_space<vmem>>) offsets(%dma_start3A_325 : memref<128xi32, #tpu.memory_space<vmem>>) semaphore(%arg12 : memref<!tpu.dma_semaphore, #tpu.memory_space<semaphore_mem>>)
      } else {
      }
      %dma_wait3A_268 = arith.constant 7 : i32
      %dma_wait3A_269 = arith.constant 0 : i32
      %dma_wait3A_270 = tpu.memref_slice %arg7[%select_n3A_166, %dma_wait3A_268, %dma_wait3A_269] : memref<2x8x128xi32, #tpu.memory_space<vmem>> -> memref<1x1x128xi32, #tpu.memory_space<vmem>>
      %dma_wait3A_271 = tpu.memref_squeeze %dma_wait3A_270 : memref<1x1x128xi32, #tpu.memory_space<vmem>> -> memref<128xi32, #tpu.memory_space<vmem>>
      %dma_wait3A_272 = arith.constant 0 : i32
      %dma_wait3A_273 = arith.constant 0 : i32
      %dma_wait3A_274 = tpu.memref_slice %arg2[%dma_wait3A_272, %dma_wait3A_273] : memref<10000x128xf32, #tpu.memory_space<hbm>> -> memref<10000x128xf32, #tpu.memory_space<hbm>>
      tpu.wait_indirect_dma semaphore(%arg13 : memref<!tpu.dma_semaphore, #tpu.memory_space<semaphore_mem>>) src(%dma_wait3A_274 : memref<10000x128xf32, #tpu.memory_space<hbm>>) dst(%arg10 : memref<128x128xf32, #tpu.memory_space<vmem>>)
      %run_scoped3A_275 = arith.constant 7 : i32
      "tpu.region"() ({
        %run_scoped3A_286 = tpu.sem_alloc : memref<!tpu.dma_semaphore, #tpu.memory_space<semaphore_mem>>
        %dma_start3A_287 = arith.constant 0 : i32
        %dma_start3A_288 = tpu.memref_slice %arg8[%select_n3A_166, %run_scoped3A_275, %dma_start3A_287] : memref<2x8x128xi32, #tpu.memory_space<vmem>> -> memref<1x1x128xi32, #tpu.memory_space<vmem>>
        %dma_start3A_289 = tpu.memref_squeeze %dma_start3A_288 : memref<1x1x128xi32, #tpu.memory_space<vmem>> -> memref<128xi32, #tpu.memory_space<vmem>>
        %dma_start3A_290 = arith.constant 0 : i32
        %dma_start3A_291 = arith.constant 0 : i32
        %dma_start3A_292 = tpu.memref_slice %arg6[%dma_start3A_290, %dma_start3A_291] : memref<11024x128xf32, #tpu.memory_space<vmem_shared>> -> memref<11024x128xf32, #tpu.memory_space<vmem_shared>>
        tpu.enqueue_indirect_dma source(%arg10 : memref<128x128xf32, #tpu.memory_space<vmem>>) target(%dma_start3A_292 : memref<11024x128xf32, #tpu.memory_space<vmem_shared>>) offsets(%dma_start3A_289 : memref<128xi32, #tpu.memory_space<vmem>>) semaphore(%run_scoped3A_286 : memref<!tpu.dma_semaphore, #tpu.memory_space<semaphore_mem>>) {add = true}
        %dma_wait3A_293 = arith.constant 0 : i32
        %dma_wait3A_294 = tpu.memref_slice %arg8[%select_n3A_166, %run_scoped3A_275, %dma_wait3A_293] : memref<2x8x128xi32, #tpu.memory_space<vmem>> -> memref<1x1x128xi32, #tpu.memory_space<vmem>>
        %dma_wait3A_295 = tpu.memref_squeeze %dma_wait3A_294 : memref<1x1x128xi32, #tpu.memory_space<vmem>> -> memref<128xi32, #tpu.memory_space<vmem>>
        %dma_wait3A_296 = arith.constant 0 : i32
        %dma_wait3A_297 = arith.constant 0 : i32
        %dma_wait3A_298 = tpu.memref_slice %arg6[%dma_wait3A_296, %dma_wait3A_297] : memref<11024x128xf32, #tpu.memory_space<vmem_shared>> -> memref<11024x128xf32, #tpu.memory_space<vmem_shared>>
        tpu.wait_indirect_dma semaphore(%run_scoped3A_286 : memref<!tpu.dma_semaphore, #tpu.memory_space<semaphore_mem>>) src(%arg10 : memref<128x128xf32, #tpu.memory_space<vmem>>) dst(%dma_wait3A_298 : memref<11024x128xf32, #tpu.memory_space<vmem_shared>>)
        tpu.yield
      }) : () -> ()
      %lt3A_276 = arith.constant 9 : i32
      %lt3A_277 = arith.cmpi slt, %add3A_157, %lt3A_276 : i32
      %convert_element_type3A_278 = arith.extui %lt3A_277 : i1 to i32
      %cond3A_279 = arith.constant 0 : i32
      %cond3A_280 = arith.cmpi ne, %convert_element_type3A_278, %cond3A_279 : i32
      scf.if %cond3A_280 {
        %dma_start3A_286 = arith.constant 1 : i32
        %dma_start3A_287 = arith.constant 0 : i32
        %dma_start3A_288 = tpu.memref_slice %arg7[%sub3A_167, %dma_start3A_286, %dma_start3A_287] : memref<2x8x128xi32, #tpu.memory_space<vmem>> -> memref<1x1x128xi32, #tpu.memory_space<vmem>>
        %dma_start3A_289 = tpu.memref_squeeze %dma_start3A_288 : memref<1x1x128xi32, #tpu.memory_space<vmem>> -> memref<128xi32, #tpu.memory_space<vmem>>
        %dma_start3A_290 = arith.constant 0 : i32
        %dma_start3A_291 = arith.constant 0 : i32
        %dma_start3A_292 = tpu.memref_slice %arg2[%dma_start3A_290, %dma_start3A_291] : memref<10000x128xf32, #tpu.memory_space<hbm>> -> memref<10000x128xf32, #tpu.memory_space<hbm>>
        tpu.enqueue_indirect_dma source(%dma_start3A_292 : memref<10000x128xf32, #tpu.memory_space<hbm>>) target(%arg10 : memref<128x128xf32, #tpu.memory_space<vmem>>) offsets(%dma_start3A_289 : memref<128xi32, #tpu.memory_space<vmem>>) semaphore(%arg13 : memref<!tpu.dma_semaphore, #tpu.memory_space<semaphore_mem>>)
      } else {
      }
      %lt3A_281 = arith.constant 8 : i32
      %lt3A_282 = arith.cmpi slt, %add3A_157, %lt3A_281 : i32
      %convert_element_type3A_283 = arith.extui %lt3A_282 : i1 to i32
      %cond3A_284 = arith.constant 0 : i32
      %cond3A_285 = arith.cmpi ne, %convert_element_type3A_283, %cond3A_284 : i32
      scf.if %cond3A_285 {
        %add3A_286 = arith.constant 2 : i32
        %add3A_287 = arith.addi %add3A_157, %add3A_286 : i32
        %dma_start3A_288 = arith.constant 0 : i32
        %dma_start3A_289 = arith.constant 0 : i32
        %dma_start3A_290 = tpu.memref_slice %arg7[%select_n3A_166, %dma_start3A_288, %dma_start3A_289] : memref<2x8x128xi32, #tpu.memory_space<vmem>> -> memref<1x8x128xi32, #tpu.memory_space<vmem>>
        %dma_start3A_291 = tpu.memref_squeeze %dma_start3A_290 : memref<1x8x128xi32, #tpu.memory_space<vmem>> -> memref<8x128xi32, #tpu.memory_space<vmem>>
        %dma_start3A_292 = arith.constant 0 : i32
        %dma_start3A_293 = arith.constant 0 : i32
        %dma_start3A_294 = tpu.memref_slice %arg3[%add3A, %add3A_287, %dma_start3A_292, %dma_start3A_293] : memref<32x10x8x128xi32, #tpu.memory_space<hbm>> -> memref<1x1x8x128xi32, #tpu.memory_space<hbm>>
        %dma_start3A_295 = tpu.memref_squeeze %dma_start3A_294 : memref<1x1x8x128xi32, #tpu.memory_space<hbm>> -> memref<8x128xi32, #tpu.memory_space<hbm>>
        %dma_start3A_296 = arith.constant 0 : i32
        %dma_start3A_297 = arith.constant 0 : i32
        %dma_start3A_298 = tpu.memref_slice %arg7[%select_n3A_166, %dma_start3A_296, %dma_start3A_297] : memref<2x8x128xi32, #tpu.memory_space<vmem>> -> memref<1x8x128xi32, #tpu.memory_space<vmem>>
        %dma_start3A_299 = tpu.memref_squeeze %dma_start3A_298 : memref<1x8x128xi32, #tpu.memory_space<vmem>> -> memref<8x128xi32, #tpu.memory_space<vmem>>
        %dma_start3A_300 = arith.constant 0 : i32
        %dma_start3A_301 = arith.constant 0 : i32
        %dma_start3A_302 = tpu.memref_slice %arg3[%add3A, %add3A_287, %dma_start3A_300, %dma_start3A_301] : memref<32x10x8x128xi32, #tpu.memory_space<hbm>> -> memref<1x1x8x128xi32, #tpu.memory_space<hbm>>
        %dma_start3A_303 = tpu.memref_squeeze %dma_start3A_302 : memref<1x1x8x128xi32, #tpu.memory_space<hbm>> -> memref<8x128xi32, #tpu.memory_space<hbm>>
        tpu.enqueue_dma source(%dma_start3A_303 : memref<8x128xi32, #tpu.memory_space<hbm>>) target(%dma_start3A_299 : memref<8x128xi32, #tpu.memory_space<vmem>>) target_semaphore(%arg11 : memref<!tpu.dma_semaphore, #tpu.memory_space<semaphore_mem>>)
        %add3A_304 = arith.constant 2 : i32
        %add3A_305 = arith.addi %add3A_157, %add3A_304 : i32
        %dma_start3A_306 = arith.constant 0 : i32
        %dma_start3A_307 = arith.constant 0 : i32
        %dma_start3A_308 = tpu.memref_slice %arg8[%select_n3A_166, %dma_start3A_306, %dma_start3A_307] : memref<2x8x128xi32, #tpu.memory_space<vmem>> -> memref<1x8x128xi32, #tpu.memory_space<vmem>>
        %dma_start3A_309 = tpu.memref_squeeze %dma_start3A_308 : memref<1x8x128xi32, #tpu.memory_space<vmem>> -> memref<8x128xi32, #tpu.memory_space<vmem>>
        %dma_start3A_310 = arith.constant 0 : i32
        %dma_start3A_311 = arith.constant 0 : i32
        %dma_start3A_312 = tpu.memref_slice %arg4[%add3A, %add3A_305, %dma_start3A_310, %dma_start3A_311] : memref<32x10x8x128xi32, #tpu.memory_space<hbm>> -> memref<1x1x8x128xi32, #tpu.memory_space<hbm>>
        %dma_start3A_313 = tpu.memref_squeeze %dma_start3A_312 : memref<1x1x8x128xi32, #tpu.memory_space<hbm>> -> memref<8x128xi32, #tpu.memory_space<hbm>>
        %dma_start3A_314 = arith.constant 0 : i32
        %dma_start3A_315 = arith.constant 0 : i32
        %dma_start3A_316 = tpu.memref_slice %arg8[%select_n3A_166, %dma_start3A_314, %dma_start3A_315] : memref<2x8x128xi32, #tpu.memory_space<vmem>> -> memref<1x8x128xi32, #tpu.memory_space<vmem>>
        %dma_start3A_317 = tpu.memref_squeeze %dma_start3A_316 : memref<1x8x128xi32, #tpu.memory_space<vmem>> -> memref<8x128xi32, #tpu.memory_space<vmem>>
        %dma_start3A_318 = arith.constant 0 : i32
        %dma_start3A_319 = arith.constant 0 : i32
        %dma_start3A_320 = tpu.memref_slice %arg4[%add3A, %add3A_305, %dma_start3A_318, %dma_start3A_319] : memref<32x10x8x128xi32, #tpu.memory_space<hbm>> -> memref<1x1x8x128xi32, #tpu.memory_space<hbm>>
        %dma_start3A_321 = tpu.memref_squeeze %dma_start3A_320 : memref<1x1x8x128xi32, #tpu.memory_space<hbm>> -> memref<8x128xi32, #tpu.memory_space<hbm>>
        tpu.enqueue_dma source(%dma_start3A_321 : memref<8x128xi32, #tpu.memory_space<hbm>>) target(%dma_start3A_317 : memref<8x128xi32, #tpu.memory_space<vmem>>) target_semaphore(%arg11 : memref<!tpu.dma_semaphore, #tpu.memory_space<semaphore_mem>>)
      } else {
      }
    }
    %scan3A_147 = arith.constant 10 : i32
    %barrier3A_148 = arith.constant 0 : index
    tpu.barrier barrier_id(%barrier3A_148)
    %mul3A_149 = arith.constant 640 : i32
    %mul3A_150 = arith.muli %arg1, %mul3A_149 : i32
    %min3A_151 = arith.constant 9360 : i32
    %min3A_152 = arith.minsi %mul3A_150, %min3A_151 : i32
    "tpu.region"() ({
      %run_scoped3A = tpu.sem_alloc : memref<!tpu.dma_semaphore, #tpu.memory_space<semaphore_mem>>
      %dma_start3A_153 = arith.constant 0 : i32
      %dma_start3A_154 = tpu.memref_slice %arg5[%arg0, %min3A_152, %dma_start3A_153] : memref<2x10000x128xf32, #tpu.memory_space<hbm>> -> memref<1x640x128xf32, #tpu.memory_space<hbm>>
      %dma_start3A_155 = tpu.memref_squeeze %dma_start3A_154 : memref<1x640x128xf32, #tpu.memory_space<hbm>> -> memref<640x128xf32, #tpu.memory_space<hbm>>
      %dma_start3A_156 = arith.constant 0 : i32
      %dma_start3A_157 = tpu.memref_slice %arg6[%min3A_152, %dma_start3A_156] : memref<11024x128xf32, #tpu.memory_space<vmem_shared>> -> memref<640x128xf32, #tpu.memory_space<vmem_shared>>
      tpu.enqueue_dma source(%dma_start3A_157 : memref<640x128xf32, #tpu.memory_space<vmem_shared>>) target(%dma_start3A_155 : memref<640x128xf32, #tpu.memory_space<hbm>>) target_semaphore(%run_scoped3A : memref<!tpu.dma_semaphore, #tpu.memory_space<semaphore_mem>>)
      %dma_wait3A_158 = arith.constant 0 : i32
      %dma_wait3A_159 = tpu.memref_slice %arg5[%arg0, %min3A_152, %dma_wait3A_158] : memref<2x10000x128xf32, #tpu.memory_space<hbm>> -> memref<1x640x128xf32, #tpu.memory_space<hbm>>
      %dma_wait3A_160 = tpu.memref_squeeze %dma_wait3A_159 : memref<1x640x128xf32, #tpu.memory_space<hbm>> -> memref<640x128xf32, #tpu.memory_space<hbm>>
      %dma_wait3A_161 = arith.constant 0 : i32
      %dma_wait3A_162 = tpu.memref_slice %arg6[%min3A_152, %dma_wait3A_161] : memref<11024x128xf32, #tpu.memory_space<vmem_shared>> -> memref<640x128xf32, #tpu.memory_space<vmem_shared>>
      tpu.wait_dma2 semaphore(%run_scoped3A : memref<!tpu.dma_semaphore, #tpu.memory_space<semaphore_mem>>) src(%dma_wait3A_162 : memref<640x128xf32, #tpu.memory_space<vmem_shared>>) dst(%dma_wait3A_160 : memref<640x128xf32, #tpu.memory_space<hbm>>)
      tpu.yield
    }) : () -> ()
    return
  }
}

module attributes {stable_mosaic.version = 14 : i64} {
  func.func @body(%arg0: i32, %arg1: memref<2000x128xf32, #tpu.memory_space<vmem>>, %arg2: memref<2000x1xf32, #tpu.memory_space<vmem>>, %arg3: memref<2000x128xf32, #tpu.memory_space<vmem>>) attributes {dimension_semantics = [#tpu.dimension_semantics<arbitrary>], iteration_bounds = array<i64: 5>, scalar_prefetch = 0 : i64, scratch_operands = 0 : i64, tpu.core_type = #tpu.core_type<tc>, window_params = [{transform_indices = @transform_0, window_bounds = array<i64: 2000, 128>}, {transform_indices = @transform_1, window_bounds = array<i64: 2000, 1>}, {transform_indices = @transform_2, window_bounds = array<i64: 2000, 128>}]} {
    %get3A = arith.constant 0 : index
    %get3A_0 = arith.constant 0 : index
    %get3A_1 = vector.load %arg1[%get3A, %get3A_0] : memref<2000x128xf32, #tpu.memory_space<vmem>>, vector<2000x128xf32>
    %get3A_2 = arith.constant 0 : index
    %get3A_3 = arith.constant 0 : index
    %get3A_4 = vector.load %arg2[%get3A_2, %get3A_3] : memref<2000x1xf32, #tpu.memory_space<vmem>>, vector<2000x1xf32>
    %mul3A = vector.broadcast %get3A_4 : vector<2000x1xf32> to vector<2000x128xf32>
    %mul3A_5 = arith.mulf %get3A_1, %mul3A : vector<2000x128xf32>
    %swap3A = arith.constant 0 : index
    %swap3A_6 = arith.constant 0 : index
    %swap3A_7 = vector.load %arg3[%swap3A, %swap3A_6] : memref<2000x128xf32, #tpu.memory_space<vmem>>, vector<2000x128xf32>
    tpu.vector_store %arg3[%swap3A, %swap3A_6], %mul3A_5 {strides = array<i32>} : memref<2000x128xf32, #tpu.memory_space<vmem>>, vector<2000x128xf32>,
    return
  }
  func.func @transform_0(%arg0: i32) -> (i32, i32) {
    %c0_i32 = arith.constant 0 : i32
    %c0_i32_0 = arith.constant 0 : i32
    return %arg0, %c0_i32 : i32, i32
  }
  func.func @transform_1(%arg0: i32) -> (i32, i32) {
    %c0_i32 = arith.constant 0 : i32
    %c0_i32_0 = arith.constant 0 : i32
    return %arg0, %c0_i32 : i32, i32
  }
  func.func @transform_2(%arg0: i32) -> (i32, i32) {
    %c0_i32 = arith.constant 0 : i32
    %c0_i32_0 = arith.constant 0 : i32
    return %arg0, %c0_i32 : i32, i32
  }
}

module attributes {stable_mosaic.version = 14 : i64} {
  func.func @body(%arg0: i32, %arg1: memref<2x2000x128xf32, #tpu.memory_space<vmem>>, %arg2: memref<2000x1xf32, #tpu.memory_space<vmem>>, %arg3: memref<128x128xf32, #tpu.memory_space<vmem>>, %arg4: memref<1x128xf32, #tpu.memory_space<vmem>>, %arg5: memref<2000x1xf32, #tpu.memory_space<vmem>>, %arg6: memref<2000x128xf32, #tpu.memory_space<vmem>>) attributes {dimension_semantics = [#tpu.dimension_semantics<arbitrary>], iteration_bounds = array<i64: 5>, scalar_prefetch = 0 : i64, scratch_operands = 0 : i64, tpu.core_type = #tpu.core_type<tc>, window_params = [{transform_indices = @transform_0, window_bounds = array<i64: 2, 2000, 128>}, {transform_indices = @transform_1, window_bounds = array<i64: 2000, 1>}, {pipeline_mode = #tpu.pipeline_mode<synchronous>, transform_indices = @transform_2, window_bounds = array<i64: 128, 128>}, {pipeline_mode = #tpu.pipeline_mode<synchronous>, transform_indices = @transform_3, window_bounds = array<i64: 1, 128>}, {transform_indices = @transform_4, window_bounds = array<i64: 2000, 1>}, {transform_indices = @transform_5, window_bounds = array<i64: 2000, 128>}]} {
    %get3A = arith.constant 0 : index
    %get3A_0 = arith.constant 0 : index
    %get3A_1 = arith.constant 0 : index
    %get3A_2 = vector.load %arg1[%get3A, %get3A_0, %get3A_1] : memref<2x2000x128xf32, #tpu.memory_space<vmem>>, vector<1x2000x128xf32>
    %get3A_3 = vector.shape_cast %get3A_2 : vector<1x2000x128xf32> to vector<2000x128xf32>
    %get3A_4 = arith.constant 1 : index
    %get3A_5 = arith.constant 0 : index
    %get3A_6 = arith.constant 0 : index
    %get3A_7 = vector.load %arg1[%get3A_4, %get3A_5, %get3A_6] : memref<2x2000x128xf32, #tpu.memory_space<vmem>>, vector<1x2000x128xf32>
    %get3A_8 = vector.shape_cast %get3A_7 : vector<1x2000x128xf32> to vector<2000x128xf32>
    %add3A = arith.addf %get3A_3, %get3A_8 : vector<2000x128xf32>
    %get3A_9 = arith.constant 0 : index
    %get3A_10 = arith.constant 0 : index
    %get3A_11 = vector.load %arg2[%get3A_9, %get3A_10] : memref<2000x1xf32, #tpu.memory_space<vmem>>, vector<2000x1xf32>
    %mul3A = vector.broadcast %get3A_11 : vector<2000x1xf32> to vector<2000x128xf32>
    %mul3A_12 = arith.mulf %add3A, %mul3A : vector<2000x128xf32>
    %get3A_13 = arith.constant 0 : index
    %get3A_14 = arith.constant 0 : index
    %get3A_15 = vector.load %arg3[%get3A_13, %get3A_14] : memref<128x128xf32, #tpu.memory_space<vmem>>, vector<128x128xf32>
    %dot_general3A = arith.constant dense<0.000000e+00> : vector<2000x128xf32>
    %dot_general3A_16 = tpu.matmul %mul3A_12, %get3A_15, %dot_general3A {dimension_numbers = #tpu.dot_dimension_numbers<[1], [0], [0], [1], [0, 0, 1, 1], [], []>, transpose_lhs_hint = false} : vector<2000x128xf32>, vector<128x128xf32>, vector<2000x128xf32> -> vector<2000x128xf32>
    %get3A_17 = arith.constant 0 : index
    %get3A_18 = arith.constant 0 : index
    %get3A_19 = vector.load %arg4[%get3A_17, %get3A_18] : memref<1x128xf32, #tpu.memory_space<vmem>>, vector<1x128xf32>
    %add3A_20 = vector.broadcast %get3A_19 : vector<1x128xf32> to vector<2000x128xf32>
    %add3A_21 = arith.addf %dot_general3A_16, %add3A_20 : vector<2000x128xf32>
    %max3A = arith.constant 0.000000e+00 : f32
    %max3A_22 = vector.broadcast %max3A : f32 to vector<2000x128xf32>
    %max3A_23 = arith.maximumf %add3A_21, %max3A_22 : vector<2000x128xf32>
    %get3A_24 = arith.constant 0 : index
    %get3A_25 = arith.constant 0 : index
    %get3A_26 = vector.load %arg5[%get3A_24, %get3A_25] : memref<2000x1xf32, #tpu.memory_space<vmem>>, vector<2000x1xf32>
    %mul3A_27 = vector.broadcast %get3A_26 : vector<2000x1xf32> to vector<2000x128xf32>
    %mul3A_28 = arith.mulf %max3A_23, %mul3A_27 : vector<2000x128xf32>
    %swap3A = arith.constant 0 : index
    %swap3A_29 = arith.constant 0 : index
    %swap3A_30 = vector.load %arg6[%swap3A, %swap3A_29] : memref<2000x128xf32, #tpu.memory_space<vmem>>, vector<2000x128xf32>
    tpu.vector_store %arg6[%swap3A, %swap3A_29], %mul3A_28 {strides = array<i32>} : memref<2000x128xf32, #tpu.memory_space<vmem>>, vector<2000x128xf32>,
    return
  }
  func.func @transform_0(%arg0: i32) -> (i32, i32, i32) {
    %c0_i32 = arith.constant 0 : i32
    %c0_i32_0 = arith.constant 0 : i32
    %c0_i32_1 = arith.constant 0 : i32
    return %c0_i32, %arg0, %c0_i32_0 : i32, i32, i32
  }
  func.func @transform_1(%arg0: i32) -> (i32, i32) {
    %c0_i32 = arith.constant 0 : i32
    %c0_i32_0 = arith.constant 0 : i32
    return %arg0, %c0_i32 : i32, i32
  }
  func.func @transform_2(%arg0: i32) -> (i32, i32) {
    %c0_i32 = arith.constant 0 : i32
    %c0_i32_0 = arith.constant 0 : i32
    %c0_i32_1 = arith.constant 0 : i32
    return %c0_i32, %c0_i32_0 : i32, i32
  }
  func.func @transform_3(%arg0: i32) -> (i32, i32) {
    %c0_i32 = arith.constant 0 : i32
    %c0_i32_0 = arith.constant 0 : i32
    %c0_i32_1 = arith.constant 0 : i32
    return %c0_i32, %c0_i32_0 : i32, i32
  }
  func.func @transform_4(%arg0: i32) -> (i32, i32) {
    %c0_i32 = arith.constant 0 : i32
    %c0_i32_0 = arith.constant 0 : i32
    return %arg0, %c0_i32 : i32, i32
  }
  func.func @transform_5(%arg0: i32) -> (i32, i32) {
    %c0_i32 = arith.constant 0 : i32
    %c0_i32_0 = arith.constant 0 : i32
    return %arg0, %c0_i32 : i32, i32
  }
}

module attributes {stable_mosaic.version = 14 : i64} {
  func.func @body(%arg0: i32, %arg1: memref<2x2000x128xf32, #tpu.memory_space<vmem>>, %arg2: memref<2000x1xf32, #tpu.memory_space<vmem>>, %arg3: memref<128x128xf32, #tpu.memory_space<vmem>>, %arg4: memref<1x128xf32, #tpu.memory_space<vmem>>, %arg5: memref<2000x128xf32, #tpu.memory_space<vmem>>) attributes {dimension_semantics = [#tpu.dimension_semantics<arbitrary>], iteration_bounds = array<i64: 5>, scalar_prefetch = 0 : i64, scratch_operands = 0 : i64, tpu.core_type = #tpu.core_type<tc>, window_params = [{transform_indices = @transform_0, window_bounds = array<i64: 2, 2000, 128>}, {transform_indices = @transform_1, window_bounds = array<i64: 2000, 1>}, {pipeline_mode = #tpu.pipeline_mode<synchronous>, transform_indices = @transform_2, window_bounds = array<i64: 128, 128>}, {pipeline_mode = #tpu.pipeline_mode<synchronous>, transform_indices = @transform_3, window_bounds = array<i64: 1, 128>}, {transform_indices = @transform_4, window_bounds = array<i64: 2000, 128>}]} {
    %get3A = arith.constant 0 : index
    %get3A_0 = arith.constant 0 : index
    %get3A_1 = arith.constant 0 : index
    %get3A_2 = vector.load %arg1[%get3A, %get3A_0, %get3A_1] : memref<2x2000x128xf32, #tpu.memory_space<vmem>>, vector<1x2000x128xf32>
    %get3A_3 = vector.shape_cast %get3A_2 : vector<1x2000x128xf32> to vector<2000x128xf32>
    %get3A_4 = arith.constant 1 : index
    %get3A_5 = arith.constant 0 : index
    %get3A_6 = arith.constant 0 : index
    %get3A_7 = vector.load %arg1[%get3A_4, %get3A_5, %get3A_6] : memref<2x2000x128xf32, #tpu.memory_space<vmem>>, vector<1x2000x128xf32>
    %get3A_8 = vector.shape_cast %get3A_7 : vector<1x2000x128xf32> to vector<2000x128xf32>
    %add3A = arith.addf %get3A_3, %get3A_8 : vector<2000x128xf32>
    %get3A_9 = arith.constant 0 : index
    %get3A_10 = arith.constant 0 : index
    %get3A_11 = vector.load %arg2[%get3A_9, %get3A_10] : memref<2000x1xf32, #tpu.memory_space<vmem>>, vector<2000x1xf32>
    %mul3A = vector.broadcast %get3A_11 : vector<2000x1xf32> to vector<2000x128xf32>
    %mul3A_12 = arith.mulf %add3A, %mul3A : vector<2000x128xf32>
    %get3A_13 = arith.constant 0 : index
    %get3A_14 = arith.constant 0 : index
    %get3A_15 = vector.load %arg3[%get3A_13, %get3A_14] : memref<128x128xf32, #tpu.memory_space<vmem>>, vector<128x128xf32>
    %dot_general3A = arith.constant dense<0.000000e+00> : vector<2000x128xf32>
    %dot_general3A_16 = tpu.matmul %mul3A_12, %get3A_15, %dot_general3A {dimension_numbers = #tpu.dot_dimension_numbers<[1], [0], [0], [1], [0, 0, 1, 1], [], []>, transpose_lhs_hint = false} : vector<2000x128xf32>, vector<128x128xf32>, vector<2000x128xf32> -> vector<2000x128xf32>
    %get3A_17 = arith.constant 0 : index
    %get3A_18 = arith.constant 0 : index
    %get3A_19 = vector.load %arg4[%get3A_17, %get3A_18] : memref<1x128xf32, #tpu.memory_space<vmem>>, vector<1x128xf32>
    %add3A_20 = vector.broadcast %get3A_19 : vector<1x128xf32> to vector<2000x128xf32>
    %add3A_21 = arith.addf %dot_general3A_16, %add3A_20 : vector<2000x128xf32>
    %swap3A = arith.constant 0 : index
    %swap3A_22 = arith.constant 0 : index
    %swap3A_23 = vector.load %arg5[%swap3A, %swap3A_22] : memref<2000x128xf32, #tpu.memory_space<vmem>>, vector<2000x128xf32>
    tpu.vector_store %arg5[%swap3A, %swap3A_22], %add3A_21 {strides = array<i32>} : memref<2000x128xf32, #tpu.memory_space<vmem>>, vector<2000x128xf32>,
    return
  }
  func.func @transform_0(%arg0: i32) -> (i32, i32, i32) {
    %c0_i32 = arith.constant 0 : i32
    %c0_i32_0 = arith.constant 0 : i32
    %c0_i32_1 = arith.constant 0 : i32
    return %c0_i32, %arg0, %c0_i32_0 : i32, i32, i32
  }
  func.func @transform_1(%arg0: i32) -> (i32, i32) {
    %c0_i32 = arith.constant 0 : i32
    %c0_i32_0 = arith.constant 0 : i32
    return %arg0, %c0_i32 : i32, i32
  }
  func.func @transform_2(%arg0: i32) -> (i32, i32) {
    %c0_i32 = arith.constant 0 : i32
    %c0_i32_0 = arith.constant 0 : i32
    %c0_i32_1 = arith.constant 0 : i32
    return %c0_i32, %c0_i32_0 : i32, i32
  }
  func.func @transform_3(%arg0: i32) -> (i32, i32) {
    %c0_i32 = arith.constant 0 : i32
    %c0_i32_0 = arith.constant 0 : i32
    %c0_i32_1 = arith.constant 0 : i32
    return %c0_i32, %c0_i32_0 : i32, i32
  }
  func.func @transform_4(%arg0: i32) -> (i32, i32) {
    %c0_i32 = arith.constant 0 : i32
    %c0_i32_0 = arith.constant 0 : i32
    return %arg0, %c0_i32 : i32, i32
  }
}

</mosaic_0001>

<sc_bundles>
// kernel: kernel.11.cloned.1.call-start
scs
__scs_entry_jumppad:
0x0: {  	(pc) =	sbr.rel $0x88, $3  }
0x1: {  	(tag) =	ssettag $0x0;
	lr =	simm.s32 $0x1  }
0x2: {  	[smem:$0x3F9B] =	sst lr;
	_ =	strace $0xD0000000  }
0x3: {  	_ = 	snop  }
0x4: {  	_ = 	snop  }
0x5: {  	_ = 	snop  }
0x6: {  	_ = 	snop  }
0x7: {  	_ = 	snop  }
__scs_overlays_trampoline_lowered:
0x8: {  	[smem:$0x3FAA] =	sst s0  }
0x9: {  	[smem:$0x3FAB] =	sst s1  }
0xa: {  	[smem:$0x3FAC] =	sst s2  }
0xb: {  	[smem:$0x3FAD] =	sst s3  }
0xc: {  	[smem:$0x3FAE] =	sst s4  }
0xd: {  	[smem:$0x3FAF] =	sst s5  }
0xe: {  	[smem:$0x3FB0] =	sst s6  }
0xf: {  	[smem:$0x3FB1] =	sst s7  }
0x10: {  	[smem:$0x3FB2] =	sst s8  }
0x11: {  	[smem:$0x3FB3] =	sst s9;
	s0 =	simm.s32 @!p0 $0x0  }
0x12: {  	s1 =	sld [smem:$0x3F99];
	s0 =	simm.s32 @p0 $0x1  }
0x13: {  	[smem:$0x3FB4] =	sst s0;
	s0 =	simm.s32 @!p1 $0x0  }
0x14: {  	s2 =	sld [smem:$0x3F98];
	s0 =	simm.s32 @p1 $0x1  }
0x15: {  	[smem:$0x3FB5] =	sst s0;
	s0 =	simm.s32 @!p2 $0x0  }
0x16: {  	s3 =	sld [smem:$0x3FDB];
	s0 =	simm.s32 @p2 $0x1  }
0x17: {  	s4 =	simm.s32 $0x1BF5;
	[smem:$0x3FB7] =	sst s0  }
0x18: {  	s0 =	sld [smem:$0x3F9A];
	_ =	swait.ge [sflag:s4], $0x0  }
0x19: {  	s7 =	sld [smem:$0x3F9B]  }
0x1a: {  	s8 =	sadd.s32 $0xFFFFE003, lr  }
0x1b: {  	s9 =	sadd.s32 $0xFFFFFEF7, lr;
	s5 =	simm.s32 $0xFFFFFFFF;
	p2 =	slt.u32 s8, $0xFFFFF086  }
0x1c: {  	p1 =	slt.u32 s9, $0xF7A;
	s5 =	simm.s32 @!p2 $0x0  }
0x1d: {  	s5 =	simm.s32 @p1 $0x1;
	p0 =	seq.s32 s7, s2  }
0x1e: {  	s7 =	smul.u32 @!p0 $0xF7A, s2;
	p2 =	seq.s32 @!p0 s5, $0x0  }
0x1f: {  	s9 =	smul.u32 $0xF7A, s1;
	s8 =	simm.s32 @!p0 $0x1BF5;
	p2 =	por !p2, p0  }
0x20: {  	[sflag:s8] =	ssyncset.s32 @!p0 $0xFFFFF086;
	s6 =	sadd.s32 @!p0 s3, s7;
	s7 =	simm.s32 @!p0 $0x108  }
0x21: {  	s3 =	sadd.s32 s3, s9;
	s6 =	sadd.s32 @!p0 $0x88, s6;
	s7 =	simm.s32 @p2 $0x1082  }
0x22: {  	[simem:s7], [sflag:s8] =	dma.local @!p0 [hbm:s6], $0xF7A  }
0x23: {  	s9 =	sor.u32 $0xD0000000, s2;
	s6 =	simm.s32 $0x108;
	_ =	swait.ge @!p0 [sflag:s8], $0x0  }
0x24: {  	s3 =	sadd.s32 $0x88, s3;
	s6 =	simm.s32 @!p1 $0x1082;
	[sflag:s4] =	ssyncset.s32 $0xFFFFF086  }
0x25: {  	[simem:s6], [sflag:s4] =	dma.local [hbm:s3], $0xF7A  }
0x26: {  	[smem:$0x3F9B] =	sst s1;
	(tag) =	ssettag s2;
	_ =	strace s9  }
0x27: {  	s1 =	sld [smem:$0x3FAB]  }
0x28: {  	s2 =	sld [smem:$0x3FAC]  }
0x29: {  	s4 =	sld [smem:$0x3FAE]  }
0x2a: {  	p0 =	seq.s32 s5, $0x0;
	s5 =	sld [smem:$0x3FAF]  }
0x2b: {  	s6 =	sld [smem:$0x3FB0]  }
0x2c: {  	s7 =	sld [smem:$0x3FB1]  }
0x2d: {  	s3 =	simm.s32 $0x108;
	s8 =	sld [smem:$0x3FB2]  }
0x2e: {  	s3 =	simm.s32 @!p0 $0x1082;
	s9 =	sld [smem:$0x3FB3]  }
0x2f: {  	lr =	sadd.s32 s0, s3;
	s0 =	sld [smem:$0x3FAA]  }
0x30: {  	s3 =	sld [smem:$0x3FAD]  }
0x31: {  	[smem:$0x3FB6] =	sst s10  }
0x32: {  	s10 =	sld [smem:$0x3FB4];
	_ =	sdelay $0x3  }
0x33: {  	p0 =	seq.s32 s10, $0x1;
	s10 =	sld [smem:$0x3FB6];
	_ =	sdelay $0x3  }
0x34: {  	[smem:$0x3FB6] =	sst s10  }
0x35: {  	s10 =	sld [smem:$0x3FB5];
	_ =	sdelay $0x3  }
0x36: {  	p1 =	seq.s32 s10, $0x1;
	s10 =	sld [smem:$0x3FB6];
	_ =	sdelay $0x3  }
0x37: {  	[smem:$0x3FB6] =	sst s10  }
0x38: {  	s10 =	sld [smem:$0x3FB7]  }
0x39: {  	_ = 	snop;
	(pc) =	sbr.ind lr, $3  }
0x3a: {  	_ = 	snop  }
0x3b: {  	_ = 	snop  }
0x3c: {  	p2 =	seq.s32 s10, $0x1;
	s10 =	sld [smem:$0x3FB6]  }
0x3d: {  	_ =	shalt  }
0x3e: {  	_ =	shalt  }
0x3f: {  	_ =	shalt  }
0x40: {  	_ =	shalt  }
0x41: {  	_ =	shalt  }
0x42: {  	_ =	shalt  }
0x43: {  	_ =	shalt  }
0x44: {  	_ =	shalt  }
0x45: {  	_ =	shalt  }
0x46: {  	_ =	shalt  }
0x47: {  	_ =	shalt  }
0x48: {  	_ =	shalt  }
0x49: {  	_ =	shalt  }
0x4a: {  	_ =	shalt  }
0x4b: {  	_ =	shalt  }
0x4c: {  	_ =	shalt  }
0x4d: {  	_ =	shalt  }
0x4e: {  	_ =	shalt  }
0x4f: {  	_ =	shalt  }
0x50: {  	_ =	shalt  }
0x51: {  	_ =	shalt  }
0x52: {  	_ =	shalt  }
0x53: {  	_ =	shalt  }
0x54: {  	_ =	shalt  }
0x55: {  	_ =	shalt  }
0x56: {  	_ =	shalt  }
0x57: {  	_ =	shalt  }
0x58: {  	_ =	shalt  }
0x59: {  	_ =	shalt  }
0x5a: {  	_ =	shalt  }
0x5b: {  	_ =	shalt  }
0x5c: {  	_ =	shalt  }
0x5d: {  	_ =	shalt  }
0x5e: {  	_ =	shalt  }
0x5f: {  	_ =	shalt  }
0x60: {  	_ =	shalt  }
0x61: {  	_ =	shalt  }
0x62: {  	_ =	shalt  }
0x63: {  	_ =	shalt  }
0x64: {  	_ =	shalt  }
0x65: {  	_ =	shalt  }
0x66: {  	_ =	shalt  }
0x67: {  	_ =	shalt  }
0x68: {  	_ =	shalt  }
0x69: {  	_ =	shalt  }
0x6a: {  	_ =	shalt  }
0x6b: {  	_ =	shalt  }
0x6c: {  	_ =	shalt  }
0x6d: {  	_ =	shalt  }
0x6e: {  	_ =	shalt  }
0x6f: {  	_ =	shalt  }
0x70: {  	_ =	shalt  }
0x71: {  	_ =	shalt  }
0x72: {  	_ =	shalt  }
0x73: {  	_ =	shalt  }
0x74: {  	_ =	shalt  }
0x75: {  	_ =	shalt  }
0x76: {  	_ =	shalt  }
0x77: {  	_ =	shalt  }
0x78: {  	_ =	shalt  }
0x79: {  	_ =	shalt  }
0x7a: {  	_ =	shalt  }
0x7b: {  	_ =	shalt  }
0x7c: {  	_ =	shalt  }
0x7d: {  	_ =	shalt  }
0x7e: {  	_ =	shalt  }
0x7f: {  	_ =	shalt  }
0x80: {  	_ =	shalt  }
0x81: {  	_ =	shalt  }
0x82: {  	_ =	shalt  }
0x83: {  	_ =	shalt  }
0x84: {  	_ =	shalt  }
0x85: {  	_ =	shalt  }
0x86: {  	_ =	shalt  }
0x87: {  	_ =	shalt  }
.Lfunc_end0:
.L_simem_size_0:
called_computation.1_lowered:
.L_overlay_start_0:
0x88: {  	s2 =	sld [smem:$0x3FD9]  }
0x89: {  	s3 =	sld [smem:$0x3FFE];
	_ =	sdelay $0x1  }
0x8a: {  	s1 =	srdreg.scid  }
0x8b: {  	s0 =	sand.u32 $0x1, s1  }
0x8c: {  	s17 =	sshll.u32 s0, $0xA;
	s2 =	sadd.s32 s3, s2  }
0x8d: {  	s2 =	sadd.s32 s2, s17  }
0x8e: {  	[smem:$0x3FC2] =	sst s2  }
0x8f: {  	_ = 	snop  }
0x90: {  	s2 =	sld [smem:$0x3FD0];
	(tm) =	ssettm $0x1  }
0x91: {  	s18 =	sld [smem:$0x3FFB];
	_ =	sdelay $0x3  }
0x92: {  	_ =	strace s18  }
0x93: {  	s3 =	sld [smem:$0x3FFC];
	_ =	sdelay $0x3  }
0x94: {  	_ =	strace s3  }
0x95: {  	s3 =	sld [smem:$0x3FFD];
	_ =	sdelay $0x3  }
0x96: {  	_ =	strace s3  }
0x97: {  	_ =	strace $0x8FFFFFFF  }
0x98: {  	s19 =	sld [smem:$0x3FDB];
	_ =	sdelay $0x1  }
0x99: {  	s4 =	simm.s32 $_scs_section_size  }
0x9a: {  	s5 =	simm.s32 $_size__tile_overlayer_lowered;
	s6 =	simm.s32 $_tile_overlayer_lowered  }
0x9b: {  	s22 =	simm.s32 $0x1BFF;
	s21 =	sshll.u32 s6, $0x1;
	s3 =	sadd.s32 s4, s19  }
0x9c: {  	s7 =	simm.s32 $0x0;
	s20 =	sshll.u32 s5, $0x1;
	s5 =	sadd.s32 s21, s3  }
0x9d: {  	[timem:s7], [sflag:s22] =	dma.local [hbm:s5], s20  }
0x9e: {  	_ =	swait.ge [sflag:s22], s20  }
0x9f: {  	s4 =	ssub.s32 $0x0, s20;
	[sflag:s22] =	ssyncset.done $0x0  }
0xa0: {  	[sflag:s22] =	ssyncadd.s32 s4;
	_ =	sdelay $0x1  }
0xa1: {  	s23 =	simm.s32 $0x1B8B  }
0xa2: {  	_ =	swait.ge [sflag:s23], $0x1  }
0xa3: {  	[sflag:s23] =	ssyncset.done $0x0  }
0xa4: {  	s25 =	simm.s32 $0x1B8E;
	s24 =	sld [smem:$0x3FFE];
	[sflag:s23] =	ssyncadd.s32 $0xFFFFFFFF  }
0xa5: {  	s26 =	simm.s32 $execute0_lowered;
	[smem:$0x3FD2] =	sst s25  }
0xa6: {  	s5 =	sshll.u32 s26, $0x1;
	_ =	strace $0x80000049;
	[dreg:$0x1] =	wrdreg $0xFFFFFFFF  }
0xa7: {  	s28 =	simm.s32 $_size_execute0_lowered;
	s3 =	sadd.s32 s3, s5;
	[dreg:$0x0] =	wrdreg $0x0  }
0xa8: {  	s5 =	sshll.u32 s28, $0x1;
	[dreg:$0x2] =	wrdreg s3  }
0xa9: {  	[dreg:$0x3] =	wrdreg s5  }
0xaa: {  	[dreg:$0x4] =	wrdreg $0xC0  }
0xab: {  	_ =	task [dreg:s7], $0x5FFFF  }
0xac: {  	[dreg:$0x1] =	wrdreg $0xFFFFFFFF  }
0xad: {  	[dreg:$0x0] =	wrdreg $0x60  }
0xae: {  	[dreg:$0x2] =	wrdreg s2  }
0xaf: {  	[dreg:$0x3] =	wrdreg s24  }
0xb0: {  	[dreg:$0x4] =	wrdreg $0x0  }
0xb1: {  	[dreg:$0x5] =	wrdreg $0x9  }
0xb2: {  	_ =	task.clear_ibuf [dreg:s7], $0x6FFFF;
	_ =	strace $0x90000049  }
0xb3: {  	s29 =	simm.s32 $0x9;
	_ =	strace $0x8000004B  }
0xb4: {  	_ =	swait.ge [sflag:s29], $0x1  }
0xb5: {  	[sflag:s29] =	ssyncadd.s32 $0xFFFFFFFF  }
0xb6: {  	_ =	strace $0x9000004B  }
0xb7: {  	_ =	sfence  }
0xb8: {  	s30 =	sld [smem:$0x0];
	_ =	sdelay $0x2  }
0xb9: {  	s31 =	sshll.u32 s1, $0xD;
	s1 =	sshrl.u32 s1, $0x2  }
0xba: {  	s3 =	sand.u32 $0x4000, s31;
	s1 =	sadd.s32 s1, s30  }
0xbb: {  	s0 =	sor.u32 s3, s0;
	s1 =	sshll.u32 s1, $0x11  }
0xbc: {  	s0 =	sor.u32 s1, s0  }
0xbd: {  	s0 =	sadd.s32 $0x8F2B, s0  }
0xbe: {  	[sflag:s0] =	ssyncadd.remote.s32 $0x1  }
0xbf: {  	_ =	sfence.sel $0xFFFF  }
0xc0: {  	[dreg:$0x0] =	wrdreg $0xFFFFFFFF;
	(pc) =	sbr.abs _section_cstart, $3  }
0xc1: {  	[dreg:$0x1] =	wrdreg $0xFFFFFFFF  }
0xc2: {  	_ =	task.clear_ibuf [dreg:s7], $0x2FFFF;
	_ =	strace $0x9FFFFFFF  }
0xc3: {  	(tm) =	ssettm $0x7FFFFFFF  }
tec
execute0_lowered:
.L_overlay_start_1:
0x0: {  	(tag) =	ssettag $0x1  }
0x1: {  	s2 =	rddreg [dreg:$0x0]  }
0x2: {  	s0 =	rddreg [dreg:$0x1]  }
0x3: {  	s3 =	rddreg [dreg:$0x2]  }
0x4: {  	s9 =	stileid.u32;
	s5 =	simm.s32 $0x0;
	s1 =	srdreg.scid  }
0x5: {  	s28 =	simm.s32 $0x80;
	s30 =	simm.s32 $0x1A880;
	s4 =	smul.u32 $0x280, s9  }
0x6: {  	s31 =	simm.s32 $0x2;
	[smem:$0x7FF] =	sst s5;
	s8 =	smul.u32 $0x2B8, s9  }
0x7: {  	s1 =	sand.u32 $0x1, s1;
	s17 =	sadd.s32 $0x2800, s0;
	s13 =	smul.u32 $0x2800, s9  }
0x8: {  	s18 =	smul.u32 $0x138800, s1;
	s6 =	sshll.u32 s1, $0x4;
	_ =	strace $0x8000004A  }
0x9: {  	s7 =	ssub.s32 $0x2, s1;
	s1 =	smul.u32 $0x28000, s1;
	s4 =	smin.u32 s4, $0x2490  }
0xa: {  	s6 =	sor.u32 s9, s6;
	s19 =	sshrl.u32 s7, $0x1;
	s20 =	smin.u32 s8, $0x2810  }
0xb: {  	s4 =	sshll.u32 s4, $0x7;
	s6 =	smul.u32 $0x2800, s6;
	s22 =	sshll.u32 s20, $0x7  }
0xc: {  	s1 =	sadd.s32 s13, s1;
	s5 =	sadd.s32 s18, s4;
	s18 =	sadd.s32 $0xC800, s0  }
0xd: {  	s1 =	sadd.s32 $0x800, s1;
	s29 =	sadd.s32 s4, s3;
	s5 =	sshrl.u32 s5, $0x3  }
0xe: {  	s12 =	sshrl.u32 s6, $0x3;
	s25 =	sshrl.u32 s1, $0x3;
	s1 =	simm.s32 $0x0  }
0xf: {  	s0 =	sadd.s32 s5, s0;
	s5 =	ssub.s32 s7, s19;
	s21 =	sadd.s32 s17, s12  }
0x10: {  	s23 =	sadd.s32 s18, s12;
	s7 =	sadd.s32 s22, s3;
	s14 =	sor.u32 $0x80, s12  }
0x11: {  	s26 =	sadd.s32 s25, s18;
	s19 =	simm.s32 $0x15880;
	[dreg:$0x4] =	wrdreg s21  }
0x12: {  	s22 =	simm.s32 $0x4;
	[dreg:$0x5] =	wrdreg s23;
	s24 =	sadd.s32 $0x4000, s7  }
.Ltmp0:
0x13: {  	s9 =	sadd.s32 $0x8000, s7;
	s10 =	sadd.s32 $0xC000, s7;
	(pc) =	sbr.rel .LBB2_1-.Ltmp0, $4  }
0x14: {  	s11 =	sadd.s32 $0x10000, s7;
	s12 =	sadd.s32 $0x14000, s7;
	s13 =	sadd.s32 s17, s14  }
0x15: {  	s14 =	sadd.s32 s18, s14;
	s15 =	sadd.s32 $0x16800, s0;
	s16 =	smax.u32 s5, $0x1  }
0x16: {  	s21 =	simm.s32 $0x16880;
	s23 =	simm.s32 $0x1;
	s0 =	simm.s32 $0x3  }
0x17: {  	v0 =	vimm.f32 $0.0e+00;
	[dreg:$0x6] =	wrdreg s24;
	s24 =	sadd.s32 s25, s17;
	s25 =	sshrl.u32 s29, $0x3  }
.LBB2_5:
0x18: {  	_ =	swait.ge [sflag:s0], $0x4000  }
0x19: {  	[sflag:s0] =	ssyncset.done $0x0  }
0x1a: {  	s4 =	sadd.s32 $0x16080, s5;
	[sflag:s0] =	ssyncadd.s32 $0xFFFFC000  }
0x1b: {  	[spmem:s3] =	stream.indirect.scatter.add.f32 [tilespmem:s30], [sflag:$0x4], $0x80, s4, s28, $0xb8;
	[tilespmem:$0x1E880] =	vst v63  }
0x1c: {  	_ =	swait.ge [sflag:s22], $0x4000  }
0x1d: {  	[sflag:s22] =	ssyncset.done $0x0  }
0x1e: {  	[sflag:s22] =	ssyncadd.s32 $0xFFFFC000  }
.LBB2_7:
0x1f: {  	s4 =	stileid.u32;
	s1 =	sadd.s32 $0x1, s1  }
0x20: {  	s4 =	sshll.u32 s4, $0x6;
	p0 =	sne.s32 s1, s16  }
.Ltmp1:
0x21: {  	[bflag:$0x0] =	sbarrier.arrive $0xFFFF;
	s4 =	sor.u32 $0x1C04, s4;
	(pc) =	sbr.rel @!p0 .LBB2_8-.Ltmp1, $4  }
0x22: {  	[hbm:s15], [sflag:s4] =	dma.local [spmem:s25], $0x2800  }
0x23: {  	_ =	swait.ge [sflag:s22], $0x2800  }
0x24: {  	[sflag:s22] =	ssyncset.done $0x0  }
0x25: {  	[sflag:s22] =	ssyncadd.s32 $0xFFFFD800  }
.LBB2_1:
0x26: {  	s4 =	simm.s32 $0x0;
	s5 =	rddreg [dreg:$0x4]  }
0x27: {  	[tilespmem:s19], [sflag:$0x1] =	stream.linear.gather [hbm4b:s5+s4], $0x400, $0x38;
	[tilespmem:$0x1E880] =	vst v63  }
0x28: {  	s29 =	rddreg [dreg:$0x5];
	s6 =	simm.s32 $0x16080  }
0x29: {  	[tilespmem:s6], [sflag:$0x1] =	stream.linear.gather [hbm4b:s29+s4], $0x400, $0x38;
	[tilespmem:$0x1E880] =	vst v63  }
0x2a: {  	s17 =	simm.s32 $0x200;
	s4 =	simm.s32 $0x0  }
.LBB2_2:
0x2b: {  	p0 =	sne.s32 s17, $0xFE00;
	[tilespmem:s4+$0x168F0] =	vst v0  }
0x2c: {  	[tilespmem:s4+$0x16880] =	vst v0  }
0x2d: {  	[tilespmem:s4+$0x16890] =	vst v0  }
.Ltmp2:
0x2e: {  	[tilespmem:s4+$0x168A0] =	vst v0;
	(pc) =	sbr.rel @p0 .LBB2_2-.Ltmp2, $4  }
0x2f: {  	[tilespmem:s4+$0x168B0] =	vst v0  }
0x30: {  	[tilespmem:s4+$0x168C0] =	vst v0  }
0x31: {  	[tilespmem:s4+$0x168D0] =	vst v0  }
0x32: {  	[tilespmem:s4+$0x168E0] =	vst v0;
	s4 =	sshra.s32 s17, $0x2;
	s17 =	sadd.s32 $0x200, s17  }
0x33: {  	[tilespmem:s4+$0x168F0] =	vst v0  }
0x34: {  	[tilespmem:s4+$0x16880] =	vst v0  }
0x35: {  	[tilespmem:s4+$0x16890] =	vst v0  }
0x36: {  	[tilespmem:s4+$0x168A0] =	vst v0  }
0x37: {  	[tilespmem:s4+$0x168B0] =	vst v0  }
0x38: {  	[tilespmem:s4+$0x168C0] =	vst v0  }
0x39: {  	[tilespmem:s4+$0x168D0] =	vst v0  }
0x3a: {  	[tilespmem:s4+$0x168E0] =	vst v0  }
0x3b: {  	[spmem:s7] =	stream.linear.scatter [tilespmem:s21], [sflag:$0x4], $0x4000, $0x38;
	[tilespmem:$0x1E880] =	vst v63  }
0x3c: {  	_ =	swait.ge [sflag:s22], $0x4000  }
0x3d: {  	[sflag:s22] =	ssyncset.done $0x0  }
0x3e: {  	s8 =	rddreg [dreg:$0x6];
	[sflag:s22] =	ssyncadd.s32 $0xFFFFC000  }
0x3f: {  	[spmem:s8] =	stream.linear.scatter [tilespmem:s21], [sflag:$0x4], $0x4000, $0x38;
	[tilespmem:$0x1E880] =	vst v63  }
0x40: {  	_ =	swait.ge [sflag:s22], $0x4000  }
0x41: {  	[sflag:s22] =	ssyncset.done $0x0  }
0x42: {  	[sflag:s22] =	ssyncadd.s32 $0xFFFFC000  }
0x43: {  	[spmem:s9] =	stream.linear.scatter [tilespmem:s21], [sflag:$0x4], $0x4000, $0x38;
	[tilespmem:$0x1E880] =	vst v63  }
0x44: {  	_ =	swait.ge [sflag:s22], $0x4000  }
0x45: {  	[sflag:s22] =	ssyncset.done $0x0  }
0x46: {  	[sflag:s22] =	ssyncadd.s32 $0xFFFFC000  }
0x47: {  	[spmem:s10] =	stream.linear.scatter [tilespmem:s21], [sflag:$0x4], $0x4000, $0x38;
	[tilespmem:$0x1E880] =	vst v63  }
0x48: {  	_ =	swait.ge [sflag:s22], $0x4000  }
0x49: {  	[sflag:s22] =	ssyncset.done $0x0  }
0x4a: {  	[sflag:s22] =	ssyncadd.s32 $0xFFFFC000  }
0x4b: {  	[spmem:s11] =	stream.linear.scatter [tilespmem:s21], [sflag:$0x4], $0x4000, $0x38;
	[tilespmem:$0x1E880] =	vst v63  }
0x4c: {  	_ =	swait.ge [sflag:s22], $0x4000  }
0x4d: {  	[sflag:s22] =	ssyncset.done $0x0  }
0x4e: {  	[sflag:s22] =	ssyncadd.s32 $0xFFFFC000  }
0x4f: {  	[spmem:s12] =	stream.linear.scatter [tilespmem:s21], [sflag:$0x4], $0x4000, $0x38;
	[tilespmem:$0x1E880] =	vst v63  }
0x50: {  	_ =	swait.ge [sflag:s22], $0x4000  }
0x51: {  	[sflag:s22] =	ssyncset.done $0x0  }
0x52: {  	[sflag:s22] =	ssyncadd.s32 $0xFFFFC000  }
0x53: {  	_ =	swait.ge [sflag:s23], $0x400  }
0x54: {  	[sflag:s23] =	ssyncset.done $0x0  }
0x55: {  	[sflag:s23] =	ssyncadd.s32 $0xFFFFFC00  }
0x56: {  	_ =	swait.ge [sflag:s23], $0x400  }
0x57: {  	[sflag:s23] =	ssyncset.done $0x0  }
0x58: {  	[sflag:s23] =	ssyncadd.s32 $0xFFFFFC00  }
0x59: {  	s20 =	simm.s32 $0x0;
	s17 =	simm.s32 $0x15C80;
	[bflag:$0x0] =	sbarrier.arrive $0xFFFF  }
0x5a: {  	[tilespmem:s17], [sflag:$0x1] =	stream.linear.gather [hbm4b:s13+s20], $0x400, $0x38;
	[tilespmem:$0x1E880] =	vst v63  }
0x5b: {  	s18 =	simm.s32 $0x16480  }
0x5c: {  	[tilespmem:s18], [sflag:$0x1] =	stream.linear.gather [hbm4b:s14+s20], $0x400, $0x38;
	[tilespmem:$0x1E880] =	vst v63  }
0x5d: {  	_ = 	snop  }
0x5e: {  	[tilespmem:s21], [sflag:$0x2] =	stream.indirect.gather [hbm4b:s2+s28], $0x80, s19, s28, $0xb8;
	[tilespmem:$0x1E880] =	vst v63  }
0x5f: {  	s29 =	simm.s32 $0x15900;
	s17 =	smov.u32 s26;
	s18 =	smov.u32 s24  }
0x60: {  	[tilespmem:s30], [sflag:$0x3] =	stream.indirect.gather [hbm4b:s2+s28], $0x80, s29, s28, $0xb8;
	[tilespmem:$0x1E880] =	vst v63  }
.LBB2_4:
0x61: {  	s4 =	sand.u32 $0x1, s20;
	_ =	swait.ge [sflag:s31], $0x4000  }
0x62: {  	[sflag:s31] =	ssyncset.done $0x0;
	s4 =	sshll.u32 s4, $0xA  }
0x63: {  	[sflag:s31] =	ssyncadd.s32 $0xFFFFC000;
	s29 =	sor.u32 $0x16080, s4  }
0x64: {  	[spmem:s3] =	stream.indirect.scatter.add.f32 [tilespmem:s21], [sflag:$0x4], $0x80, s29, s28, $0xb8;
	[tilespmem:$0x1E880] =	vst v63  }
0x65: {  	_ =	swait.ge [sflag:s22], $0x4000  }
0x66: {  	[sflag:s22] =	ssyncset.done $0x0  }
0x67: {  	s5 =	sor.u32 $0x15980, s4;
	[sflag:s22] =	ssyncadd.s32 $0xFFFFC000  }
0x68: {  	[tilespmem:s21], [sflag:$0x2] =	stream.indirect.gather [hbm4b:s2+s28], $0x80, s5, s28, $0xb8;
	[tilespmem:$0x1E880] =	vst v63  }
0x69: {  	_ =	swait.ge [sflag:s0], $0x4000  }
0x6a: {  	[sflag:s0] =	ssyncset.done $0x0  }
0x6b: {  	s8 =	sor.u32 $0x16100, s4;
	[sflag:s0] =	ssyncadd.s32 $0xFFFFC000  }
0x6c: {  	[spmem:s3] =	stream.indirect.scatter.add.f32 [tilespmem:s30], [sflag:$0x4], $0x80, s8, s28, $0xb8;
	[tilespmem:$0x1E880] =	vst v63  }
0x6d: {  	_ =	swait.ge [sflag:s22], $0x4000  }
0x6e: {  	[sflag:s22] =	ssyncset.done $0x0  }
0x6f: {  	s6 =	sor.u32 $0x15A00, s4;
	[sflag:s22] =	ssyncadd.s32 $0xFFFFC000  }
0x70: {  	[tilespmem:s30], [sflag:$0x3] =	stream.indirect.gather [hbm4b:s2+s28], $0x80, s6, s28, $0xb8;
	[tilespmem:$0x1E880] =	vst v63  }
0x71: {  	_ =	swait.ge [sflag:s31], $0x4000  }
0x72: {  	[sflag:s31] =	ssyncset.done $0x0  }
0x73: {  	s8 =	sor.u32 $0x16180, s4;
	[sflag:s31] =	ssyncadd.s32 $0xFFFFC000  }
0x74: {  	[spmem:s3] =	stream.indirect.scatter.add.f32 [tilespmem:s21], [sflag:$0x4], $0x80, s8, s28, $0xb8;
	[tilespmem:$0x1E880] =	vst v63  }
0x75: {  	_ =	swait.ge [sflag:s22], $0x4000  }
0x76: {  	[sflag:s22] =	ssyncset.done $0x0  }
0x77: {  	s6 =	sor.u32 $0x15A80, s4;
	[sflag:s22] =	ssyncadd.s32 $0xFFFFC000  }
0x78: {  	[tilespmem:s21], [sflag:$0x2] =	stream.indirect.gather [hbm4b:s2+s28], $0x80, s6, s28, $0xb8;
	[tilespmem:$0x1E880] =	vst v63  }
0x79: {  	_ =	swait.ge [sflag:s0], $0x4000  }
0x7a: {  	[sflag:s0] =	ssyncset.done $0x0  }
0x7b: {  	s8 =	sor.u32 $0x16200, s4;
	[sflag:s0] =	ssyncadd.s32 $0xFFFFC000  }
0x7c: {  	[spmem:s3] =	stream.indirect.scatter.add.f32 [tilespmem:s30], [sflag:$0x4], $0x80, s8, s28, $0xb8;
	[tilespmem:$0x1E880] =	vst v63  }
0x7d: {  	_ =	swait.ge [sflag:s22], $0x4000  }
0x7e: {  	[sflag:s22] =	ssyncset.done $0x0  }
0x7f: {  	s6 =	sor.u32 $0x15B00, s4;
	[sflag:s22] =	ssyncadd.s32 $0xFFFFC000  }
0x80: {  	[tilespmem:s30], [sflag:$0x3] =	stream.indirect.gather [hbm4b:s2+s28], $0x80, s6, s28, $0xb8;
	[tilespmem:$0x1E880] =	vst v63  }
0x81: {  	_ =	swait.ge [sflag:s31], $0x4000  }
0x82: {  	[sflag:s31] =	ssyncset.done $0x0  }
0x83: {  	s8 =	sor.u32 $0x16280, s4;
	[sflag:s31] =	ssyncadd.s32 $0xFFFFC000  }
0x84: {  	[spmem:s3] =	stream.indirect.scatter.add.f32 [tilespmem:s21], [sflag:$0x4], $0x80, s8, s28, $0xb8;
	[tilespmem:$0x1E880] =	vst v63  }
0x85: {  	_ =	swait.ge [sflag:s22], $0x4000  }
0x86: {  	[sflag:s22] =	ssyncset.done $0x0  }
0x87: {  	s6 =	sor.u32 $0x15B80, s4;
	[sflag:s22] =	ssyncadd.s32 $0xFFFFC000  }
0x88: {  	[tilespmem:s21], [sflag:$0x2] =	stream.indirect.gather [hbm4b:s2+s28], $0x80, s6, s28, $0xb8;
	[tilespmem:$0x1E880] =	vst v63  }
0x89: {  	_ =	swait.ge [sflag:s0], $0x4000  }
0x8a: {  	[sflag:s0] =	ssyncset.done $0x0  }
0x8b: {  	s8 =	sor.u32 $0x16300, s4;
	[sflag:s0] =	ssyncadd.s32 $0xFFFFC000  }
0x8c: {  	[spmem:s3] =	stream.indirect.scatter.add.f32 [tilespmem:s30], [sflag:$0x4], $0x80, s8, s28, $0xb8;
	[tilespmem:$0x1E880] =	vst v63  }
0x8d: {  	_ =	swait.ge [sflag:s22], $0x4000  }
0x8e: {  	[sflag:s22] =	ssyncset.done $0x0  }
0x8f: {  	s6 =	sadd.s32 $0x15C00, s4;
	[sflag:s22] =	ssyncadd.s32 $0xFFFFC000  }
0x90: {  	[tilespmem:s30], [sflag:$0x3] =	stream.indirect.gather [hbm4b:s2+s28], $0x80, s6, s28, $0xb8;
	[tilespmem:$0x1E880] =	vst v63  }
0x91: {  	_ =	swait.ge [sflag:s31], $0x4000  }
0x92: {  	p0 =	sne.s32 s20, $0x9;
	[sflag:s31] =	ssyncset.done $0x0  }
.Ltmp3:
0x93: {  	s8 =	sor.u32 $0x16380, s4;
	[sflag:s31] =	ssyncadd.s32 $0xFFFFC000;
	(pc) =	sbr.rel @!p0 .LBB2_5-.Ltmp3, $4  }
0x94: {  	[spmem:s3] =	stream.indirect.scatter.add.f32 [tilespmem:s21], [sflag:$0x4], $0x80, s8, s28, $0xb8;
	[tilespmem:$0x1E880] =	vst v63  }
0x95: {  	_ =	swait.ge [sflag:s22], $0x4000  }
0x96: {  	[sflag:s22] =	ssyncset.done $0x0  }
0x97: {  	s5 =	sor.u32 $0x380, s4;
	[sflag:s22] =	ssyncadd.s32 $0xFFFFC000  }
0x98: {  	_ =	swait.ge [sflag:s23], $0x400  }
0x99: {  	[sflag:s23] =	ssyncset.done $0x0  }
0x9a: {  	[sflag:s23] =	ssyncadd.s32 $0xFFFFFC00  }
0x9b: {  	_ =	swait.ge [sflag:s23], $0x400  }
0x9c: {  	s6 =	sxor.u32 $0x400, s4;
	[sflag:s23] =	ssyncset.done $0x0  }
0x9d: {  	s8 =	sor.u32 $0x15880, s6;
	[sflag:s23] =	ssyncadd.s32 $0xFFFFFC00  }
0x9e: {  	[tilespmem:s21], [sflag:$0x2] =	stream.indirect.gather [hbm4b:s2+s28], $0x80, s8, s28, $0xb8;
	[tilespmem:$0x1E880] =	vst v63  }
0x9f: {  	_ =	swait.ge [sflag:s0], $0x4000  }
0xa0: {  	[sflag:s0] =	ssyncset.done $0x0  }
0xa1: {  	s5 =	sadd.s32 $0x16080, s5;
	[sflag:s0] =	ssyncadd.s32 $0xFFFFC000  }
0xa2: {  	[spmem:s3] =	stream.indirect.scatter.add.f32 [tilespmem:s30], [sflag:$0x4], $0x80, s5, s28, $0xb8;
	[tilespmem:$0x1E880] =	vst v63  }
0xa3: {  	_ =	swait.ge [sflag:s22], $0x4000  }
0xa4: {  	[sflag:s22] =	ssyncset.done $0x0  }
0xa5: {  	p0 =	sgt.u32 s20, $0x7;
	s8 =	sor.u32 $0x15900, s6;
	[sflag:s22] =	ssyncadd.s32 $0xFFFFC000  }
0xa6: {  	[tilespmem:s30], [sflag:$0x3] =	stream.indirect.gather [hbm4b:s2+s28], $0x80, s8, s28, $0xb8;
	[tilespmem:$0x1E880] =	vst v63  }
0xa7: {  	s4 =	sadd.s32 @!p0 $0x15880, s4;
	s5 =	simm.s32 @!p0 $0x0  }
0xa8: {  	[tilespmem:s4], [sflag:$0x1] =	stream.linear.gather @!p0 [hbm4b:s18+s5], $0x400, $0x38;
	[tilespmem:$0x1E880] =	vst v63  }
0xa9: {  	s20 =	sadd.s32 $0x1, s20  }
0xaa: {  	[tilespmem:s29], [sflag:$0x1] =	stream.linear.gather @!p0 [hbm4b:s17+s5], $0x400, $0x38;
	[tilespmem:$0x1E880] =	vst v63  }
0xab: {  	p0 =	sne.s32 s20, $0xA  }
.Ltmp4:
0xac: {  	_ = 	snop;
	(pc) =	sbr.rel @p0 .LBB2_4-.Ltmp4, $4  }
.Ltmp5:
0xad: {  	_ = 	snop;
	(pc) =	sbr.rel @!p0 .LBB2_7-.Ltmp5, $4  }
0xae: {  	_ = 	snop  }
0xaf: {  	_ = 	snop  }
0xb0: {  	s18 =	sadd.s32 $0x80, s18;
	s17 =	sadd.s32 $0x80, s17  }
0xb1: {  	_ = 	snop  }
.LBB2_8:
0xb2: {  	_ =	sfence.sel $0x180000  }
0xb3: {  	[bflag:$0x0] =	sbarrier.arrive $0xFFFF  }
0xb4: {  	_ =	strace $0x9000004A  }
0xb5: {  	s0 =	stileid.u32;
	[bflag:$0x2] =	sbarrier.arrive $0xFFFF  }
0xb6: {  	p0 =	sne.s32 s0, $0x0;
	s0 =	rddreg [dreg:$0x3]  }
0xb7: {  	s0 =	sadd.s32 @!p0 $0x100000, s0  }
0xb8: {  	[sflag:s0] =	ssyncadd.tile.s32 @!p0 $0x1;
	_ =	shalt  }
.Lfunc_end2:
_tile_overlayer_lowered:
.L_overlay_start_2:
0xb9: {  	(tag) =	ssettag $0x2  }
0xba: {  	s0 =	rddreg [dreg:$0x0];
	s2 =	stileid.u32  }
0xbb: {  	s1 =	rddreg [dreg:$0x1];
	p0 =	sne.s32 s2, $0x0  }
0xbc: {  	s3 =	rddreg [dreg:$0x2];
	[bflag:$0x3] =	sbarrier.arrive $0xFFFF;
	s2 =	simm.s32 @!p0 $0x1C04  }
0xbd: {  	[timem:s3], [sflag:s2] =	dma.local @!p0 [hbm:s0], s1  }
0xbe: {  	s0 =	simm.s32 @!p0 $0x4  }
0xbf: {  	_ =	swait.ge @!p0 [sflag:s0], s1  }
0xc0: {  	s1 =	ssub.s32 @!p0 $0x0, s1;
	[sflag:s0] =	ssyncset.done @!p0 $0x0  }
0xc1: {  	[sflag:s0] =	ssyncadd.s32 @!p0 s1  }
0xc2: {  	[bflag:$0x3] =	sbarrier.arrive $0xFFFF  }
0xc3: {  	_ =	shalt  }

// kernel: kernel.14.cloned.1.call-start
scs
__scs_entry_jumppad:
0x0: {  	(pc) =	sbr.rel $0x88, $3  }
0x1: {  	(tag) =	ssettag $0x0;
	lr =	simm.s32 $0x1  }
0x2: {  	[smem:$0x3F9B] =	sst lr;
	_ =	strace $0xD0000000  }
0x3: {  	_ = 	snop  }
0x4: {  	_ = 	snop  }
0x5: {  	_ = 	snop  }
0x6: {  	_ = 	snop  }
0x7: {  	_ = 	snop  }
__scs_overlays_trampoline_lowered:
0x8: {  	[smem:$0x3FAA] =	sst s0  }
0x9: {  	[smem:$0x3FAB] =	sst s1  }
0xa: {  	[smem:$0x3FAC] =	sst s2  }
0xb: {  	[smem:$0x3FAD] =	sst s3  }
0xc: {  	[smem:$0x3FAE] =	sst s4  }
0xd: {  	[smem:$0x3FAF] =	sst s5  }
0xe: {  	[smem:$0x3FB0] =	sst s6  }
0xf: {  	[smem:$0x3FB1] =	sst s7  }
0x10: {  	[smem:$0x3FB2] =	sst s8  }
0x11: {  	[smem:$0x3FB3] =	sst s9;
	s0 =	simm.s32 @!p0 $0x0  }
0x12: {  	s1 =	sld [smem:$0x3F99];
	s0 =	simm.s32 @p0 $0x1  }
0x13: {  	[smem:$0x3FB4] =	sst s0;
	s0 =	simm.s32 @!p1 $0x0  }
0x14: {  	s2 =	sld [smem:$0x3F98];
	s0 =	simm.s32 @p1 $0x1  }
0x15: {  	[smem:$0x3FB5] =	sst s0;
	s0 =	simm.s32 @!p2 $0x0  }
0x16: {  	s3 =	sld [smem:$0x3FDB];
	s0 =	simm.s32 @p2 $0x1  }
0x17: {  	s4 =	simm.s32 $0x1BF5;
	[smem:$0x3FB7] =	sst s0  }
0x18: {  	s0 =	sld [smem:$0x3F9A];
	_ =	swait.ge [sflag:s4], $0x0  }
0x19: {  	s7 =	sld [smem:$0x3F9B]  }
0x1a: {  	s8 =	sadd.s32 $0xFFFFE003, lr  }
0x1b: {  	s9 =	sadd.s32 $0xFFFFFEF7, lr;
	s5 =	simm.s32 $0xFFFFFFFF;
	p2 =	slt.u32 s8, $0xFFFFF086  }
0x1c: {  	p1 =	slt.u32 s9, $0xF7A;
	s5 =	simm.s32 @!p2 $0x0  }
0x1d: {  	s5 =	simm.s32 @p1 $0x1;
	p0 =	seq.s32 s7, s2  }
0x1e: {  	s7 =	smul.u32 @!p0 $0xF7A, s2;
	p2 =	seq.s32 @!p0 s5, $0x0  }
0x1f: {  	s9 =	smul.u32 $0xF7A, s1;
	s8 =	simm.s32 @!p0 $0x1BF5;
	p2 =	por !p2, p0  }
0x20: {  	[sflag:s8] =	ssyncset.s32 @!p0 $0xFFFFF086;
	s6 =	sadd.s32 @!p0 s3, s7;
	s7 =	simm.s32 @!p0 $0x108  }
0x21: {  	s3 =	sadd.s32 s3, s9;
	s6 =	sadd.s32 @!p0 $0x88, s6;
	s7 =	simm.s32 @p2 $0x1082  }
0x22: {  	[simem:s7], [sflag:s8] =	dma.local @!p0 [hbm:s6], $0xF7A  }
0x23: {  	s9 =	sor.u32 $0xD0000000, s2;
	s6 =	simm.s32 $0x108;
	_ =	swait.ge @!p0 [sflag:s8], $0x0  }
0x24: {  	s3 =	sadd.s32 $0x88, s3;
	s6 =	simm.s32 @!p1 $0x1082;
	[sflag:s4] =	ssyncset.s32 $0xFFFFF086  }
0x25: {  	[simem:s6], [sflag:s4] =	dma.local [hbm:s3], $0xF7A  }
0x26: {  	[smem:$0x3F9B] =	sst s1;
	(tag) =	ssettag s2;
	_ =	strace s9  }
0x27: {  	s1 =	sld [smem:$0x3FAB]  }
0x28: {  	s2 =	sld [smem:$0x3FAC]  }
0x29: {  	s4 =	sld [smem:$0x3FAE]  }
0x2a: {  	p0 =	seq.s32 s5, $0x0;
	s5 =	sld [smem:$0x3FAF]  }
0x2b: {  	s6 =	sld [smem:$0x3FB0]  }
0x2c: {  	s7 =	sld [smem:$0x3FB1]  }
0x2d: {  	s3 =	simm.s32 $0x108;
	s8 =	sld [smem:$0x3FB2]  }
0x2e: {  	s3 =	simm.s32 @!p0 $0x1082;
	s9 =	sld [smem:$0x3FB3]  }
0x2f: {  	lr =	sadd.s32 s0, s3;
	s0 =	sld [smem:$0x3FAA]  }
0x30: {  	s3 =	sld [smem:$0x3FAD]  }
0x31: {  	[smem:$0x3FB6] =	sst s10  }
0x32: {  	s10 =	sld [smem:$0x3FB4];
	_ =	sdelay $0x3  }
0x33: {  	p0 =	seq.s32 s10, $0x1;
	s10 =	sld [smem:$0x3FB6];
	_ =	sdelay $0x3  }
0x34: {  	[smem:$0x3FB6] =	sst s10  }
0x35: {  	s10 =	sld [smem:$0x3FB5];
	_ =	sdelay $0x3  }
0x36: {  	p1 =	seq.s32 s10, $0x1;
	s10 =	sld [smem:$0x3FB6];
	_ =	sdelay $0x3  }
0x37: {  	[smem:$0x3FB6] =	sst s10  }
0x38: {  	s10 =	sld [smem:$0x3FB7]  }
0x39: {  	_ = 	snop;
	(pc) =	sbr.ind lr, $3  }
0x3a: {  	_ = 	snop  }
0x3b: {  	_ = 	snop  }
0x3c: {  	p2 =	seq.s32 s10, $0x1;
	s10 =	sld [smem:$0x3FB6]  }
0x3d: {  	_ =	shalt  }
0x3e: {  	_ =	shalt  }
0x3f: {  	_ =	shalt  }
0x40: {  	_ =	shalt  }
0x41: {  	_ =	shalt  }
0x42: {  	_ =	shalt  }
0x43: {  	_ =	shalt  }
0x44: {  	_ =	shalt  }
0x45: {  	_ =	shalt  }
0x46: {  	_ =	shalt  }
0x47: {  	_ =	shalt  }
0x48: {  	_ =	shalt  }
0x49: {  	_ =	shalt  }
0x4a: {  	_ =	shalt  }
0x4b: {  	_ =	shalt  }
0x4c: {  	_ =	shalt  }
0x4d: {  	_ =	shalt  }
0x4e: {  	_ =	shalt  }
0x4f: {  	_ =	shalt  }
0x50: {  	_ =	shalt  }
0x51: {  	_ =	shalt  }
0x52: {  	_ =	shalt  }
0x53: {  	_ =	shalt  }
0x54: {  	_ =	shalt  }
0x55: {  	_ =	shalt  }
0x56: {  	_ =	shalt  }
0x57: {  	_ =	shalt  }
0x58: {  	_ =	shalt  }
0x59: {  	_ =	shalt  }
0x5a: {  	_ =	shalt  }
0x5b: {  	_ =	shalt  }
0x5c: {  	_ =	shalt  }
0x5d: {  	_ =	shalt  }
0x5e: {  	_ =	shalt  }
0x5f: {  	_ =	shalt  }
0x60: {  	_ =	shalt  }
0x61: {  	_ =	shalt  }
0x62: {  	_ =	shalt  }
0x63: {  	_ =	shalt  }
0x64: {  	_ =	shalt  }
0x65: {  	_ =	shalt  }
0x66: {  	_ =	shalt  }
0x67: {  	_ =	shalt  }
0x68: {  	_ =	shalt  }
0x69: {  	_ =	shalt  }
0x6a: {  	_ =	shalt  }
0x6b: {  	_ =	shalt  }
0x6c: {  	_ =	shalt  }
0x6d: {  	_ =	shalt  }
0x6e: {  	_ =	shalt  }
0x6f: {  	_ =	shalt  }
0x70: {  	_ =	shalt  }
0x71: {  	_ =	shalt  }
0x72: {  	_ =	shalt  }
0x73: {  	_ =	shalt  }
0x74: {  	_ =	shalt  }
0x75: {  	_ =	shalt  }
0x76: {  	_ =	shalt  }
0x77: {  	_ =	shalt  }
0x78: {  	_ =	shalt  }
0x79: {  	_ =	shalt  }
0x7a: {  	_ =	shalt  }
0x7b: {  	_ =	shalt  }
0x7c: {  	_ =	shalt  }
0x7d: {  	_ =	shalt  }
0x7e: {  	_ =	shalt  }
0x7f: {  	_ =	shalt  }
0x80: {  	_ =	shalt  }
0x81: {  	_ =	shalt  }
0x82: {  	_ =	shalt  }
0x83: {  	_ =	shalt  }
0x84: {  	_ =	shalt  }
0x85: {  	_ =	shalt  }
0x86: {  	_ =	shalt  }
0x87: {  	_ =	shalt  }
.Lfunc_end0:
.L_simem_size_0:
called_computation.2_lowered:
.L_overlay_start_0:
0x88: {  	s2 =	sld [smem:$0x3FD9]  }
0x89: {  	s3 =	sld [smem:$0x3FFE];
	_ =	sdelay $0x1  }
0x8a: {  	s1 =	srdreg.scid  }
0x8b: {  	s0 =	sand.u32 $0x1, s1  }
0x8c: {  	s17 =	sshll.u32 s0, $0xA;
	s2 =	sadd.s32 s3, s2  }
0x8d: {  	s2 =	sadd.s32 s2, s17  }
0x8e: {  	[smem:$0x3FC2] =	sst s2  }
0x8f: {  	_ = 	snop  }
0x90: {  	s2 =	sld [smem:$0x3FD0];
	(tm) =	ssettm $0x1  }
0x91: {  	s18 =	sld [smem:$0x3FFB];
	_ =	sdelay $0x3  }
0x92: {  	_ =	strace s18  }
0x93: {  	s3 =	sld [smem:$0x3FFC];
	_ =	sdelay $0x3  }
0x94: {  	_ =	strace s3  }
0x95: {  	s3 =	sld [smem:$0x3FFD];
	_ =	sdelay $0x3  }
0x96: {  	_ =	strace s3  }
0x97: {  	_ =	strace $0x8FFFFFFF  }
0x98: {  	s19 =	sld [smem:$0x3FDB];
	_ =	sdelay $0x1  }
0x99: {  	s4 =	simm.s32 $_scs_section_size  }
0x9a: {  	s5 =	simm.s32 $_size__tile_overlayer_lowered;
	s6 =	simm.s32 $_tile_overlayer_lowered  }
0x9b: {  	s22 =	simm.s32 $0x1BFF;
	s21 =	sshll.u32 s6, $0x1;
	s3 =	sadd.s32 s4, s19  }
0x9c: {  	s7 =	simm.s32 $0x0;
	s20 =	sshll.u32 s5, $0x1;
	s5 =	sadd.s32 s21, s3  }
0x9d: {  	[timem:s7], [sflag:s22] =	dma.local [hbm:s5], s20  }
0x9e: {  	_ =	swait.ge [sflag:s22], s20  }
0x9f: {  	s4 =	ssub.s32 $0x0, s20;
	[sflag:s22] =	ssyncset.done $0x0  }
0xa0: {  	[sflag:s22] =	ssyncadd.s32 s4;
	_ =	sdelay $0x1  }
0xa1: {  	s23 =	simm.s32 $0x1B8B  }
0xa2: {  	_ =	swait.ge [sflag:s23], $0x1  }
0xa3: {  	[sflag:s23] =	ssyncset.done $0x0  }
0xa4: {  	s25 =	simm.s32 $0x1B8E;
	s24 =	sld [smem:$0x3FFE];
	[sflag:s23] =	ssyncadd.s32 $0xFFFFFFFF  }
0xa5: {  	s26 =	simm.s32 $execute0_lowered;
	[smem:$0x3FD2] =	sst s25  }
0xa6: {  	s5 =	sshll.u32 s26, $0x1;
	_ =	strace $0x8000004C;
	[dreg:$0x1] =	wrdreg $0xFFFFFFFF  }
0xa7: {  	s28 =	simm.s32 $_size_execute0_lowered;
	s3 =	sadd.s32 s3, s5;
	[dreg:$0x0] =	wrdreg $0x0  }
0xa8: {  	s5 =	sshll.u32 s28, $0x1;
	[dreg:$0x2] =	wrdreg s3  }
0xa9: {  	[dreg:$0x3] =	wrdreg s5  }
0xaa: {  	[dreg:$0x4] =	wrdreg $0xC0  }
0xab: {  	_ =	task [dreg:s7], $0x5FFFF  }
0xac: {  	[dreg:$0x1] =	wrdreg $0xFFFFFFFF  }
0xad: {  	[dreg:$0x0] =	wrdreg $0x60  }
0xae: {  	[dreg:$0x2] =	wrdreg s2  }
0xaf: {  	[dreg:$0x3] =	wrdreg s24  }
0xb0: {  	[dreg:$0x4] =	wrdreg $0x0  }
0xb1: {  	[dreg:$0x5] =	wrdreg $0x9  }
0xb2: {  	_ =	task.clear_ibuf [dreg:s7], $0x6FFFF;
	_ =	strace $0x9000004C  }
0xb3: {  	s29 =	simm.s32 $0x9;
	_ =	strace $0x8000004E  }
0xb4: {  	_ =	swait.ge [sflag:s29], $0x1  }
0xb5: {  	[sflag:s29] =	ssyncadd.s32 $0xFFFFFFFF  }
0xb6: {  	_ =	strace $0x9000004E  }
0xb7: {  	_ =	sfence  }
0xb8: {  	s30 =	sld [smem:$0x0];
	_ =	sdelay $0x2  }
0xb9: {  	s31 =	sshll.u32 s1, $0xD;
	s1 =	sshrl.u32 s1, $0x2  }
0xba: {  	s3 =	sand.u32 $0x4000, s31;
	s1 =	sadd.s32 s1, s30  }
0xbb: {  	s0 =	sor.u32 s3, s0;
	s1 =	sshll.u32 s1, $0x11  }
0xbc: {  	s0 =	sor.u32 s1, s0  }
0xbd: {  	s0 =	sadd.s32 $0x8F2B, s0  }
0xbe: {  	[sflag:s0] =	ssyncadd.remote.s32 $0x1  }
0xbf: {  	_ =	sfence.sel $0xFFFF  }
0xc0: {  	[dreg:$0x0] =	wrdreg $0xFFFFFFFF;
	(pc) =	sbr.abs _section_cstart, $3  }
0xc1: {  	[dreg:$0x1] =	wrdreg $0xFFFFFFFF  }
0xc2: {  	_ =	task.clear_ibuf [dreg:s7], $0x2FFFF;
	_ =	strace $0x9FFFFFFF  }
0xc3: {  	(tm) =	ssettm $0x7FFFFFFF  }
tec
execute0_lowered:
.L_overlay_start_1:
0x0: {  	(tag) =	ssettag $0x1  }
0x1: {  	s2 =	rddreg [dreg:$0x0]  }
0x2: {  	s0 =	rddreg [dreg:$0x1]  }
0x3: {  	s3 =	rddreg [dreg:$0x2]  }
0x4: {  	s9 =	stileid.u32;
	s5 =	simm.s32 $0x0;
	s1 =	srdreg.scid  }
0x5: {  	s28 =	simm.s32 $0x80;
	s30 =	simm.s32 $0x1A880;
	s4 =	smul.u32 $0x280, s9  }
0x6: {  	s31 =	simm.s32 $0x2;
	[smem:$0x7FF] =	sst s5;
	s8 =	smul.u32 $0x2B8, s9  }
0x7: {  	s1 =	sand.u32 $0x1, s1;
	s17 =	sadd.s32 $0x2800, s0;
	s13 =	smul.u32 $0x2800, s9  }
0x8: {  	s18 =	smul.u32 $0x138800, s1;
	s6 =	sshll.u32 s1, $0x4;
	_ =	strace $0x8000004D  }
0x9: {  	s7 =	ssub.s32 $0x2, s1;
	s1 =	smul.u32 $0x28000, s1;
	s4 =	smin.u32 s4, $0x2490  }
0xa: {  	s6 =	sor.u32 s9, s6;
	s19 =	sshrl.u32 s7, $0x1;
	s20 =	smin.u32 s8, $0x2810  }
0xb: {  	s4 =	sshll.u32 s4, $0x7;
	s6 =	smul.u32 $0x2800, s6;
	s22 =	sshll.u32 s20, $0x7  }
0xc: {  	s1 =	sadd.s32 s13, s1;
	s5 =	sadd.s32 s18, s4;
	s18 =	sadd.s32 $0xC800, s0  }
0xd: {  	s1 =	sadd.s32 $0x800, s1;
	s29 =	sadd.s32 s4, s3;
	s5 =	sshrl.u32 s5, $0x3  }
0xe: {  	s12 =	sshrl.u32 s6, $0x3;
	s25 =	sshrl.u32 s1, $0x3;
	s1 =	simm.s32 $0x0  }
0xf: {  	s0 =	sadd.s32 s5, s0;
	s5 =	ssub.s32 s7, s19;
	s21 =	sadd.s32 s17, s12  }
0x10: {  	s23 =	sadd.s32 s18, s12;
	s7 =	sadd.s32 s22, s3;
	s14 =	sor.u32 $0x80, s12  }
0x11: {  	s26 =	sadd.s32 s25, s18;
	s19 =	simm.s32 $0x15880;
	[dreg:$0x4] =	wrdreg s21  }
0x12: {  	s22 =	simm.s32 $0x4;
	[dreg:$0x5] =	wrdreg s23;
	s24 =	sadd.s32 $0x4000, s7  }
.Ltmp0:
0x13: {  	s9 =	sadd.s32 $0x8000, s7;
	s10 =	sadd.s32 $0xC000, s7;
	(pc) =	sbr.rel .LBB2_1-.Ltmp0, $4  }
0x14: {  	s11 =	sadd.s32 $0x10000, s7;
	s12 =	sadd.s32 $0x14000, s7;
	s13 =	sadd.s32 s17, s14  }
0x15: {  	s14 =	sadd.s32 s18, s14;
	s15 =	sadd.s32 $0x16800, s0;
	s16 =	smax.u32 s5, $0x1  }
0x16: {  	s21 =	simm.s32 $0x16880;
	s23 =	simm.s32 $0x1;
	s0 =	simm.s32 $0x3  }
0x17: {  	v0 =	vimm.f32 $0.0e+00;
	[dreg:$0x6] =	wrdreg s24;
	s24 =	sadd.s32 s25, s17;
	s25 =	sshrl.u32 s29, $0x3  }
.LBB2_5:
0x18: {  	_ =	swait.ge [sflag:s0], $0x4000  }
0x19: {  	[sflag:s0] =	ssyncset.done $0x0  }
0x1a: {  	s4 =	sadd.s32 $0x16080, s5;
	[sflag:s0] =	ssyncadd.s32 $0xFFFFC000  }
0x1b: {  	[spmem:s3] =	stream.indirect.scatter.add.f32 [tilespmem:s30], [sflag:$0x4], $0x80, s4, s28, $0xb8;
	[tilespmem:$0x1E880] =	vst v63  }
0x1c: {  	_ =	swait.ge [sflag:s22], $0x4000  }
0x1d: {  	[sflag:s22] =	ssyncset.done $0x0  }
0x1e: {  	[sflag:s22] =	ssyncadd.s32 $0xFFFFC000  }
.LBB2_7:
0x1f: {  	s4 =	stileid.u32;
	s1 =	sadd.s32 $0x1, s1  }
0x20: {  	s4 =	sshll.u32 s4, $0x6;
	p0 =	sne.s32 s1, s16  }
.Ltmp1:
0x21: {  	[bflag:$0x0] =	sbarrier.arrive $0xFFFF;
	s4 =	sor.u32 $0x1C04, s4;
	(pc) =	sbr.rel @!p0 .LBB2_8-.Ltmp1, $4  }
0x22: {  	[hbm:s15], [sflag:s4] =	dma.local [spmem:s25], $0x2800  }
0x23: {  	_ =	swait.ge [sflag:s22], $0x2800  }
0x24: {  	[sflag:s22] =	ssyncset.done $0x0  }
0x25: {  	[sflag:s22] =	ssyncadd.s32 $0xFFFFD800  }
.LBB2_1:
0x26: {  	s4 =	simm.s32 $0x0;
	s5 =	rddreg [dreg:$0x4]  }
0x27: {  	[tilespmem:s19], [sflag:$0x1] =	stream.linear.gather [hbm4b:s5+s4], $0x400, $0x38;
	[tilespmem:$0x1E880] =	vst v63  }
0x28: {  	s29 =	rddreg [dreg:$0x5];
	s6 =	simm.s32 $0x16080  }
0x29: {  	[tilespmem:s6], [sflag:$0x1] =	stream.linear.gather [hbm4b:s29+s4], $0x400, $0x38;
	[tilespmem:$0x1E880] =	vst v63  }
0x2a: {  	s17 =	simm.s32 $0x200;
	s4 =	simm.s32 $0x0  }
.LBB2_2:
0x2b: {  	p0 =	sne.s32 s17, $0xFE00;
	[tilespmem:s4+$0x168F0] =	vst v0  }
0x2c: {  	[tilespmem:s4+$0x16880] =	vst v0  }
0x2d: {  	[tilespmem:s4+$0x16890] =	vst v0  }
.Ltmp2:
0x2e: {  	[tilespmem:s4+$0x168A0] =	vst v0;
	(pc) =	sbr.rel @p0 .LBB2_2-.Ltmp2, $4  }
0x2f: {  	[tilespmem:s4+$0x168B0] =	vst v0  }
0x30: {  	[tilespmem:s4+$0x168C0] =	vst v0  }
0x31: {  	[tilespmem:s4+$0x168D0] =	vst v0  }
0x32: {  	[tilespmem:s4+$0x168E0] =	vst v0;
	s4 =	sshra.s32 s17, $0x2;
	s17 =	sadd.s32 $0x200, s17  }
0x33: {  	[tilespmem:s4+$0x168F0] =	vst v0  }
0x34: {  	[tilespmem:s4+$0x16880] =	vst v0  }
0x35: {  	[tilespmem:s4+$0x16890] =	vst v0  }
0x36: {  	[tilespmem:s4+$0x168A0] =	vst v0  }
0x37: {  	[tilespmem:s4+$0x168B0] =	vst v0  }
0x38: {  	[tilespmem:s4+$0x168C0] =	vst v0  }
0x39: {  	[tilespmem:s4+$0x168D0] =	vst v0  }
0x3a: {  	[tilespmem:s4+$0x168E0] =	vst v0  }
0x3b: {  	[spmem:s7] =	stream.linear.scatter [tilespmem:s21], [sflag:$0x4], $0x4000, $0x38;
	[tilespmem:$0x1E880] =	vst v63  }
0x3c: {  	_ =	swait.ge [sflag:s22], $0x4000  }
0x3d: {  	[sflag:s22] =	ssyncset.done $0x0  }
0x3e: {  	s8 =	rddreg [dreg:$0x6];
	[sflag:s22] =	ssyncadd.s32 $0xFFFFC000  }
0x3f: {  	[spmem:s8] =	stream.linear.scatter [tilespmem:s21], [sflag:$0x4], $0x4000, $0x38;
	[tilespmem:$0x1E880] =	vst v63  }
0x40: {  	_ =	swait.ge [sflag:s22], $0x4000  }
0x41: {  	[sflag:s22] =	ssyncset.done $0x0  }
0x42: {  	[sflag:s22] =	ssyncadd.s32 $0xFFFFC000  }
0x43: {  	[spmem:s9] =	stream.linear.scatter [tilespmem:s21], [sflag:$0x4], $0x4000, $0x38;
	[tilespmem:$0x1E880] =	vst v63  }
0x44: {  	_ =	swait.ge [sflag:s22], $0x4000  }
0x45: {  	[sflag:s22] =	ssyncset.done $0x0  }
0x46: {  	[sflag:s22] =	ssyncadd.s32 $0xFFFFC000  }
0x47: {  	[spmem:s10] =	stream.linear.scatter [tilespmem:s21], [sflag:$0x4], $0x4000, $0x38;
	[tilespmem:$0x1E880] =	vst v63  }
0x48: {  	_ =	swait.ge [sflag:s22], $0x4000  }
0x49: {  	[sflag:s22] =	ssyncset.done $0x0  }
0x4a: {  	[sflag:s22] =	ssyncadd.s32 $0xFFFFC000  }
0x4b: {  	[spmem:s11] =	stream.linear.scatter [tilespmem:s21], [sflag:$0x4], $0x4000, $0x38;
	[tilespmem:$0x1E880] =	vst v63  }
0x4c: {  	_ =	swait.ge [sflag:s22], $0x4000  }
0x4d: {  	[sflag:s22] =	ssyncset.done $0x0  }
0x4e: {  	[sflag:s22] =	ssyncadd.s32 $0xFFFFC000  }
0x4f: {  	[spmem:s12] =	stream.linear.scatter [tilespmem:s21], [sflag:$0x4], $0x4000, $0x38;
	[tilespmem:$0x1E880] =	vst v63  }
0x50: {  	_ =	swait.ge [sflag:s22], $0x4000  }
0x51: {  	[sflag:s22] =	ssyncset.done $0x0  }
0x52: {  	[sflag:s22] =	ssyncadd.s32 $0xFFFFC000  }
0x53: {  	_ =	swait.ge [sflag:s23], $0x400  }
0x54: {  	[sflag:s23] =	ssyncset.done $0x0  }
0x55: {  	[sflag:s23] =	ssyncadd.s32 $0xFFFFFC00  }
0x56: {  	_ =	swait.ge [sflag:s23], $0x400  }
0x57: {  	[sflag:s23] =	ssyncset.done $0x0  }
0x58: {  	[sflag:s23] =	ssyncadd.s32 $0xFFFFFC00  }
0x59: {  	s20 =	simm.s32 $0x0;
	s17 =	simm.s32 $0x15C80;
	[bflag:$0x0] =	sbarrier.arrive $0xFFFF  }
0x5a: {  	[tilespmem:s17], [sflag:$0x1] =	stream.linear.gather [hbm4b:s13+s20], $0x400, $0x38;
	[tilespmem:$0x1E880] =	vst v63  }
0x5b: {  	s18 =	simm.s32 $0x16480  }
0x5c: {  	[tilespmem:s18], [sflag:$0x1] =	stream.linear.gather [hbm4b:s14+s20], $0x400, $0x38;
	[tilespmem:$0x1E880] =	vst v63  }
0x5d: {  	_ = 	snop  }
0x5e: {  	[tilespmem:s21], [sflag:$0x2] =	stream.indirect.gather [hbm4b:s2+s28], $0x80, s19, s28, $0xb8;
	[tilespmem:$0x1E880] =	vst v63  }
0x5f: {  	s29 =	simm.s32 $0x15900;
	s17 =	smov.u32 s26;
	s18 =	smov.u32 s24  }
0x60: {  	[tilespmem:s30], [sflag:$0x3] =	stream.indirect.gather [hbm4b:s2+s28], $0x80, s29, s28, $0xb8;
	[tilespmem:$0x1E880] =	vst v63  }
.LBB2_4:
0x61: {  	s4 =	sand.u32 $0x1, s20;
	_ =	swait.ge [sflag:s31], $0x4000  }
0x62: {  	[sflag:s31] =	ssyncset.done $0x0;
	s4 =	sshll.u32 s4, $0xA  }
0x63: {  	[sflag:s31] =	ssyncadd.s32 $0xFFFFC000;
	s29 =	sor.u32 $0x16080, s4  }
0x64: {  	[spmem:s3] =	stream.indirect.scatter.add.f32 [tilespmem:s21], [sflag:$0x4], $0x80, s29, s28, $0xb8;
	[tilespmem:$0x1E880] =	vst v63  }
0x65: {  	_ =	swait.ge [sflag:s22], $0x4000  }
0x66: {  	[sflag:s22] =	ssyncset.done $0x0  }
0x67: {  	s5 =	sor.u32 $0x15980, s4;
	[sflag:s22] =	ssyncadd.s32 $0xFFFFC000  }
0x68: {  	[tilespmem:s21], [sflag:$0x2] =	stream.indirect.gather [hbm4b:s2+s28], $0x80, s5, s28, $0xb8;
	[tilespmem:$0x1E880] =	vst v63  }
0x69: {  	_ =	swait.ge [sflag:s0], $0x4000  }
0x6a: {  	[sflag:s0] =	ssyncset.done $0x0  }
0x6b: {  	s8 =	sor.u32 $0x16100, s4;
	[sflag:s0] =	ssyncadd.s32 $0xFFFFC000  }
0x6c: {  	[spmem:s3] =	stream.indirect.scatter.add.f32 [tilespmem:s30], [sflag:$0x4], $0x80, s8, s28, $0xb8;
	[tilespmem:$0x1E880] =	vst v63  }
0x6d: {  	_ =	swait.ge [sflag:s22], $0x4000  }
0x6e: {  	[sflag:s22] =	ssyncset.done $0x0  }
0x6f: {  	s6 =	sor.u32 $0x15A00, s4;
	[sflag:s22] =	ssyncadd.s32 $0xFFFFC000  }
0x70: {  	[tilespmem:s30], [sflag:$0x3] =	stream.indirect.gather [hbm4b:s2+s28], $0x80, s6, s28, $0xb8;
	[tilespmem:$0x1E880] =	vst v63  }
0x71: {  	_ =	swait.ge [sflag:s31], $0x4000  }
0x72: {  	[sflag:s31] =	ssyncset.done $0x0  }
0x73: {  	s8 =	sor.u32 $0x16180, s4;
	[sflag:s31] =	ssyncadd.s32 $0xFFFFC000  }
0x74: {  	[spmem:s3] =	stream.indirect.scatter.add.f32 [tilespmem:s21], [sflag:$0x4], $0x80, s8, s28, $0xb8;
	[tilespmem:$0x1E880] =	vst v63  }
0x75: {  	_ =	swait.ge [sflag:s22], $0x4000  }
0x76: {  	[sflag:s22] =	ssyncset.done $0x0  }
0x77: {  	s6 =	sor.u32 $0x15A80, s4;
	[sflag:s22] =	ssyncadd.s32 $0xFFFFC000  }
0x78: {  	[tilespmem:s21], [sflag:$0x2] =	stream.indirect.gather [hbm4b:s2+s28], $0x80, s6, s28, $0xb8;
	[tilespmem:$0x1E880] =	vst v63  }
0x79: {  	_ =	swait.ge [sflag:s0], $0x4000  }
0x7a: {  	[sflag:s0] =	ssyncset.done $0x0  }
0x7b: {  	s8 =	sor.u32 $0x16200, s4;
	[sflag:s0] =	ssyncadd.s32 $0xFFFFC000  }
0x7c: {  	[spmem:s3] =	stream.indirect.scatter.add.f32 [tilespmem:s30], [sflag:$0x4], $0x80, s8, s28, $0xb8;
	[tilespmem:$0x1E880] =	vst v63  }
0x7d: {  	_ =	swait.ge [sflag:s22], $0x4000  }
0x7e: {  	[sflag:s22] =	ssyncset.done $0x0  }
0x7f: {  	s6 =	sor.u32 $0x15B00, s4;
	[sflag:s22] =	ssyncadd.s32 $0xFFFFC000  }
0x80: {  	[tilespmem:s30], [sflag:$0x3] =	stream.indirect.gather [hbm4b:s2+s28], $0x80, s6, s28, $0xb8;
	[tilespmem:$0x1E880] =	vst v63  }
0x81: {  	_ =	swait.ge [sflag:s31], $0x4000  }
0x82: {  	[sflag:s31] =	ssyncset.done $0x0  }
0x83: {  	s8 =	sor.u32 $0x16280, s4;
	[sflag:s31] =	ssyncadd.s32 $0xFFFFC000  }
0x84: {  	[spmem:s3] =	stream.indirect.scatter.add.f32 [tilespmem:s21], [sflag:$0x4], $0x80, s8, s28, $0xb8;
	[tilespmem:$0x1E880] =	vst v63  }
0x85: {  	_ =	swait.ge [sflag:s22], $0x4000  }
0x86: {  	[sflag:s22] =	ssyncset.done $0x0  }
0x87: {  	s6 =	sor.u32 $0x15B80, s4;
	[sflag:s22] =	ssyncadd.s32 $0xFFFFC000  }
0x88: {  	[tilespmem:s21], [sflag:$0x2] =	stream.indirect.gather [hbm4b:s2+s28], $0x80, s6, s28, $0xb8;
	[tilespmem:$0x1E880] =	vst v63  }
0x89: {  	_ =	swait.ge [sflag:s0], $0x4000  }
0x8a: {  	[sflag:s0] =	ssyncset.done $0x0  }
0x8b: {  	s8 =	sor.u32 $0x16300, s4;
	[sflag:s0] =	ssyncadd.s32 $0xFFFFC000  }
0x8c: {  	[spmem:s3] =	stream.indirect.scatter.add.f32 [tilespmem:s30], [sflag:$0x4], $0x80, s8, s28, $0xb8;
	[tilespmem:$0x1E880] =	vst v63  }
0x8d: {  	_ =	swait.ge [sflag:s22], $0x4000  }
0x8e: {  	[sflag:s22] =	ssyncset.done $0x0  }
0x8f: {  	s6 =	sadd.s32 $0x15C00, s4;
	[sflag:s22] =	ssyncadd.s32 $0xFFFFC000  }
0x90: {  	[tilespmem:s30], [sflag:$0x3] =	stream.indirect.gather [hbm4b:s2+s28], $0x80, s6, s28, $0xb8;
	[tilespmem:$0x1E880] =	vst v63  }
0x91: {  	_ =	swait.ge [sflag:s31], $0x4000  }
0x92: {  	p0 =	sne.s32 s20, $0x9;
	[sflag:s31] =	ssyncset.done $0x0  }
.Ltmp3:
0x93: {  	s8 =	sor.u32 $0x16380, s4;
	[sflag:s31] =	ssyncadd.s32 $0xFFFFC000;
	(pc) =	sbr.rel @!p0 .LBB2_5-.Ltmp3, $4  }
0x94: {  	[spmem:s3] =	stream.indirect.scatter.add.f32 [tilespmem:s21], [sflag:$0x4], $0x80, s8, s28, $0xb8;
	[tilespmem:$0x1E880] =	vst v63  }
0x95: {  	_ =	swait.ge [sflag:s22], $0x4000  }
0x96: {  	[sflag:s22] =	ssyncset.done $0x0  }
0x97: {  	s5 =	sor.u32 $0x380, s4;
	[sflag:s22] =	ssyncadd.s32 $0xFFFFC000  }
0x98: {  	_ =	swait.ge [sflag:s23], $0x400  }
0x99: {  	[sflag:s23] =	ssyncset.done $0x0  }
0x9a: {  	[sflag:s23] =	ssyncadd.s32 $0xFFFFFC00  }
0x9b: {  	_ =	swait.ge [sflag:s23], $0x400  }
0x9c: {  	s6 =	sxor.u32 $0x400, s4;
	[sflag:s23] =	ssyncset.done $0x0  }
0x9d: {  	s8 =	sor.u32 $0x15880, s6;
	[sflag:s23] =	ssyncadd.s32 $0xFFFFFC00  }
0x9e: {  	[tilespmem:s21], [sflag:$0x2] =	stream.indirect.gather [hbm4b:s2+s28], $0x80, s8, s28, $0xb8;
	[tilespmem:$0x1E880] =	vst v63  }
0x9f: {  	_ =	swait.ge [sflag:s0], $0x4000  }
0xa0: {  	[sflag:s0] =	ssyncset.done $0x0  }
0xa1: {  	s5 =	sadd.s32 $0x16080, s5;
	[sflag:s0] =	ssyncadd.s32 $0xFFFFC000  }
0xa2: {  	[spmem:s3] =	stream.indirect.scatter.add.f32 [tilespmem:s30], [sflag:$0x4], $0x80, s5, s28, $0xb8;
	[tilespmem:$0x1E880] =	vst v63  }
0xa3: {  	_ =	swait.ge [sflag:s22], $0x4000  }
0xa4: {  	[sflag:s22] =	ssyncset.done $0x0  }
0xa5: {  	p0 =	sgt.u32 s20, $0x7;
	s8 =	sor.u32 $0x15900, s6;
	[sflag:s22] =	ssyncadd.s32 $0xFFFFC000  }
0xa6: {  	[tilespmem:s30], [sflag:$0x3] =	stream.indirect.gather [hbm4b:s2+s28], $0x80, s8, s28, $0xb8;
	[tilespmem:$0x1E880] =	vst v63  }
0xa7: {  	s4 =	sadd.s32 @!p0 $0x15880, s4;
	s5 =	simm.s32 @!p0 $0x0  }
0xa8: {  	[tilespmem:s4], [sflag:$0x1] =	stream.linear.gather @!p0 [hbm4b:s18+s5], $0x400, $0x38;
	[tilespmem:$0x1E880] =	vst v63  }
0xa9: {  	s20 =	sadd.s32 $0x1, s20  }
0xaa: {  	[tilespmem:s29], [sflag:$0x1] =	stream.linear.gather @!p0 [hbm4b:s17+s5], $0x400, $0x38;
	[tilespmem:$0x1E880] =	vst v63  }
0xab: {  	p0 =	sne.s32 s20, $0xA  }
.Ltmp4:
0xac: {  	_ = 	snop;
	(pc) =	sbr.rel @p0 .LBB2_4-.Ltmp4, $4  }
.Ltmp5:
0xad: {  	_ = 	snop;
	(pc) =	sbr.rel @!p0 .LBB2_7-.Ltmp5, $4  }
0xae: {  	_ = 	snop  }
0xaf: {  	_ = 	snop  }
0xb0: {  	s18 =	sadd.s32 $0x80, s18;
	s17 =	sadd.s32 $0x80, s17  }
0xb1: {  	_ = 	snop  }
.LBB2_8:
0xb2: {  	_ =	sfence.sel $0x180000  }
0xb3: {  	[bflag:$0x0] =	sbarrier.arrive $0xFFFF  }
0xb4: {  	_ =	strace $0x9000004D  }
0xb5: {  	s0 =	stileid.u32;
	[bflag:$0x2] =	sbarrier.arrive $0xFFFF  }
0xb6: {  	p0 =	sne.s32 s0, $0x0;
	s0 =	rddreg [dreg:$0x3]  }
0xb7: {  	s0 =	sadd.s32 @!p0 $0x100000, s0  }
0xb8: {  	[sflag:s0] =	ssyncadd.tile.s32 @!p0 $0x1;
	_ =	shalt  }
.Lfunc_end2:
_tile_overlayer_lowered:
.L_overlay_start_2:
0xb9: {  	(tag) =	ssettag $0x2  }
0xba: {  	s0 =	rddreg [dreg:$0x0];
	s2 =	stileid.u32  }
0xbb: {  	s1 =	rddreg [dreg:$0x1];
	p0 =	sne.s32 s2, $0x0  }
0xbc: {  	s3 =	rddreg [dreg:$0x2];
	[bflag:$0x3] =	sbarrier.arrive $0xFFFF;
	s2 =	simm.s32 @!p0 $0x1C04  }
0xbd: {  	[timem:s3], [sflag:s2] =	dma.local @!p0 [hbm:s0], s1  }
0xbe: {  	s0 =	simm.s32 @!p0 $0x4  }
0xbf: {  	_ =	swait.ge @!p0 [sflag:s0], s1  }
0xc0: {  	s1 =	ssub.s32 @!p0 $0x0, s1;
	[sflag:s0] =	ssyncset.done @!p0 $0x0  }
0xc1: {  	[sflag:s0] =	ssyncadd.s32 @!p0 s1  }
0xc2: {  	[bflag:$0x3] =	sbarrier.arrive $0xFFFF  }
0xc3: {  	_ =	shalt  }

// kernel: kernel.8.cloned.1.call-start
scs
__scs_entry_jumppad:
0x0: {  	(pc) =	sbr.rel $0x88, $3  }
0x1: {  	(tag) =	ssettag $0x0;
	lr =	simm.s32 $0x1  }
0x2: {  	[smem:$0x3F9B] =	sst lr;
	_ =	strace $0xD0000000  }
0x3: {  	_ = 	snop  }
0x4: {  	_ = 	snop  }
0x5: {  	_ = 	snop  }
0x6: {  	_ = 	snop  }
0x7: {  	_ = 	snop  }
__scs_overlays_trampoline_lowered:
0x8: {  	[smem:$0x3FAA] =	sst s0  }
0x9: {  	[smem:$0x3FAB] =	sst s1  }
0xa: {  	[smem:$0x3FAC] =	sst s2  }
0xb: {  	[smem:$0x3FAD] =	sst s3  }
0xc: {  	[smem:$0x3FAE] =	sst s4  }
0xd: {  	[smem:$0x3FAF] =	sst s5  }
0xe: {  	[smem:$0x3FB0] =	sst s6  }
0xf: {  	[smem:$0x3FB1] =	sst s7  }
0x10: {  	[smem:$0x3FB2] =	sst s8  }
0x11: {  	[smem:$0x3FB3] =	sst s9;
	s0 =	simm.s32 @!p0 $0x0  }
0x12: {  	s1 =	sld [smem:$0x3F99];
	s0 =	simm.s32 @p0 $0x1  }
0x13: {  	[smem:$0x3FB4] =	sst s0;
	s0 =	simm.s32 @!p1 $0x0  }
0x14: {  	s2 =	sld [smem:$0x3F98];
	s0 =	simm.s32 @p1 $0x1  }
0x15: {  	[smem:$0x3FB5] =	sst s0;
	s0 =	simm.s32 @!p2 $0x0  }
0x16: {  	s3 =	sld [smem:$0x3FDB];
	s0 =	simm.s32 @p2 $0x1  }
0x17: {  	s4 =	simm.s32 $0x1BF5;
	[smem:$0x3FB7] =	sst s0  }
0x18: {  	s0 =	sld [smem:$0x3F9A];
	_ =	swait.ge [sflag:s4], $0x0  }
0x19: {  	s7 =	sld [smem:$0x3F9B]  }
0x1a: {  	s8 =	sadd.s32 $0xFFFFE003, lr  }
0x1b: {  	s9 =	sadd.s32 $0xFFFFFEF7, lr;
	s5 =	simm.s32 $0xFFFFFFFF;
	p2 =	slt.u32 s8, $0xFFFFF086  }
0x1c: {  	p1 =	slt.u32 s9, $0xF7A;
	s5 =	simm.s32 @!p2 $0x0  }
0x1d: {  	s5 =	simm.s32 @p1 $0x1;
	p0 =	seq.s32 s7, s2  }
0x1e: {  	s7 =	smul.u32 @!p0 $0xF7A, s2;
	p2 =	seq.s32 @!p0 s5, $0x0  }
0x1f: {  	s9 =	smul.u32 $0xF7A, s1;
	s8 =	simm.s32 @!p0 $0x1BF5;
	p2 =	por !p2, p0  }
0x20: {  	[sflag:s8] =	ssyncset.s32 @!p0 $0xFFFFF086;
	s6 =	sadd.s32 @!p0 s3, s7;
	s7 =	simm.s32 @!p0 $0x108  }
0x21: {  	s3 =	sadd.s32 s3, s9;
	s6 =	sadd.s32 @!p0 $0x88, s6;
	s7 =	simm.s32 @p2 $0x1082  }
0x22: {  	[simem:s7], [sflag:s8] =	dma.local @!p0 [hbm:s6], $0xF7A  }
0x23: {  	s9 =	sor.u32 $0xD0000000, s2;
	s6 =	simm.s32 $0x108;
	_ =	swait.ge @!p0 [sflag:s8], $0x0  }
0x24: {  	s3 =	sadd.s32 $0x88, s3;
	s6 =	simm.s32 @!p1 $0x1082;
	[sflag:s4] =	ssyncset.s32 $0xFFFFF086  }
0x25: {  	[simem:s6], [sflag:s4] =	dma.local [hbm:s3], $0xF7A  }
0x26: {  	[smem:$0x3F9B] =	sst s1;
	(tag) =	ssettag s2;
	_ =	strace s9  }
0x27: {  	s1 =	sld [smem:$0x3FAB]  }
0x28: {  	s2 =	sld [smem:$0x3FAC]  }
0x29: {  	s4 =	sld [smem:$0x3FAE]  }
0x2a: {  	p0 =	seq.s32 s5, $0x0;
	s5 =	sld [smem:$0x3FAF]  }
0x2b: {  	s6 =	sld [smem:$0x3FB0]  }
0x2c: {  	s7 =	sld [smem:$0x3FB1]  }
0x2d: {  	s3 =	simm.s32 $0x108;
	s8 =	sld [smem:$0x3FB2]  }
0x2e: {  	s3 =	simm.s32 @!p0 $0x1082;
	s9 =	sld [smem:$0x3FB3]  }
0x2f: {  	lr =	sadd.s32 s0, s3;
	s0 =	sld [smem:$0x3FAA]  }
0x30: {  	s3 =	sld [smem:$0x3FAD]  }
0x31: {  	[smem:$0x3FB6] =	sst s10  }
0x32: {  	s10 =	sld [smem:$0x3FB4];
	_ =	sdelay $0x3  }
0x33: {  	p0 =	seq.s32 s10, $0x1;
	s10 =	sld [smem:$0x3FB6];
	_ =	sdelay $0x3  }
0x34: {  	[smem:$0x3FB6] =	sst s10  }
0x35: {  	s10 =	sld [smem:$0x3FB5];
	_ =	sdelay $0x3  }
0x36: {  	p1 =	seq.s32 s10, $0x1;
	s10 =	sld [smem:$0x3FB6];
	_ =	sdelay $0x3  }
0x37: {  	[smem:$0x3FB6] =	sst s10  }
0x38: {  	s10 =	sld [smem:$0x3FB7]  }
0x39: {  	_ = 	snop;
	(pc) =	sbr.ind lr, $3  }
0x3a: {  	_ = 	snop  }
0x3b: {  	_ = 	snop  }
0x3c: {  	p2 =	seq.s32 s10, $0x1;
	s10 =	sld [smem:$0x3FB6]  }
0x3d: {  	_ =	shalt  }
0x3e: {  	_ =	shalt  }
0x3f: {  	_ =	shalt  }
0x40: {  	_ =	shalt  }
0x41: {  	_ =	shalt  }
0x42: {  	_ =	shalt  }
0x43: {  	_ =	shalt  }
0x44: {  	_ =	shalt  }
0x45: {  	_ =	shalt  }
0x46: {  	_ =	shalt  }
0x47: {  	_ =	shalt  }
0x48: {  	_ =	shalt  }
0x49: {  	_ =	shalt  }
0x4a: {  	_ =	shalt  }
0x4b: {  	_ =	shalt  }
0x4c: {  	_ =	shalt  }
0x4d: {  	_ =	shalt  }
0x4e: {  	_ =	shalt  }
0x4f: {  	_ =	shalt  }
0x50: {  	_ =	shalt  }
0x51: {  	_ =	shalt  }
0x52: {  	_ =	shalt  }
0x53: {  	_ =	shalt  }
0x54: {  	_ =	shalt  }
0x55: {  	_ =	shalt  }
0x56: {  	_ =	shalt  }
0x57: {  	_ =	shalt  }
0x58: {  	_ =	shalt  }
0x59: {  	_ =	shalt  }
0x5a: {  	_ =	shalt  }
0x5b: {  	_ =	shalt  }
0x5c: {  	_ =	shalt  }
0x5d: {  	_ =	shalt  }
0x5e: {  	_ =	shalt  }
0x5f: {  	_ =	shalt  }
0x60: {  	_ =	shalt  }
0x61: {  	_ =	shalt  }
0x62: {  	_ =	shalt  }
0x63: {  	_ =	shalt  }
0x64: {  	_ =	shalt  }
0x65: {  	_ =	shalt  }
0x66: {  	_ =	shalt  }
0x67: {  	_ =	shalt  }
0x68: {  	_ =	shalt  }
0x69: {  	_ =	shalt  }
0x6a: {  	_ =	shalt  }
0x6b: {  	_ =	shalt  }
0x6c: {  	_ =	shalt  }
0x6d: {  	_ =	shalt  }
0x6e: {  	_ =	shalt  }
0x6f: {  	_ =	shalt  }
0x70: {  	_ =	shalt  }
0x71: {  	_ =	shalt  }
0x72: {  	_ =	shalt  }
0x73: {  	_ =	shalt  }
0x74: {  	_ =	shalt  }
0x75: {  	_ =	shalt  }
0x76: {  	_ =	shalt  }
0x77: {  	_ =	shalt  }
0x78: {  	_ =	shalt  }
0x79: {  	_ =	shalt  }
0x7a: {  	_ =	shalt  }
0x7b: {  	_ =	shalt  }
0x7c: {  	_ =	shalt  }
0x7d: {  	_ =	shalt  }
0x7e: {  	_ =	shalt  }
0x7f: {  	_ =	shalt  }
0x80: {  	_ =	shalt  }
0x81: {  	_ =	shalt  }
0x82: {  	_ =	shalt  }
0x83: {  	_ =	shalt  }
0x84: {  	_ =	shalt  }
0x85: {  	_ =	shalt  }
0x86: {  	_ =	shalt  }
0x87: {  	_ =	shalt  }
.Lfunc_end0:
.L_simem_size_0:
called_computation_lowered:
.L_overlay_start_0:
0x88: {  	s2 =	sld [smem:$0x3FD9]  }
0x89: {  	s3 =	sld [smem:$0x3FFE];
	_ =	sdelay $0x1  }
0x8a: {  	s1 =	srdreg.scid  }
0x8b: {  	s0 =	sand.u32 $0x1, s1  }
0x8c: {  	s17 =	sshll.u32 s0, $0xA;
	s2 =	sadd.s32 s3, s2  }
0x8d: {  	s2 =	sadd.s32 s2, s17  }
0x8e: {  	[smem:$0x3FC2] =	sst s2  }
0x8f: {  	_ = 	snop  }
0x90: {  	s2 =	sld [smem:$0x3FC8]  }
0x91: {  	s18 =	sld [smem:$0x3FD0];
	(tm) =	ssettm $0x1  }
0x92: {  	s4 =	sld [smem:$0x3FFB];
	_ =	sdelay $0x3  }
0x93: {  	_ =	strace s4  }
0x94: {  	s4 =	sld [smem:$0x3FFC];
	_ =	sdelay $0x3  }
0x95: {  	_ =	strace s4  }
0x96: {  	s4 =	sld [smem:$0x3FFD];
	_ =	sdelay $0x3  }
0x97: {  	_ =	strace s4  }
0x98: {  	_ =	strace $0x8FFFFFFF  }
0x99: {  	s19 =	sld [smem:$0x3FDB];
	_ =	sdelay $0x1  }
0x9a: {  	s5 =	simm.s32 $_scs_section_size  }
0x9b: {  	s6 =	simm.s32 $_size__tile_overlayer_lowered;
	s7 =	simm.s32 $_tile_overlayer_lowered  }
0x9c: {  	s22 =	simm.s32 $0x1BFF;
	s21 =	sshll.u32 s7, $0x1;
	s4 =	sadd.s32 s5, s19  }
0x9d: {  	s8 =	simm.s32 $0x0;
	s20 =	sshll.u32 s6, $0x1;
	s6 =	sadd.s32 s21, s4  }
0x9e: {  	[timem:s8], [sflag:s22] =	dma.local [hbm:s6], s20  }
0x9f: {  	_ =	swait.ge [sflag:s22], s20  }
0xa0: {  	s5 =	ssub.s32 $0x0, s20;
	[sflag:s22] =	ssyncset.done $0x0  }
0xa1: {  	[sflag:s22] =	ssyncadd.s32 s5;
	_ =	sdelay $0x1  }
0xa2: {  	s23 =	simm.s32 $0x1B8B  }
0xa3: {  	_ =	swait.ge [sflag:s23], $0x1  }
0xa4: {  	[sflag:s23] =	ssyncset.done $0x0  }
0xa5: {  	s25 =	simm.s32 $0x1B8E;
	s24 =	sld [smem:$0x3FFE];
	[sflag:s23] =	ssyncadd.s32 $0xFFFFFFFF  }
0xa6: {  	s26 =	simm.s32 $execute0_lowered;
	[smem:$0x3FD2] =	sst s25  }
0xa7: {  	s6 =	sshll.u32 s26, $0x1;
	_ =	strace $0x80000046;
	[dreg:$0x1] =	wrdreg $0xFFFFFFFF  }
0xa8: {  	s28 =	simm.s32 $_size_execute0_lowered;
	s4 =	sadd.s32 s4, s6;
	[dreg:$0x0] =	wrdreg $0x0  }
0xa9: {  	s6 =	sshll.u32 s28, $0x1;
	[dreg:$0x2] =	wrdreg s4  }
0xaa: {  	[dreg:$0x3] =	wrdreg s6  }
0xab: {  	[dreg:$0x4] =	wrdreg $0xC0  }
0xac: {  	_ =	task [dreg:s8], $0x5FFFF  }
0xad: {  	[dreg:$0x1] =	wrdreg $0xFFFFFFFF  }
0xae: {  	[dreg:$0x0] =	wrdreg $0x60  }
0xaf: {  	[dreg:$0x2] =	wrdreg s2  }
0xb0: {  	[dreg:$0x3] =	wrdreg s18  }
0xb1: {  	[dreg:$0x4] =	wrdreg s24  }
0xb2: {  	[dreg:$0x5] =	wrdreg $0x0  }
0xb3: {  	[dreg:$0x6] =	wrdreg $0x9  }
0xb4: {  	_ =	task.clear_ibuf [dreg:s8], $0x7FFFF;
	_ =	strace $0x90000046  }
0xb5: {  	s29 =	simm.s32 $0x9;
	_ =	strace $0x80000048  }
0xb6: {  	_ =	swait.ge [sflag:s29], $0x1  }
0xb7: {  	[sflag:s29] =	ssyncadd.s32 $0xFFFFFFFF  }
0xb8: {  	_ =	strace $0x90000048  }
0xb9: {  	_ =	sfence  }
0xba: {  	s30 =	sld [smem:$0x0];
	_ =	sdelay $0x2  }
0xbb: {  	s31 =	sshll.u32 s1, $0xD;
	s1 =	sshrl.u32 s1, $0x2  }
0xbc: {  	s3 =	sand.u32 $0x4000, s31;
	s1 =	sadd.s32 s1, s30  }
0xbd: {  	s0 =	sor.u32 s3, s0;
	s1 =	sshll.u32 s1, $0x11  }
0xbe: {  	s0 =	sor.u32 s1, s0  }
0xbf: {  	s0 =	sadd.s32 $0x8F2B, s0  }
0xc0: {  	[sflag:s0] =	ssyncadd.remote.s32 $0x1  }
0xc1: {  	_ =	sfence.sel $0xFFFF  }
0xc2: {  	[dreg:$0x0] =	wrdreg $0xFFFFFFFF;
	(pc) =	sbr.abs _section_cstart, $3  }
0xc3: {  	[dreg:$0x1] =	wrdreg $0xFFFFFFFF  }
0xc4: {  	_ =	task.clear_ibuf [dreg:s8], $0x2FFFF;
	_ =	strace $0x9FFFFFFF  }
0xc5: {  	(tm) =	ssettm $0x7FFFFFFF  }
tec
execute0_lowered:
.L_overlay_start_1:
0x0: {  	(tag) =	ssettag $0x1  }
0x1: {  	s0 =	rddreg [dreg:$0x0]  }
0x2: {  	s1 =	rddreg [dreg:$0x1]  }
0x3: {  	s2 =	srdreg.scid;
	s10 =	rddreg [dreg:$0x2]  }
0x4: {  	s12 =	rddreg [dreg:$0x3];
	s15 =	stileid.u32;
	s19 =	simm.s32 $0x7800  }
0x5: {  	s20 =	simm.s32 $0x1;
	s22 =	simm.s32 $0x80;
	s23 =	simm.s32 $0x400  }
0x6: {  	s28 =	simm.s32 $0x100;
	s29 =	simm.s32 $0x13600;
	s30 =	simm.s32 $0x0  }
0x7: {  	s9 =	sand.u32 $0x1, s2;
	s2 =	simm.s32 $0x0;
	s24 =	sshrl.u32 s15, $0x3  }
0x8: {  	s11 =	smul.u32 $0x5000, s15;
	s8 =	sadd.s32 $0x16300, s10;
	s26 =	sadd.s32 $0xC440, s10  }
0x9: {  	s14 =	sshll.u32 s15, $0x7;
	s3 =	sshll.u32 s9, $0x4;
	s25 =	smul.u32 $0x50000, s24  }
0xa: {  	[smem:$0x7FF] =	sst s2;
	s4 =	ssub.s32 $0x2, s9;
	s13 =	smul.u32 $0x5000, s9  }
0xb: {  	s14 =	sand.u32 $0x380, s14;
	s24 =	simm.s32 $0x1400;
	s18 =	sor.u32 s15, s3  }
0xc: {  	_ =	strace $0x80000047;
	s5 =	sshrl.u32 s4, $0x1;
	s15 =	smul.u32 $0x500, s15  }
0xd: {  	[dreg:$0x5] =	wrdreg s26;
	s16 =	sshrl.u32 s11, $0x2;
	s3 =	smul.u32 $0x500, s18  }
0xe: {  	s26 =	simm.s32 $0x10E00;
	s6 =	smul.u32 $0xA00, s18;
	s17 =	ssub.s32 s4, s5  }
0xf: {  	s4 =	sadd.s32 $0x13600, s0;
	p0 =	seq.s32 s18, $0x1F;
	s18 =	simm.s32 $0x5000  }
0x10: {  	s13 =	sadd.s32 s15, s13;
	s17 =	smax.u32 s17, $0x1;
	s7 =	sadd.s32 s3, s10  }
0x11: {  	s3 =	sadd.s32 s0, s6;
	s0 =	sshrl.u32 s25, $0x2;
	s31 =	sshrl.u32 s13, $0x3  }
0x12: {  	s25 =	simm.s32 $0x14000;
	s5 =	sadd.s32 $0x2800, s7;
	s6 =	sadd.s32 $0xC800, s7  }
0x13: {  	s7 =	sadd.s32 $0xC300, s10;
	s10 =	sadd.s32 $0x16440, s10;
	s0 =	sadd.s32 s0, s12  }
0x14: {  	s12 =	sadd.s32 s16, s12;
	s11 =	sadd.s32 s14, s0;
	s14 =	sadd.s32 s1, s31  }
0x15: {  	v0 =	vimm.f32 $0.0e+00;
	v1 =	vimm.f32 $1.000000000e+00;
	v2 =	vlaneseq.u32;
	s15 =	sadd.s32 $0x28000, s12;
	s13 =	sadd.s32 $0x28000, s11;
	s16 =	sadd.s32 $0x10, s14  }
.LBB2_1:
0x16: {  	s0 =	simm.s32 $0x40;
	s1 =	simm.s32 $0x0  }
.LBB2_2:
0x17: {  	p1 =	sne.s32 s0, $0x9FC0;
	[tilespmem:s1+$0x5000] =	vst v0;
	s21 =	smov.u32 s0;
	s0 =	sadd.s32 $0x40, s0  }
.Ltmp0:
0x18: {  	[tilespmem:s1+$0x7800] =	vst v0;
	(pc) =	sbr.rel @p1 .LBB2_2-.Ltmp0, $2  }
0x19: {  	_ =	sdelay $0x2  }
0x1a: {  	s1 =	sshra.s32 s21, $0x2  }
0x1b: {  	[tilespmem:s1+$0x5000] =	vst v0  }
0x1c: {  	[tilespmem:s1+$0x7800] =	vst v0;
	s0 =	simm.s32 @p0 $0x0;
	s1 =	simm.s32 @p0 $0xA000  }
0x1d: {  	[tilespmem:s1], [sflag:$0x1] =	stream.linear.gather @p0 [hbm4b:s4+s0], $0x1400, $0x38;
	[tilespmem:$0x13880] =	vst v63  }
0x1e: {  	s0 =	simm.s32 @p0 $0x1  }
0x1f: {  	_ =	swait.ge @p0 [sflag:s0], $0x1400  }
0x20: {  	[sflag:s0] =	ssyncset.done @p0 $0x0  }
0x21: {  	s1 =	simm.s32 @!p0 $0xA000;
	[sflag:s0] =	ssyncadd.s32 @p0 $0xFFFFEC00;
	s0 =	simm.s32 @!p0 $0x0  }
0x22: {  	[tilespmem:s1], [sflag:$0x1] =	stream.linear.gather @!p0 [hbm4b:s3+s0], $0x5000, $0x38;
	[tilespmem:$0x13880] =	vst v63  }
0x23: {  	s0 =	simm.s32 @!p0 $0x1  }
0x24: {  	s31 =	simm.s32 $0x0;
	_ =	swait.ge @!p0 [sflag:s0], $0x5000  }
0x25: {  	s21 =	sand.u32 $0x70, s31;
	s1 =	sand.u32 $0xFFFFFF00, s31;
	[sflag:s0] =	ssyncset.done @!p0 $0x0  }
0x26: {  	s21 =	sor.u32 s21, s1;
	[sflag:s0] =	ssyncadd.s32 @!p0 $0xFFFFB000  }
0x27: {  	v3 =	vld [tilespmem:s21+$0xA000];
	_ =	sdelay $0x6  }
0x28: {  	s0 =	simm.s32 @!p0 $0x280  }
0x29: {  	s0 =	simm.s32 @p0 $0xA0;
	[tilespmem:v3+s18+$0x0] =	vst.idx.add.f32.msk $0xffff, v1  }
0x2a: {  	s0 =	sshll.u32 s0, $0x4;
	v3 =	vld [tilespmem:s21+$0xA080]  }
0x2b: {  	p1 =	sne.s32 s0, $0x10  }
.Ltmp1:
0x2c: {  	_ = 	snop;
	(pc) =	sbr.rel @!p1 .LBB2_5-.Ltmp1, $2  }
0x2d: {  	_ =	sdelay $0x2  }
0x2e: {  	s1 =	simm.s32 $0x10;
	s21 =	simm.s32 $0x20  }
.LBB2_4:
0x2f: {  	s31 =	sand.u32 $0x70, s1;
	s9 =	sand.u32 $0xFFFFFF00, s21;
	s1 =	sadd.s32 $0x10, s1  }
0x30: {  	s9 =	sor.u32 s31, s9;
	p1 =	sne.s32 s0, s1;
	[tilespmem:v3+s19+$0x0] =	vst.idx.add.f32.msk $0xffff, v1  }
0x31: {  	v3 =	vld [tilespmem:s9+$0xA000];
	_ =	sdelay $0x7  }
0x32: {  	[tilespmem:v3+s18+$0x0] =	vst.idx.add.f32.msk $0xffff, v1  }
0x33: {  	v3 =	vld [tilespmem:s9+$0xA080];
	_ =	sdelay $0x1  }
.Ltmp2:
0x34: {  	(pc) =	sbr.rel @p1 .LBB2_4-.Ltmp2, $2  }
0x35: {  	_ =	sdelay $0x2  }
0x36: {  	s21 =	sadd.s32 $0x20, s21  }
.LBB2_5:
.Ltmp3:
0x37: {  	_ = 	snop;
	(pc) =	sbr.rel @!p0 .LBB2_6-.Ltmp3, $2  }
0x38: {  	_ =	sdelay $0x2  }
0x39: {  	[tilespmem:v3+s19+$0x0] =	vst.idx.add.f32.msk $0xffff, v1;
	s0 =	simm.s32 $0xA000;
	s1 =	simm.s32 $0x10  }
0x3a: {  	s31 =	sadd.s32 $0x0, s7;
	s21 =	simm.s32 $0xA100  }
.LBB2_12:
0x3b: {  	[hbm4b:s31+s2] =	stream.linear.scatter [tilespmem:s0], [sflag:$0x1], $0x80, $0x38;
	[tilespmem:$0x13880] =	vst v63  }
0x3c: {  	s9 =	smov.u32 s1;
	s0 =	smov.u32 s21;
	p1 =	sne.s32 s1, $0x130  }
.Ltmp4:
0x3d: {  	s1 =	sadd.s32 $0x10, s1;
	(pc) =	sbr.rel @p1 .LBB2_12-.Ltmp4, $2  }
0x3e: {  	_ =	sdelay $0x2  }
0x3f: {  	s21 =	sadd.s32 $0x100, s21;
	s31 =	sadd.s32 s9, s7  }
0x40: {  	[hbm4b:s31+s2] =	stream.linear.scatter [tilespmem:s0], [sflag:$0x1], $0x80, $0x38;
	[tilespmem:$0x13880] =	vst v63  }
0x41: {  	_ =	swait.ge [sflag:s20], $0xA00  }
0x42: {  	s0 =	simm.s32 $0xA080;
	s1 =	simm.s32 $0x10;
	[sflag:s20] =	ssyncset.done $0x0  }
0x43: {  	s31 =	sadd.s32 $0x0, s8;
	s21 =	simm.s32 $0xA180;
	[sflag:s20] =	ssyncadd.s32 $0xFFFFF600  }
.LBB2_14:
0x44: {  	[hbm4b:s31+s2] =	stream.linear.scatter [tilespmem:s0], [sflag:$0x1], $0x80, $0x38;
	[tilespmem:$0x13880] =	vst v63  }
0x45: {  	s9 =	smov.u32 s1;
	s0 =	smov.u32 s21;
	p1 =	sne.s32 s1, $0x130  }
.Ltmp5:
0x46: {  	s1 =	sadd.s32 $0x10, s1;
	(pc) =	sbr.rel @p1 .LBB2_14-.Ltmp5, $2  }
0x47: {  	_ =	sdelay $0x2  }
0x48: {  	s21 =	sadd.s32 $0x100, s21;
	s31 =	sadd.s32 s9, s8  }
0x49: {  	[hbm4b:s31+s2] =	stream.linear.scatter [tilespmem:s0], [sflag:$0x1], $0x80, $0x38;
	[tilespmem:$0x13880] =	vst v63  }
0x4a: {  	_ =	swait.ge [sflag:s20], $0xA00  }
0x4b: {  	s1 =	simm.s32 $0x0;
	[sflag:s20] =	ssyncset.done $0x0  }
0x4c: {  	s0 =	simm.s32 $0xF000;
	v3 =	vor.u32 s1, v2;
	[sflag:s20] =	ssyncadd.s32 $0xFFFFF600  }
0x4d: {  	s1 =	simm.s32 $0x10;
	[tilespmem:s0+$0x0] =	vst v3  }
.LBB2_16:
0x4e: {  	p1 =	sne.s32 s1, $0x1DF0  }
.Ltmp6:
0x4f: {  	_ = 	snop;
	(pc) =	sbr.rel @p1 .LBB2_16-.Ltmp6, $3  }
0x50: {  	_ =	sdelay $0x1  }
0x51: {  	v3 =	vor.u32 s1, v2;
	s1 =	sadd.s32 $0x10, s1;
	s0 =	sadd.s32 $0x10, s0  }
0x52: {  	[tilespmem:s0+$0x0] =	vst v3  }
0x53: {  	s1 =	simm.s32 $0x0;
	s0 =	simm.s32 $0xF000;
	s9 =	rddreg [dreg:$0x5]  }
0x54: {  	[hbm4b:s9+s1] =	stream.linear.scatter [tilespmem:s0], [sflag:$0x1], $0x1E00, $0x38;
	[tilespmem:$0x13880] =	vst v63  }
0x55: {  	v3 =	vor.u32 s1, v2;
	_ =	swait.ge [sflag:s20], $0x1E00  }
0x56: {  	v3 =	vand.u32 $0x3FF, v3;
	[sflag:s20] =	ssyncset.done $0x0  }
0x57: {  	v3 =	vadd.s32 $0x2710, v3;
	[sflag:s20] =	ssyncadd.s32 $0xFFFFE200  }
0x58: {  	s1 =	simm.s32 $0x10;
	[tilespmem:s0+$0x0] =	vst v3  }
.LBB2_18:
0x59: {  	p1 =	sne.s32 s1, $0x1DF0  }
.Ltmp7:
0x5a: {  	_ = 	snop;
	(pc) =	sbr.rel @p1 .LBB2_18-.Ltmp7, $4  }
0x5b: {  	v3 =	vor.u32 s1, v2  }
0x5c: {  	v3 =	vand.u32 $0x3FF, v3  }
0x5d: {  	s0 =	sadd.s32 $0x10, s0;
	v3 =	vadd.s32 $0x2710, v3  }
0x5e: {  	s1 =	sadd.s32 $0x10, s1;
	[tilespmem:s0+$0x0] =	vst v3  }
.Ltmp8:
0x5f: {  	s0 =	simm.s32 $0xF000;
	(pc) =	sbr.rel .LBB2_20-.Ltmp8, $4  }
0x60: {  	[hbm4b:s10+s2] =	stream.linear.scatter [tilespmem:s0], [sflag:$0x1], $0x1E00, $0x38;
	[tilespmem:$0x13880] =	vst v63  }
0x61: {  	_ =	swait.ge [sflag:s20], $0x1E00  }
0x62: {  	[sflag:s20] =	ssyncset.done $0x0  }
0x63: {  	[sflag:s20] =	ssyncadd.s32 $0xFFFFE200  }
.LBB2_6:
0x64: {  	s31 =	sadd.s32 $0x0, s5;
	s21 =	simm.s32 $0xA100  }
.LBB2_7:
0x65: {  	[hbm4b:s31+s2] =	stream.linear.scatter [tilespmem:s0], [sflag:$0x1], $0x80, $0x38;
	[tilespmem:$0x13880] =	vst v63  }
0x66: {  	s9 =	smov.u32 s1;
	s0 =	smov.u32 s21;
	p1 =	sne.s32 s1, $0x4F0  }
.Ltmp9:
0x67: {  	s1 =	sadd.s32 $0x10, s1;
	(pc) =	sbr.rel @p1 .LBB2_7-.Ltmp9, $2  }
0x68: {  	_ =	sdelay $0x2  }
0x69: {  	s21 =	sadd.s32 $0x100, s21;
	s31 =	sadd.s32 s9, s5  }
0x6a: {  	[hbm4b:s31+s2] =	stream.linear.scatter [tilespmem:s0], [sflag:$0x1], $0x80, $0x38;
	[tilespmem:$0x13880] =	vst v63  }
0x6b: {  	_ =	swait.ge [sflag:s20], $0x2800  }
0x6c: {  	s0 =	simm.s32 $0xA080;
	s1 =	simm.s32 $0x10;
	[sflag:s20] =	ssyncset.done $0x0  }
0x6d: {  	s31 =	sadd.s32 $0x0, s6;
	s21 =	simm.s32 $0xA180;
	[sflag:s20] =	ssyncadd.s32 $0xFFFFD800  }
.LBB2_9:
0x6e: {  	[hbm4b:s31+s2] =	stream.linear.scatter [tilespmem:s0], [sflag:$0x1], $0x80, $0x38;
	[tilespmem:$0x13880] =	vst v63  }
0x6f: {  	s9 =	smov.u32 s1;
	s0 =	smov.u32 s21;
	p1 =	sne.s32 s1, $0x4F0  }
.Ltmp10:
0x70: {  	s1 =	sadd.s32 $0x10, s1;
	(pc) =	sbr.rel @p1 .LBB2_9-.Ltmp10, $2  }
0x71: {  	_ =	sdelay $0x2  }
0x72: {  	s21 =	sadd.s32 $0x100, s21;
	s31 =	sadd.s32 s9, s6  }
0x73: {  	[hbm4b:s31+s2] =	stream.linear.scatter [tilespmem:s0], [sflag:$0x1], $0x80, $0x38;
	[tilespmem:$0x13880] =	vst v63  }
0x74: {  	_ =	swait.ge [sflag:s20], $0x2800  }
0x75: {  	[sflag:s20] =	ssyncset.done $0x0  }
0x76: {  	[sflag:s20] =	ssyncadd.s32 $0xFFFFD800  }
.LBB2_20:
0x77: {  	[spmem:s11] =	stream.strided.scatter [tilespmem:s18], [sflag:$0x1], $0x2800, s23, s22, $0x38;
	[tilespmem:$0x13880] =	vst v63  }
0x78: {  	_ =	swait.ge [sflag:s20], $0x2800  }
0x79: {  	[sflag:s20] =	ssyncset.done $0x0  }
0x7a: {  	[sflag:s20] =	ssyncadd.s32 $0xFFFFD800  }
0x7b: {  	[spmem:s13] =	stream.strided.scatter [tilespmem:s19], [sflag:$0x1], $0x2800, s23, s22, $0x38;
	[tilespmem:$0x13880] =	vst v63  }
0x7c: {  	_ =	swait.ge [sflag:s20], $0x2800  }
0x7d: {  	[sflag:s20] =	ssyncset.done $0x0  }
0x7e: {  	[sflag:s20] =	ssyncadd.s32 $0xFFFFD800  }
0x7f: {  	s0 =	simm.s32 $0x0;
	[bflag:$0x0] =	sbarrier.arrive $0xFFFF  }
0x80: {  	[tilespmem:s26], [sflag:$0x1] =	stream.strided.gather [spmem:s12], $0x2800, s25, s24, $0x38;
	[tilespmem:$0x13880] =	vst v63  }
0x81: {  	s1 =	sand.u32 $0x70, s0;
	s0 =	sand.u32 $0x1C00, s0;
	_ =	swait.ge [sflag:s20], $0x2800  }
0x82: {  	s0 =	sor.u32 s1, s0;
	[sflag:s20] =	ssyncset.done $0x0  }
0x83: {  	s1 =	sadd.s32 $0x10E00, s0;
	[sflag:s20] =	ssyncadd.s32 $0xFFFFD800  }
0x84: {  	v3 =	vld [tilespmem:s1+$0x80]  }
0x85: {  	v4 =	vld [tilespmem:s0+$0x10E00];
	_ =	sdelay $0x1  }
0x86: {  	v5 =	vld [tilespmem:s1+$0x100];
	_ =	sdelay $0x1  }
0x87: {  	v6 =	vld [tilespmem:s1+$0x180]  }
0x88: {  	v3 =	vadd.f32 v3, v4  }
0x89: {  	v4 =	vld [tilespmem:s1+$0x200]  }
0x8a: {  	v3 =	vadd.f32 v5, v3  }
0x8b: {  	v5 =	vld [tilespmem:s1+$0x280]  }
0x8c: {  	v3 =	vadd.f32 v6, v3  }
0x8d: {  	v60 =	vld [tilespmem:s1+$0x300]  }
0x8e: {  	v3 =	vadd.f32 v4, v3  }
0x8f: {  	v4 =	vld [tilespmem:s1+$0x380]  }
0x90: {  	v3 =	vadd.f32 v5, v3  }
0x91: {  	v5 =	vld [tilespmem:s0+$0x12200]  }
0x92: {  	v3 =	vadd.f32 v60, v3  }
0x93: {  	v61 =	vld [tilespmem:s0+$0x12280]  }
0x94: {  	v3 =	vadd.f32 v4, v3  }
0x95: {  	v4 =	vld [tilespmem:s0+$0x12300]  }
0x96: {  	v3 =	vadd.f32 v5, v3  }
0x97: {  	v5 =	vld [tilespmem:s0+$0x12380]  }
0x98: {  	v3 =	vadd.f32 v61, v3  }
0x99: {  	v62 =	vld [tilespmem:s0+$0x12400]  }
0x9a: {  	v3 =	vadd.f32 v4, v3  }
0x9b: {  	v4 =	vld [tilespmem:s0+$0x12480]  }
0x9c: {  	v3 =	vadd.f32 v5, v3  }
0x9d: {  	v5 =	vld [tilespmem:s0+$0x12500]  }
0x9e: {  	v3 =	vadd.f32 v62, v3  }
0x9f: {  	v63 =	vld [tilespmem:s0+$0x12580]  }
0xa0: {  	v3 =	vadd.f32 v4, v3;
	_ =	sdelay $0x1  }
0xa1: {  	v3 =	vadd.f32 v5, v3  }
0xa2: {  	s21 =	simm.s32 $0x10;
	s1 =	simm.s32 $0x80  }
0xa3: {  	s9 =	sand.u32 $0x1C00, s1;
	s0 =	sand.u32 $0x70, s21;
	v3 =	vadd.f32 v63, v3  }
0xa4: {  	s31 =	simm.s32 $0x13600;
	s21 =	simm.s32 $0x20;
	s0 =	sor.u32 s0, s9  }
.LBB2_21:
0xa5: {  	p1 =	sne.s32 s21, $0x270;
	s9 =	sadd.s32 $0x10E00, s0;
	[tilespmem:s31+$0x0] =	vst v3  }
0xa6: {  	v3 =	vld [tilespmem:s9+$0x80]  }
0xa7: {  	v4 =	vld [tilespmem:s0+$0x10E00];
	_ =	sdelay $0x1  }
0xa8: {  	v5 =	vld [tilespmem:s9+$0x100];
	_ =	sdelay $0x1  }
0xa9: {  	v6 =	vld [tilespmem:s9+$0x180]  }
0xaa: {  	v3 =	vadd.f32 v3, v4  }
0xab: {  	v4 =	vld [tilespmem:s9+$0x200]  }
0xac: {  	v3 =	vadd.f32 v5, v3  }
0xad: {  	v5 =	vld [tilespmem:s9+$0x280]  }
0xae: {  	v3 =	vadd.f32 v6, v3  }
0xaf: {  	v6 =	vld [tilespmem:s9+$0x300]  }
0xb0: {  	v3 =	vadd.f32 v4, v3  }
0xb1: {  	v4 =	vld [tilespmem:s9+$0x380]  }
0xb2: {  	v3 =	vadd.f32 v5, v3  }
0xb3: {  	v5 =	vld [tilespmem:s0+$0x12200]  }
0xb4: {  	v3 =	vadd.f32 v6, v3  }
0xb5: {  	v6 =	vld [tilespmem:s0+$0x12280]  }
0xb6: {  	v3 =	vadd.f32 v4, v3  }
0xb7: {  	v4 =	vld [tilespmem:s0+$0x12300]  }
0xb8: {  	v3 =	vadd.f32 v5, v3  }
0xb9: {  	v5 =	vld [tilespmem:s0+$0x12380]  }
0xba: {  	v3 =	vadd.f32 v6, v3  }
0xbb: {  	v6 =	vld [tilespmem:s0+$0x12400]  }
0xbc: {  	v3 =	vadd.f32 v4, v3  }
0xbd: {  	v4 =	vld [tilespmem:s0+$0x12480]  }
0xbe: {  	v3 =	vadd.f32 v5, v3  }
0xbf: {  	v5 =	vld [tilespmem:s0+$0x12500]  }
0xc0: {  	v3 =	vadd.f32 v6, v3  }
0xc1: {  	v6 =	vld [tilespmem:s0+$0x12580]  }
0xc2: {  	v3 =	vadd.f32 v4, v3  }
.Ltmp11:
0xc3: {  	(pc) =	sbr.rel @p1 .LBB2_21-.Ltmp11, $4  }
0xc4: {  	v3 =	vadd.f32 v5, v3  }
0xc5: {  	s1 =	sadd.s32 $0x80, s1  }
0xc6: {  	s9 =	sand.u32 $0x1C00, s1;
	s0 =	sand.u32 $0x70, s21;
	v3 =	vadd.f32 v6, v3  }
0xc7: {  	s31 =	sadd.s32 $0x10, s31;
	s21 =	sadd.s32 $0x10, s21;
	s0 =	sor.u32 s0, s9  }
0xc8: {  	s1 =	sadd.s32 $0x10E00, s0;
	[tilespmem:s31+$0x0] =	vst v3  }
0xc9: {  	v3 =	vld [tilespmem:s1+$0x80]  }
0xca: {  	v4 =	vld [tilespmem:s0+$0x10E00];
	_ =	sdelay $0x1  }
0xcb: {  	v5 =	vld [tilespmem:s1+$0x100];
	_ =	sdelay $0x1  }
0xcc: {  	v6 =	vld [tilespmem:s1+$0x180]  }
0xcd: {  	v3 =	vadd.f32 v3, v4  }
0xce: {  	v4 =	vld [tilespmem:s1+$0x200]  }
0xcf: {  	v3 =	vadd.f32 v5, v3  }
0xd0: {  	v5 =	vld [tilespmem:s1+$0x280]  }
0xd1: {  	v3 =	vadd.f32 v6, v3  }
0xd2: {  	v55 =	vld [tilespmem:s1+$0x300]  }
0xd3: {  	v3 =	vadd.f32 v4, v3  }
0xd4: {  	v4 =	vld [tilespmem:s1+$0x380]  }
0xd5: {  	v3 =	vadd.f32 v5, v3  }
0xd6: {  	v5 =	vld [tilespmem:s0+$0x12200]  }
0xd7: {  	v3 =	vadd.f32 v55, v3  }
0xd8: {  	v56 =	vld [tilespmem:s0+$0x12280]  }
0xd9: {  	v3 =	vadd.f32 v4, v3  }
0xda: {  	v4 =	vld [tilespmem:s0+$0x12300]  }
0xdb: {  	v3 =	vadd.f32 v5, v3  }
0xdc: {  	v5 =	vld [tilespmem:s0+$0x12380]  }
0xdd: {  	v3 =	vadd.f32 v56, v3  }
0xde: {  	v57 =	vld [tilespmem:s0+$0x12400]  }
0xdf: {  	v3 =	vadd.f32 v4, v3  }
0xe0: {  	v4 =	vld [tilespmem:s0+$0x12480]  }
0xe1: {  	v3 =	vadd.f32 v5, v3  }
0xe2: {  	v5 =	vld [tilespmem:s0+$0x12500]  }
0xe3: {  	v3 =	vadd.f32 v57, v3  }
0xe4: {  	v58 =	vld [tilespmem:s0+$0x12580]  }
0xe5: {  	v3 =	vadd.f32 v4, v3;
	_ =	sdelay $0x1  }
0xe6: {  	v3 =	vadd.f32 v5, v3;
	_ =	sdelay $0x1  }
0xe7: {  	v3 =	vadd.f32 v58, v3  }
0xe8: {  	s21 =	sadd.s32 $0x10, s31  }
0xe9: {  	s31 =	simm.s32 $0x13600;
	[tilespmem:s21+$0x0] =	vst v3  }
0xea: {  	[hbm4b:s14+s22] =	stream.strided.scatter [tilespmem:s31], [sflag:$0x1], $0x280, s28, s22, $0x38;
	[tilespmem:$0x13880] =	vst v63  }
0xeb: {  	_ =	swait.ge [sflag:s20], $0x280  }
0xec: {  	[sflag:s20] =	ssyncset.done $0x0  }
0xed: {  	s1 =	simm.s32 $0x0;
	[sflag:s20] =	ssyncadd.s32 $0xFFFFFD80  }
0xee: {  	[tilespmem:s26], [sflag:$0x1] =	stream.strided.gather [spmem:s15], $0x2800, s25, s24, $0x38;
	[tilespmem:$0x13880] =	vst v63  }
0xef: {  	s9 =	sand.u32 $0x70, s1;
	s0 =	sand.u32 $0x1C00, s1;
	_ =	swait.ge [sflag:s20], $0x2800  }
0xf0: {  	s0 =	sor.u32 s9, s0;
	[sflag:s20] =	ssyncset.done $0x0  }
0xf1: {  	s1 =	sadd.s32 $0x10E00, s0;
	[sflag:s20] =	ssyncadd.s32 $0xFFFFD800  }
0xf2: {  	v3 =	vld [tilespmem:s1+$0x80]  }
0xf3: {  	v4 =	vld [tilespmem:s0+$0x10E00];
	_ =	sdelay $0x1  }
0xf4: {  	v5 =	vld [tilespmem:s1+$0x100];
	_ =	sdelay $0x1  }
0xf5: {  	v59 =	vld [tilespmem:s1+$0x180]  }
0xf6: {  	v3 =	vadd.f32 v3, v4  }
0xf7: {  	v4 =	vld [tilespmem:s1+$0x200]  }
0xf8: {  	v3 =	vadd.f32 v5, v3  }
0xf9: {  	v5 =	vld [tilespmem:s1+$0x280]  }
0xfa: {  	v3 =	vadd.f32 v59, v3  }
0xfb: {  	v60 =	vld [tilespmem:s1+$0x300]  }
0xfc: {  	v3 =	vadd.f32 v4, v3  }
0xfd: {  	v4 =	vld [tilespmem:s1+$0x380]  }
0xfe: {  	v3 =	vadd.f32 v5, v3  }
0xff: {  	v5 =	vld [tilespmem:s0+$0x12200]  }
0x100: {  	v3 =	vadd.f32 v60, v3  }
0x101: {  	v61 =	vld [tilespmem:s0+$0x12280]  }
0x102: {  	v3 =	vadd.f32 v4, v3  }
0x103: {  	v4 =	vld [tilespmem:s0+$0x12300]  }
0x104: {  	v3 =	vadd.f32 v5, v3  }
0x105: {  	v5 =	vld [tilespmem:s0+$0x12380]  }
0x106: {  	v3 =	vadd.f32 v61, v3  }
0x107: {  	v62 =	vld [tilespmem:s0+$0x12400]  }
0x108: {  	v3 =	vadd.f32 v4, v3  }
0x109: {  	v4 =	vld [tilespmem:s0+$0x12480]  }
0x10a: {  	v3 =	vadd.f32 v5, v3  }
0x10b: {  	v5 =	vld [tilespmem:s0+$0x12500]  }
0x10c: {  	v3 =	vadd.f32 v62, v3  }
0x10d: {  	v63 =	vld [tilespmem:s0+$0x12580]  }
0x10e: {  	v3 =	vadd.f32 v4, v3;
	_ =	sdelay $0x1  }
0x10f: {  	v3 =	vadd.f32 v5, v3  }
0x110: {  	s21 =	simm.s32 $0x10;
	s1 =	simm.s32 $0x80  }
0x111: {  	s9 =	sand.u32 $0x1C00, s1;
	s0 =	sand.u32 $0x70, s21;
	v3 =	vadd.f32 v63, v3  }
0x112: {  	s21 =	simm.s32 $0x20;
	s0 =	sor.u32 s0, s9  }
.LBB2_23:
0x113: {  	p1 =	sne.s32 s21, $0x270;
	s9 =	sadd.s32 $0x10E00, s0;
	[tilespmem:s31+$0x0] =	vst v3  }
0x114: {  	v3 =	vld [tilespmem:s9+$0x80]  }
0x115: {  	v4 =	vld [tilespmem:s0+$0x10E00];
	_ =	sdelay $0x1  }
0x116: {  	v5 =	vld [tilespmem:s9+$0x100];
	_ =	sdelay $0x1  }
0x117: {  	v6 =	vld [tilespmem:s9+$0x180]  }
0x118: {  	v3 =	vadd.f32 v3, v4  }
0x119: {  	v4 =	vld [tilespmem:s9+$0x200]  }
0x11a: {  	v3 =	vadd.f32 v5, v3  }
0x11b: {  	v5 =	vld [tilespmem:s9+$0x280]  }
0x11c: {  	v3 =	vadd.f32 v6, v3  }
0x11d: {  	v6 =	vld [tilespmem:s9+$0x300]  }
0x11e: {  	v3 =	vadd.f32 v4, v3  }
0x11f: {  	v4 =	vld [tilespmem:s9+$0x380]  }
0x120: {  	v3 =	vadd.f32 v5, v3  }
0x121: {  	v5 =	vld [tilespmem:s0+$0x12200]  }
0x122: {  	v3 =	vadd.f32 v6, v3  }
0x123: {  	v6 =	vld [tilespmem:s0+$0x12280]  }
0x124: {  	v3 =	vadd.f32 v4, v3  }
0x125: {  	v4 =	vld [tilespmem:s0+$0x12300]  }
0x126: {  	v3 =	vadd.f32 v5, v3  }
0x127: {  	v5 =	vld [tilespmem:s0+$0x12380]  }
0x128: {  	v3 =	vadd.f32 v6, v3  }
0x129: {  	v6 =	vld [tilespmem:s0+$0x12400]  }
0x12a: {  	v3 =	vadd.f32 v4, v3  }
0x12b: {  	v4 =	vld [tilespmem:s0+$0x12480]  }
0x12c: {  	v3 =	vadd.f32 v5, v3  }
0x12d: {  	v5 =	vld [tilespmem:s0+$0x12500]  }
0x12e: {  	v3 =	vadd.f32 v6, v3  }
0x12f: {  	v6 =	vld [tilespmem:s0+$0x12580]  }
0x130: {  	v3 =	vadd.f32 v4, v3  }
.Ltmp12:
0x131: {  	(pc) =	sbr.rel @p1 .LBB2_23-.Ltmp12, $4  }
0x132: {  	v3 =	vadd.f32 v5, v3  }
0x133: {  	s1 =	sadd.s32 $0x80, s1  }
0x134: {  	s9 =	sand.u32 $0x1C00, s1;
	s0 =	sand.u32 $0x70, s21;
	v3 =	vadd.f32 v6, v3  }
0x135: {  	s31 =	sadd.s32 $0x10, s31;
	s21 =	sadd.s32 $0x10, s21;
	s0 =	sor.u32 s0, s9  }
0x136: {  	s1 =	sadd.s32 $0x10E00, s0;
	[tilespmem:s31+$0x0] =	vst v3  }
0x137: {  	v3 =	vld [tilespmem:s1+$0x80]  }
0x138: {  	v4 =	vld [tilespmem:s0+$0x10E00];
	_ =	sdelay $0x1  }
0x139: {  	v5 =	vld [tilespmem:s1+$0x100];
	_ =	sdelay $0x1  }
0x13a: {  	v6 =	vld [tilespmem:s1+$0x180]  }
0x13b: {  	v3 =	vadd.f32 v3, v4  }
0x13c: {  	v52 =	vld [tilespmem:s1+$0x200]  }
0x13d: {  	v3 =	vadd.f32 v5, v3  }
0x13e: {  	v53 =	vld [tilespmem:s1+$0x280]  }
0x13f: {  	v3 =	vadd.f32 v6, v3  }
0x140: {  	v54 =	vld [tilespmem:s1+$0x300]  }
0x141: {  	v3 =	vadd.f32 v52, v3  }
0x142: {  	v55 =	vld [tilespmem:s1+$0x380]  }
0x143: {  	v3 =	vadd.f32 v53, v3  }
0x144: {  	v56 =	vld [tilespmem:s0+$0x12200]  }
0x145: {  	v3 =	vadd.f32 v54, v3  }
0x146: {  	v57 =	vld [tilespmem:s0+$0x12280]  }
0x147: {  	v3 =	vadd.f32 v55, v3  }
0x148: {  	v58 =	vld [tilespmem:s0+$0x12300]  }
0x149: {  	v3 =	vadd.f32 v56, v3  }
0x14a: {  	v59 =	vld [tilespmem:s0+$0x12380]  }
0x14b: {  	v3 =	vadd.f32 v57, v3  }
0x14c: {  	v60 =	vld [tilespmem:s0+$0x12400]  }
0x14d: {  	v3 =	vadd.f32 v58, v3  }
0x14e: {  	v61 =	vld [tilespmem:s0+$0x12480]  }
0x14f: {  	v3 =	vadd.f32 v59, v3  }
0x150: {  	v62 =	vld [tilespmem:s0+$0x12500]  }
0x151: {  	v3 =	vadd.f32 v60, v3  }
0x152: {  	v63 =	vld [tilespmem:s0+$0x12580]  }
0x153: {  	v3 =	vadd.f32 v61, v3;
	_ =	sdelay $0x1  }
0x154: {  	v3 =	vadd.f32 v62, v3;
	_ =	sdelay $0x1  }
0x155: {  	s30 =	sadd.s32 $0x1, s30;
	v3 =	vadd.f32 v63, v3  }
0x156: {  	s31 =	sadd.s32 $0x10, s31;
	p1 =	sne.s32 s30, s17  }
.Ltmp13:
0x157: {  	[tilespmem:s31+$0x0] =	vst v3;
	(pc) =	sbr.rel @p1 .LBB2_1-.Ltmp13, $4  }
0x158: {  	[hbm4b:s16+s22] =	stream.strided.scatter [tilespmem:s29], [sflag:$0x1], $0x280, s28, s22, $0x38;
	[tilespmem:$0x13880] =	vst v63  }
0x159: {  	_ =	swait.ge [sflag:s20], $0x280  }
0x15a: {  	[sflag:s20] =	ssyncset.done $0x0  }
0x15b: {  	[sflag:s20] =	ssyncadd.s32 $0xFFFFFD80  }
0x15c: {  	_ =	sfence.sel $0x180000  }
0x15d: {  	[bflag:$0x0] =	sbarrier.arrive $0xFFFF  }
0x15e: {  	_ =	strace $0x90000047  }
0x15f: {  	s0 =	stileid.u32;
	[bflag:$0x2] =	sbarrier.arrive $0xFFFF  }
0x160: {  	p0 =	sne.s32 s0, $0x0;
	s0 =	rddreg [dreg:$0x4]  }
0x161: {  	s0 =	sadd.s32 @!p0 $0x100000, s0  }
0x162: {  	[sflag:s0] =	ssyncadd.tile.s32 @!p0 $0x1;
	_ =	shalt  }
.Lfunc_end2:
_tile_overlayer_lowered:
.L_overlay_start_2:
0x163: {  	(tag) =	ssettag $0x2  }
0x164: {  	s0 =	rddreg [dreg:$0x0];
	s2 =	stileid.u32  }
0x165: {  	s1 =	rddreg [dreg:$0x1];
	p0 =	sne.s32 s2, $0x0  }
0x166: {  	s3 =	rddreg [dreg:$0x2];
	[bflag:$0x3] =	sbarrier.arrive $0xFFFF;
	s2 =	simm.s32 @!p0 $0x1C01  }
0x167: {  	[timem:s3], [sflag:s2] =	dma.local @!p0 [hbm:s0], s1  }
0x168: {  	s0 =	simm.s32 @!p0 $0x1  }
0x169: {  	_ =	swait.ge @!p0 [sflag:s0], s1  }
0x16a: {  	s1 =	ssub.s32 @!p0 $0x0, s1;
	[sflag:s0] =	ssyncset.done @!p0 $0x0  }
0x16b: {  	[sflag:s0] =	ssyncadd.s32 @!p0 s1  }
0x16c: {  	[bflag:$0x3] =	sbarrier.arrive $0xFFFF  }
0x16d: {  	_ =	shalt  }

</sc_bundles>
